<compile_context>
chip_gen: v7x
topology: tpu7x:2x2x1
jax: 0.10.2.dev20260603
libtpu: 0.0.44.dev20260713+nightly
codegen_flags: <defaults>
</compile_context>

<pallas_src>
import functools
import jax
import jax.numpy as jnp
from jax import lax
from jax.experimental import pallas as pl
from jax.experimental.pallas import tpu as pltpu
from jax.experimental.pallas import tpu_sc as plsc

N = 10000
D = 256
H = 128
E = 160000
NC = 2
NS = 16
CHUNK = 128
NCH = 80
NCHD = 40
E_PAD = NS * NCH * CHUNK
NACC = 10112
ZR = NACC // NS
WB = ZR
NBUF = 2
ROWB = 1024


@functools.cache
def _mesh():
    return plsc.VectorSubcoreMesh(
        core_axis_name="c", subcore_axis_name="s",
        num_cores=NC, num_subcores=NS)


NW = NC * NS
EPW = E_PAD // NW


def _deg_body(dstp_w, out, didx, hist):
    c = lax.axis_index("c")
    s = lax.axis_index("s")
    w = c * NS + s
    zv = jnp.zeros((16,), jnp.float32)

    def zero(i, carry):
        hist[pl.ds(i * 16, 16)] = zv
        return carry

    lax.fori_loop(0, NACC // 16, zero, 0)
    pltpu.sync_copy(dstp_w.at[w], didx)
    ones = jnp.ones((16,), jnp.float32)

    def step(g, carry):
        iv = didx[pl.ds(g * 16, 16)]
        plsc.addupdate_scatter(hist, [iv], ones)
        return carry

    lax.fori_loop(0, EPW // 16, step, 0)
    pltpu.sync_copy(hist, out.at[w])


@functools.cache
def _deg_call():
    return functools.partial(
        pl.kernel,
        out_type=jax.ShapeDtypeStruct((NW, NACC), jnp.float32),
        mesh=_mesh(),
        compiler_params=pltpu.CompilerParams(needs_layout_passes=False),
        scratch_types=[
            pltpu.VMEM((EPW,), jnp.int32),
            pltpu.VMEM((NACC,), jnp.float32),
        ],
    )(_deg_body)


def _scat_body(ys, srcp2, dstp_s, out, sb0, sb1, didx,
               rows0, rows1, acc, i0, i1, g0, g1, s0, s1):
    c = lax.axis_index("c")
    s = lax.axis_index("s")
    w = c * NS + s
    rows = (rows0, rows1)
    sb = (sb0, sb1)
    isem = (i0, i1)
    gsem = (g0, g1)
    ssem = (s0, s1)

    zv = jnp.zeros((16,), jnp.float32)

    def zrow(i, carry):
        for j in range(H // 16):
            rows0[i, pl.ds(j * 16, 16)] = zv
        return carry

    lax.fori_loop(0, CHUNK, zrow, 0)
    for j in range(4):
        pltpu.sync_copy(rows0, acc.at[pl.ds(s * ZR + j * CHUNK, CHUNK)])
    pltpu.sync_copy(rows0.at[pl.ds(0, ZR - 4 * CHUNK)],
                    acc.at[pl.ds(s * ZR + 4 * CHUNK, ZR - 4 * CHUNK)])

    pltpu.sync_copy(dstp_s.at[s], didx)
    plsc.subcore_barrier()

    for b in range(2):
        pltpu.async_copy(srcp2.at[w, b], sb[b], isem[b])

    hdummy = ys.at[pl.ds(0, CHUNK)]

    def pair(q, carry):
        k0 = q * 2
        for b in range(2):
            k = k0 + b
            pltpu.make_async_copy(srcp2.at[w, 0], sb[b], isem[b]).wait()
            pltpu.make_async_copy(hdummy, rows[b], ssem[b]).wait()
            pltpu.async_copy(ys.at[sb[b]], rows[b], gsem[b])
            pltpu.make_async_copy(hdummy, rows[b], gsem[b]).wait()
            pltpu.async_copy(rows[b], acc.at[didx.at[k]], ssem[b], add=True)
            nk = k + 2
            nk = jnp.where(nk < NCH, nk, 0)
            pltpu.async_copy(srcp2.at[w, nk], sb[b], isem[b])
        return carry

    for b in range(2):
        pltpu.async_copy(hdummy, rows[b], ssem[b])
    lax.fori_loop(0, NCH // 2, pair, 0)
    for b in range(2):
        pltpu.make_async_copy(hdummy, rows[b], ssem[b]).wait()
        pltpu.make_async_copy(srcp2.at[w, 0], sb[b], isem[b]).wait()
    plsc.subcore_barrier()
    pltpu.sync_copy(acc.at[pl.ds(s * WB, WB)],
                    out.at[pl.ds(c * NACC + s * WB, WB)])


@functools.cache
def _scat_call():
    return functools.partial(
        pl.kernel,
        out_type=jax.ShapeDtypeStruct((NC * NACC, H), jnp.float32),
        mesh=_mesh(),
        scratch_types=[
            pltpu.VMEM((CHUNK,), jnp.int32),
            pltpu.VMEM((CHUNK,), jnp.int32),
            pltpu.VMEM((NCH, CHUNK), jnp.int32),
            pltpu.VMEM((CHUNK, H), jnp.float32),
            pltpu.VMEM((CHUNK, H), jnp.float32),
            pltpu.VMEM_SHARED((NACC, H), jnp.float32),
            pltpu.SemaphoreType.DMA,
            pltpu.SemaphoreType.DMA,
            pltpu.SemaphoreType.DMA,
            pltpu.SemaphoreType.DMA,
            pltpu.SemaphoreType.DMA,
            pltpu.SemaphoreType.DMA,
        ],
    )(_scat_body)


def _dinv(p_ref):
    colsum = lax.dot_general(p_ref[...], jnp.ones((NW, 1), jnp.float32),
                             (((0,), (0,)), ((), ())),
                             preferred_element_type=jnp.float32)
    return lax.rsqrt(colsum + 1.0)


def _mm_body(x_ref, w_ref, p0_ref, y2_ref):
    dinv = _dinv(p0_ref)
    y = jnp.dot(x_ref[...], w_ref[...], preferred_element_type=jnp.float32)
    y = y * dinv
    y2_ref[0] = y[:, :H]
    y2_ref[1] = y[:, H:]


def _mm(x, w, p0):
    grid = (pl.cdiv(N, ROWB),)
    return pl.pallas_call(
        _mm_body,
        grid=grid,
        in_specs=[
            pl.BlockSpec((ROWB, D), lambda i: (i, 0)),
            pl.BlockSpec((D, D), lambda i: (0, 0)),
            pl.BlockSpec((NW, ROWB), lambda i: (0, i)),
        ],
        out_specs=pl.BlockSpec((NC, ROWB, H), lambda i: (0, i, 0)),
        out_shape=jax.ShapeDtypeStruct((NC, N, H), jnp.float32),
    )(x, w, p0)


def _comb_body(a0_ref, a1_ref, y2_ref, p0_ref, b_ref, o_ref):
    dinv = _dinv(p0_ref)
    z0 = dinv * (a0_ref[...] + y2_ref[0]) + b_ref[:, :H]
    z1 = dinv * (a1_ref[...] + y2_ref[1]) + b_ref[:, H:]
    o_ref[:, :H] = jnp.maximum(z0, 0.0)
    o_ref[:, H:] = jnp.maximum(z1, 0.0)


def _comb(a0, a1, y2, p0, b2d):
    grid = (pl.cdiv(N, ROWB),)
    return pl.pallas_call(
        _comb_body,
        grid=grid,
        in_specs=[
            pl.BlockSpec((ROWB, H), lambda i: (i, 0)),
            pl.BlockSpec((ROWB, H), lambda i: (i, 0)),
            pl.BlockSpec((NC, ROWB, H), lambda i: (0, i, 0)),
            pl.BlockSpec((NW, ROWB), lambda i: (0, i)),
            pl.BlockSpec((1, D), lambda i: (0, 0)),
        ],
        out_specs=pl.BlockSpec((ROWB, D), lambda i: (i, 0)),
        out_shape=jax.ShapeDtypeStruct((N, D), jnp.float32),
    )(a0, a1, y2, p0, b2d)


def _fuse_body(a0_ref, a1_ref, y2_ref, p0_ref, b_ref, w_ref, y2o_ref):
    dinv = _dinv(p0_ref)
    z0 = dinv * (a0_ref[...] + y2_ref[0]) + b_ref[:, :H]
    z1 = dinv * (a1_ref[...] + y2_ref[1]) + b_ref[:, H:]
    z = jnp.concatenate([jnp.maximum(z0, 0.0), jnp.maximum(z1, 0.0)], axis=1)
    y = jnp.dot(z, w_ref[...], preferred_element_type=jnp.float32) * dinv
    y2o_ref[0] = y[:, :H]
    y2o_ref[1] = y[:, H:]


def _fuse(a0, a1, y2, p0, b2d, w):
    grid = (pl.cdiv(N, ROWB),)
    return pl.pallas_call(
        _fuse_body,
        grid=grid,
        in_specs=[
            pl.BlockSpec((ROWB, H), lambda i: (i, 0)),
            pl.BlockSpec((ROWB, H), lambda i: (i, 0)),
            pl.BlockSpec((NC, ROWB, H), lambda i: (0, i, 0)),
            pl.BlockSpec((NW, ROWB), lambda i: (0, i)),
            pl.BlockSpec((1, D), lambda i: (0, 0)),
            pl.BlockSpec((D, D), lambda i: (0, 0)),
        ],
        out_specs=pl.BlockSpec((NC, ROWB, H), lambda i: (0, i, 0)),
        out_shape=jax.ShapeDtypeStruct((NC, N, H), jnp.float32),
    )(a0, a1, y2, p0, b2d, w)



def kernel(edge_index, edge_label_index, W0, b0, W1, b1, W2, b2):
    x = edge_index
    src = edge_label_index[0]
    dst = edge_label_index[1]
    pad = E_PAD - E
    srcp = jnp.concatenate([src, jnp.zeros((pad,), jnp.int32)])
    dstp = jnp.concatenate([dst, jnp.full((pad,), N, jnp.int32)])
    srcp2 = jnp.stack([srcp, srcp + N]).reshape(NC * NS, NCH, CHUNK)
    dstp_s = dstp.reshape(NS, NCH, CHUNK)

    p0 = _deg_call()(dstp.reshape(NW, EPW))

    y2 = _mm(x, W0, p0)
    for b, Wn in ((b0, W1), (b1, W2)):
        sc = _scat_call()(y2.reshape(NC * N, H), srcp2, dstp_s)
        y2 = _fuse(sc[:N], sc[NACC:NACC + N], y2, p0, b.reshape(1, D), Wn)
    sc = _scat_call()(y2.reshape(NC * N, H), srcp2, dstp_s)
    return _comb(sc[:N], sc[NACC:NACC + N], y2, p0, b2.reshape(1, D))

# --- scband reference (transcript-rebuilt; emitter-appended) ---
"""Pipeline reference for scband-ngcf-50749333570041 (READ-ONLY COPY).

The authoritative reference and input builder live on the scoring server;
editing this copy changes nothing except your own understanding.
"""

import jax, jax.numpy as jnp
import numpy as np

N = 10000   # number of graph nodes
D = 256     # feature / embedding dim (num_nodes init kwarg is used as in_channels by GCNConv)
E = 160000  # number of edges
L = 3       # num_layers


def _gcn_conv(x, src, dst, W, b, n):
    # PyG GCNConv: linear transform, add self-loops, symmetric deg^-1/2 normalization,
    # scatter-add aggregation to dst, plus bias.
    x = x @ W
    loop = jnp.arange(n, dtype=src.dtype)
    s = jnp.concatenate([src, loop])
    d = jnp.concatenate([dst, loop])
    deg = jnp.zeros((n,), dtype=x.dtype).at[d].add(1.0)
    dinv = 1.0 / jnp.sqrt(deg)
    norm = (dinv[s] * dinv[d])[:, None]
    msg = x[s] * norm
    out = jnp.zeros_like(x).at[d].add(msg)
    return out + b


def setup_inputs(seed: int = 0):
    key = jax.random.key(seed)
    ks = [jax.random.fold_in(key, i) for i in range(8)]
    inp = {}
    # 'edge_index' forward arg actually carries node features in this (buggy) module;
    # we treat it as x: [N, D].
    inp["edge_index"] = jax.random.normal(ks[0], (N, D), dtype=jnp.float32)
    # 'edge_label_index' carries the actual graph edges used for message passing.
    inp["edge_label_index"] = jax.random.randint(ks[1], (2, E), 0, N, dtype=jnp.int32)
    scale = 1.0 / np.sqrt(D)
    for i in range(L):
        inp[f"W{i}"] = jax.random.normal(ks[2 + i], (D, D), dtype=jnp.float32) * scale
        inp[f"b{i}"] = jnp.zeros((D,), dtype=jnp.float32)
    return inp


def reference(edge_index, edge_label_index, W0, b0, W1, b1, W2, b2):
    x = edge_index
    src = edge_label_index[0]
    dst = edge_label_index[1]
    for W, b in ((W0, b0), (W1, b1), (W2, b2)):
        x = _gcn_conv(x, src, dst, W, b, N)
        x = jax.nn.relu(x)
    return x

if __name__ == "__main__":
    import jax
    _d = setup_inputs()
    print(jax.jit(kernel)(*tuple(_d.values())))

</pallas_src>

<mosaic_0001>
#map = affine_map<(d0, d1) -> (0, 0)>
#map1 = affine_map<(d0, d1) -> (0, 0, 0)>
module attributes {stable_mosaic.version = 14 : i64} {
  func.func @_scat_body(%arg0: i32, %arg1: i32, %arg2: memref<20000x128xf32, #tpu.memory_space<hbm>>, %arg3: memref<32x80x128xi32, #tpu.memory_space<hbm>>, %arg4: memref<16x80x128xi32, #tpu.memory_space<hbm>>, %arg5: memref<20224x128xf32, #tpu.memory_space<hbm>>, %arg6: memref<128xi32, #tpu.memory_space<vmem>>, %arg7: memref<128xi32, #tpu.memory_space<vmem>>, %arg8: memref<80x128xi32, #tpu.memory_space<vmem>>, %arg9: memref<128x128xf32, #tpu.memory_space<vmem>>, %arg10: memref<128x128xf32, #tpu.memory_space<vmem>>, %arg11: memref<10112x128xf32, #tpu.memory_space<vmem_shared>>, %arg12: memref<!tpu.dma_semaphore, #tpu.memory_space<semaphore_mem>>, %arg13: memref<!tpu.dma_semaphore, #tpu.memory_space<semaphore_mem>>, %arg14: memref<!tpu.dma_semaphore, #tpu.memory_space<semaphore_mem>>, %arg15: memref<!tpu.dma_semaphore, #tpu.memory_space<semaphore_mem>>, %arg16: memref<!tpu.dma_semaphore, #tpu.memory_space<semaphore_mem>>, %arg17: memref<!tpu.dma_semaphore, #tpu.memory_space<semaphore_mem>>) attributes {dimension_semantics = [#tpu.dimension_semantics<core_parallel>, #tpu.dimension_semantics<subcore_parallel>], iteration_bounds = array<i64: 2, 16>, scalar_prefetch = 0 : i64, scratch_operands = 12 : i64, tpu.core_type = #tpu.core_type<sc_vector_subcore>, window_params = [{transform_indices = #map}, {transform_indices = #map1}, {transform_indices = #map1}, {transform_indices = #map}]} {
    %mul3A = arith.constant 16 : i32
    %mul3A_0 = arith.muli %arg0, %mul3A : i32
    %add3A = arith.addi %mul3A_0, %arg1 : i32
    %broadcast_in_dim3A = arith.constant 0.000000e+00 : f32
    %broadcast_in_dim3A_1 = vector.broadcast %broadcast_in_dim3A : f32 to vector<16xf32>
    %scan3A = arith.constant 0 : i32
    %scan3A_2 = arith.constant 0 : i32
    %scan3A_3 = arith.constant 128 : i32
    %scan3A_4 = arith.addi %scan3A_2, %scan3A_3 : i32
    %scan3A_5 = arith.constant 1 : i32
    scf.for %scan3A_91 = %scan3A_2 to %scan3A_4 step %scan3A_5  : i32 {
      %swap3A = arith.index_cast %scan3A_91 : i32 to index
      %swap3A_92 = arith.constant 0 : index
      %swap3A_93 = tpu.vector_load %arg9[%swap3A, %swap3A_92] {strides = array<i32>} : memref<128x128xf32, #tpu.memory_space<vmem>>, vector<1x16xf32>,
      %swap3A_94 = vector.shape_cast %swap3A_93 : vector<1x16xf32> to vector<16xf32>
      %swap3A_95 = vector.shape_cast %broadcast_in_dim3A_1 : vector<16xf32> to vector<1x16xf32>
      tpu.vector_store %arg9[%swap3A, %swap3A_92], %swap3A_95 {strides = array<i32>} : memref<128x128xf32, #tpu.memory_space<vmem>>, vector<1x16xf32>,
      %swap3A_96 = arith.index_cast %scan3A_91 : i32 to index
      %swap3A_97 = arith.constant 16 : index
      %swap3A_98 = tpu.vector_load %arg9[%swap3A_96, %swap3A_97] {strides = array<i32>} : memref<128x128xf32, #tpu.memory_space<vmem>>, vector<1x16xf32>,
      %swap3A_99 = vector.shape_cast %swap3A_98 : vector<1x16xf32> to vector<16xf32>
      %swap3A_100 = vector.shape_cast %broadcast_in_dim3A_1 : vector<16xf32> to vector<1x16xf32>
      tpu.vector_store %arg9[%swap3A_96, %swap3A_97], %swap3A_100 {strides = array<i32>} : memref<128x128xf32, #tpu.memory_space<vmem>>, vector<1x16xf32>,
      %swap3A_101 = arith.index_cast %scan3A_91 : i32 to index
      %swap3A_102 = arith.constant 32 : index
      %swap3A_103 = tpu.vector_load %arg9[%swap3A_101, %swap3A_102] {strides = array<i32>} : memref<128x128xf32, #tpu.memory_space<vmem>>, vector<1x16xf32>,
      %swap3A_104 = vector.shape_cast %swap3A_103 : vector<1x16xf32> to vector<16xf32>
      %swap3A_105 = vector.shape_cast %broadcast_in_dim3A_1 : vector<16xf32> to vector<1x16xf32>
      tpu.vector_store %arg9[%swap3A_101, %swap3A_102], %swap3A_105 {strides = array<i32>} : memref<128x128xf32, #tpu.memory_space<vmem>>, vector<1x16xf32>,
      %swap3A_106 = arith.index_cast %scan3A_91 : i32 to index
      %swap3A_107 = arith.constant 48 : index
      %swap3A_108 = tpu.vector_load %arg9[%swap3A_106, %swap3A_107] {strides = array<i32>} : memref<128x128xf32, #tpu.memory_space<vmem>>, vector<1x16xf32>,
      %swap3A_109 = vector.shape_cast %swap3A_108 : vector<1x16xf32> to vector<16xf32>
      %swap3A_110 = vector.shape_cast %broadcast_in_dim3A_1 : vector<16xf32> to vector<1x16xf32>
      tpu.vector_store %arg9[%swap3A_106, %swap3A_107], %swap3A_110 {strides = array<i32>} : memref<128x128xf32, #tpu.memory_space<vmem>>, vector<1x16xf32>,
      %swap3A_111 = arith.index_cast %scan3A_91 : i32 to index
      %swap3A_112 = arith.constant 64 : index
      %swap3A_113 = tpu.vector_load %arg9[%swap3A_111, %swap3A_112] {strides = array<i32>} : memref<128x128xf32, #tpu.memory_space<vmem>>, vector<1x16xf32>,
      %swap3A_114 = vector.shape_cast %swap3A_113 : vector<1x16xf32> to vector<16xf32>
      %swap3A_115 = vector.shape_cast %broadcast_in_dim3A_1 : vector<16xf32> to vector<1x16xf32>
      tpu.vector_store %arg9[%swap3A_111, %swap3A_112], %swap3A_115 {strides = array<i32>} : memref<128x128xf32, #tpu.memory_space<vmem>>, vector<1x16xf32>,
      %swap3A_116 = arith.index_cast %scan3A_91 : i32 to index
      %swap3A_117 = arith.constant 80 : index
      %swap3A_118 = tpu.vector_load %arg9[%swap3A_116, %swap3A_117] {strides = array<i32>} : memref<128x128xf32, #tpu.memory_space<vmem>>, vector<1x16xf32>,
      %swap3A_119 = vector.shape_cast %swap3A_118 : vector<1x16xf32> to vector<16xf32>
      %swap3A_120 = vector.shape_cast %broadcast_in_dim3A_1 : vector<16xf32> to vector<1x16xf32>
      tpu.vector_store %arg9[%swap3A_116, %swap3A_117], %swap3A_120 {strides = array<i32>} : memref<128x128xf32, #tpu.memory_space<vmem>>, vector<1x16xf32>,
      %swap3A_121 = arith.index_cast %scan3A_91 : i32 to index
      %swap3A_122 = arith.constant 96 : index
      %swap3A_123 = tpu.vector_load %arg9[%swap3A_121, %swap3A_122] {strides = array<i32>} : memref<128x128xf32, #tpu.memory_space<vmem>>, vector<1x16xf32>,
      %swap3A_124 = vector.shape_cast %swap3A_123 : vector<1x16xf32> to vector<16xf32>
      %swap3A_125 = vector.shape_cast %broadcast_in_dim3A_1 : vector<16xf32> to vector<1x16xf32>
      tpu.vector_store %arg9[%swap3A_121, %swap3A_122], %swap3A_125 {strides = array<i32>} : memref<128x128xf32, #tpu.memory_space<vmem>>, vector<1x16xf32>,
      %swap3A_126 = arith.index_cast %scan3A_91 : i32 to index
      %swap3A_127 = arith.constant 112 : index
      %swap3A_128 = tpu.vector_load %arg9[%swap3A_126, %swap3A_127] {strides = array<i32>} : memref<128x128xf32, #tpu.memory_space<vmem>>, vector<1x16xf32>,
      %swap3A_129 = vector.shape_cast %swap3A_128 : vector<1x16xf32> to vector<16xf32>
      %swap3A_130 = vector.shape_cast %broadcast_in_dim3A_1 : vector<16xf32> to vector<1x16xf32>
      tpu.vector_store %arg9[%swap3A_126, %swap3A_127], %swap3A_130 {strides = array<i32>} : memref<128x128xf32, #tpu.memory_space<vmem>>, vector<1x16xf32>,
    }
    %scan3A_6 = arith.constant 128 : i32
    %mul3A_7 = arith.constant 632 : i32
    %mul3A_8 = arith.muli %arg1, %mul3A_7 : i32
    %add3A_9 = arith.constant 0 : i32
    %add3A_10 = arith.addi %mul3A_8, %add3A_9 : i32
    "tpu.region"() ({
      %run_scoped3A = tpu.sem_alloc : memref<!tpu.dma_semaphore, #tpu.memory_space<semaphore_mem>>
      %dma_start3A_91 = arith.constant 0 : i32
      %dma_start3A_92 = tpu.memref_slice %arg11[%add3A_10, %dma_start3A_91] : memref<10112x128xf32, #tpu.memory_space<vmem_shared>> -> memref<128x128xf32, #tpu.memory_space<vmem_shared>>
      %dma_start3A_93 = arith.constant 0 : i32
      %dma_start3A_94 = tpu.memref_slice %arg11[%add3A_10, %dma_start3A_93] : memref<10112x128xf32, #tpu.memory_space<vmem_shared>> -> memref<128x128xf32, #tpu.memory_space<vmem_shared>>
      tpu.enqueue_dma source(%arg9 : memref<128x128xf32, #tpu.memory_space<vmem>>) target(%dma_start3A_94 : memref<128x128xf32, #tpu.memory_space<vmem_shared>>) target_semaphore(%run_scoped3A : memref<!tpu.dma_semaphore, #tpu.memory_space<semaphore_mem>>)
      %dma_wait3A_95 = arith.constant 0 : i32
      %dma_wait3A_96 = tpu.memref_slice %arg11[%add3A_10, %dma_wait3A_95] : memref<10112x128xf32, #tpu.memory_space<vmem_shared>> -> memref<128x128xf32, #tpu.memory_space<vmem_shared>>
      %dma_wait3A_97 = arith.constant 0 : i32
      %dma_wait3A_98 = tpu.memref_slice %arg11[%add3A_10, %dma_wait3A_97] : memref<10112x128xf32, #tpu.memory_space<vmem_shared>> -> memref<128x128xf32, #tpu.memory_space<vmem_shared>>
      tpu.wait_dma2 semaphore(%run_scoped3A : memref<!tpu.dma_semaphore, #tpu.memory_space<semaphore_mem>>) src(%arg9 : memref<128x128xf32, #tpu.memory_space<vmem>>) dst(%dma_wait3A_98 : memref<128x128xf32, #tpu.memory_space<vmem_shared>>)
      tpu.yield
    }) : () -> ()
    %mul3A_11 = arith.constant 632 : i32
    %mul3A_12 = arith.muli %arg1, %mul3A_11 : i32
    %add3A_13 = arith.constant 128 : i32
    %add3A_14 = arith.addi %mul3A_12, %add3A_13 : i32
    "tpu.region"() ({
      %run_scoped3A = tpu.sem_alloc : memref<!tpu.dma_semaphore, #tpu.memory_space<semaphore_mem>>
      %dma_start3A_91 = arith.constant 0 : i32
      %dma_start3A_92 = tpu.memref_slice %arg11[%add3A_14, %dma_start3A_91] : memref<10112x128xf32, #tpu.memory_space<vmem_shared>> -> memref<128x128xf32, #tpu.memory_space<vmem_shared>>
      %dma_start3A_93 = arith.constant 0 : i32
      %dma_start3A_94 = tpu.memref_slice %arg11[%add3A_14, %dma_start3A_93] : memref<10112x128xf32, #tpu.memory_space<vmem_shared>> -> memref<128x128xf32, #tpu.memory_space<vmem_shared>>
      tpu.enqueue_dma source(%arg9 : memref<128x128xf32, #tpu.memory_space<vmem>>) target(%dma_start3A_94 : memref<128x128xf32, #tpu.memory_space<vmem_shared>>) target_semaphore(%run_scoped3A : memref<!tpu.dma_semaphore, #tpu.memory_space<semaphore_mem>>)
      %dma_wait3A_95 = arith.constant 0 : i32
      %dma_wait3A_96 = tpu.memref_slice %arg11[%add3A_14, %dma_wait3A_95] : memref<10112x128xf32, #tpu.memory_space<vmem_shared>> -> memref<128x128xf32, #tpu.memory_space<vmem_shared>>
      %dma_wait3A_97 = arith.constant 0 : i32
      %dma_wait3A_98 = tpu.memref_slice %arg11[%add3A_14, %dma_wait3A_97] : memref<10112x128xf32, #tpu.memory_space<vmem_shared>> -> memref<128x128xf32, #tpu.memory_space<vmem_shared>>
      tpu.wait_dma2 semaphore(%run_scoped3A : memref<!tpu.dma_semaphore, #tpu.memory_space<semaphore_mem>>) src(%arg9 : memref<128x128xf32, #tpu.memory_space<vmem>>) dst(%dma_wait3A_98 : memref<128x128xf32, #tpu.memory_space<vmem_shared>>)
      tpu.yield
    }) : () -> ()
    %mul3A_15 = arith.constant 632 : i32
    %mul3A_16 = arith.muli %arg1, %mul3A_15 : i32
    %add3A_17 = arith.constant 256 : i32
    %add3A_18 = arith.addi %mul3A_16, %add3A_17 : i32
    "tpu.region"() ({
      %run_scoped3A = tpu.sem_alloc : memref<!tpu.dma_semaphore, #tpu.memory_space<semaphore_mem>>
      %dma_start3A_91 = arith.constant 0 : i32
      %dma_start3A_92 = tpu.memref_slice %arg11[%add3A_18, %dma_start3A_91] : memref<10112x128xf32, #tpu.memory_space<vmem_shared>> -> memref<128x128xf32, #tpu.memory_space<vmem_shared>>
      %dma_start3A_93 = arith.constant 0 : i32
      %dma_start3A_94 = tpu.memref_slice %arg11[%add3A_18, %dma_start3A_93] : memref<10112x128xf32, #tpu.memory_space<vmem_shared>> -> memref<128x128xf32, #tpu.memory_space<vmem_shared>>
      tpu.enqueue_dma source(%arg9 : memref<128x128xf32, #tpu.memory_space<vmem>>) target(%dma_start3A_94 : memref<128x128xf32, #tpu.memory_space<vmem_shared>>) target_semaphore(%run_scoped3A : memref<!tpu.dma_semaphore, #tpu.memory_space<semaphore_mem>>)
      %dma_wait3A_95 = arith.constant 0 : i32
      %dma_wait3A_96 = tpu.memref_slice %arg11[%add3A_18, %dma_wait3A_95] : memref<10112x128xf32, #tpu.memory_space<vmem_shared>> -> memref<128x128xf32, #tpu.memory_space<vmem_shared>>
      %dma_wait3A_97 = arith.constant 0 : i32
      %dma_wait3A_98 = tpu.memref_slice %arg11[%add3A_18, %dma_wait3A_97] : memref<10112x128xf32, #tpu.memory_space<vmem_shared>> -> memref<128x128xf32, #tpu.memory_space<vmem_shared>>
      tpu.wait_dma2 semaphore(%run_scoped3A : memref<!tpu.dma_semaphore, #tpu.memory_space<semaphore_mem>>) src(%arg9 : memref<128x128xf32, #tpu.memory_space<vmem>>) dst(%dma_wait3A_98 : memref<128x128xf32, #tpu.memory_space<vmem_shared>>)
      tpu.yield
    }) : () -> ()
    %mul3A_19 = arith.constant 632 : i32
    %mul3A_20 = arith.muli %arg1, %mul3A_19 : i32
    %add3A_21 = arith.constant 384 : i32
    %add3A_22 = arith.addi %mul3A_20, %add3A_21 : i32
    "tpu.region"() ({
      %run_scoped3A = tpu.sem_alloc : memref<!tpu.dma_semaphore, #tpu.memory_space<semaphore_mem>>
      %dma_start3A_91 = arith.constant 0 : i32
      %dma_start3A_92 = tpu.memref_slice %arg11[%add3A_22, %dma_start3A_91] : memref<10112x128xf32, #tpu.memory_space<vmem_shared>> -> memref<128x128xf32, #tpu.memory_space<vmem_shared>>
      %dma_start3A_93 = arith.constant 0 : i32
      %dma_start3A_94 = tpu.memref_slice %arg11[%add3A_22, %dma_start3A_93] : memref<10112x128xf32, #tpu.memory_space<vmem_shared>> -> memref<128x128xf32, #tpu.memory_space<vmem_shared>>
      tpu.enqueue_dma source(%arg9 : memref<128x128xf32, #tpu.memory_space<vmem>>) target(%dma_start3A_94 : memref<128x128xf32, #tpu.memory_space<vmem_shared>>) target_semaphore(%run_scoped3A : memref<!tpu.dma_semaphore, #tpu.memory_space<semaphore_mem>>)
      %dma_wait3A_95 = arith.constant 0 : i32
      %dma_wait3A_96 = tpu.memref_slice %arg11[%add3A_22, %dma_wait3A_95] : memref<10112x128xf32, #tpu.memory_space<vmem_shared>> -> memref<128x128xf32, #tpu.memory_space<vmem_shared>>
      %dma_wait3A_97 = arith.constant 0 : i32
      %dma_wait3A_98 = tpu.memref_slice %arg11[%add3A_22, %dma_wait3A_97] : memref<10112x128xf32, #tpu.memory_space<vmem_shared>> -> memref<128x128xf32, #tpu.memory_space<vmem_shared>>
      tpu.wait_dma2 semaphore(%run_scoped3A : memref<!tpu.dma_semaphore, #tpu.memory_space<semaphore_mem>>) src(%arg9 : memref<128x128xf32, #tpu.memory_space<vmem>>) dst(%dma_wait3A_98 : memref<128x128xf32, #tpu.memory_space<vmem_shared>>)
      tpu.yield
    }) : () -> ()
    %mul3A_23 = arith.constant 632 : i32
    %mul3A_24 = arith.muli %arg1, %mul3A_23 : i32
    %add3A_25 = arith.constant 512 : i32
    %add3A_26 = arith.addi %mul3A_24, %add3A_25 : i32
    "tpu.region"() ({
      %run_scoped3A = tpu.sem_alloc : memref<!tpu.dma_semaphore, #tpu.memory_space<semaphore_mem>>
      %dma_start3A_91 = arith.constant 0 : i32
      %dma_start3A_92 = arith.constant 0 : i32
      %dma_start3A_93 = tpu.memref_slice %arg9[%dma_start3A_91, %dma_start3A_92] : memref<128x128xf32, #tpu.memory_space<vmem>> -> memref<120x128xf32, #tpu.memory_space<vmem>>
      %dma_start3A_94 = arith.constant 0 : i32
      %dma_start3A_95 = tpu.memref_slice %arg11[%add3A_26, %dma_start3A_94] : memref<10112x128xf32, #tpu.memory_space<vmem_shared>> -> memref<120x128xf32, #tpu.memory_space<vmem_shared>>
      %dma_start3A_96 = arith.constant 0 : i32
      %dma_start3A_97 = tpu.memref_slice %arg11[%add3A_26, %dma_start3A_96] : memref<10112x128xf32, #tpu.memory_space<vmem_shared>> -> memref<120x128xf32, #tpu.memory_space<vmem_shared>>
      %dma_start3A_98 = arith.constant 0 : i32
      %dma_start3A_99 = arith.constant 0 : i32
      %dma_start3A_100 = tpu.memref_slice %arg9[%dma_start3A_98, %dma_start3A_99] : memref<128x128xf32, #tpu.memory_space<vmem>> -> memref<120x128xf32, #tpu.memory_space<vmem>>
      tpu.enqueue_dma source(%dma_start3A_100 : memref<120x128xf32, #tpu.memory_space<vmem>>) target(%dma_start3A_97 : memref<120x128xf32, #tpu.memory_space<vmem_shared>>) target_semaphore(%run_scoped3A : memref<!tpu.dma_semaphore, #tpu.memory_space<semaphore_mem>>)
      %dma_wait3A_101 = arith.constant 0 : i32
      %dma_wait3A_102 = arith.constant 0 : i32
      %dma_wait3A_103 = tpu.memref_slice %arg9[%dma_wait3A_101, %dma_wait3A_102] : memref<128x128xf32, #tpu.memory_space<vmem>> -> memref<120x128xf32, #tpu.memory_space<vmem>>
      %dma_wait3A_104 = arith.constant 0 : i32
      %dma_wait3A_105 = tpu.memref_slice %arg11[%add3A_26, %dma_wait3A_104] : memref<10112x128xf32, #tpu.memory_space<vmem_shared>> -> memref<120x128xf32, #tpu.memory_space<vmem_shared>>
      %dma_wait3A_106 = arith.constant 0 : i32
      %dma_wait3A_107 = tpu.memref_slice %arg11[%add3A_26, %dma_wait3A_106] : memref<10112x128xf32, #tpu.memory_space<vmem_shared>> -> memref<120x128xf32, #tpu.memory_space<vmem_shared>>
      %dma_wait3A_108 = arith.constant 0 : i32
      %dma_wait3A_109 = arith.constant 0 : i32
      %dma_wait3A_110 = tpu.memref_slice %arg9[%dma_wait3A_108, %dma_wait3A_109] : memref<128x128xf32, #tpu.memory_space<vmem>> -> memref<120x128xf32, #tpu.memory_space<vmem>>
      tpu.wait_dma2 semaphore(%run_scoped3A : memref<!tpu.dma_semaphore, #tpu.memory_space<semaphore_mem>>) src(%dma_wait3A_110 : memref<120x128xf32, #tpu.memory_space<vmem>>) dst(%dma_wait3A_107 : memref<120x128xf32, #tpu.memory_space<vmem_shared>>)
      tpu.yield
    }) : () -> ()
    "tpu.region"() ({
      %run_scoped3A = tpu.sem_alloc : memref<!tpu.dma_semaphore, #tpu.memory_space<semaphore_mem>>
      %dma_start3A_91 = arith.constant 0 : i32
      %dma_start3A_92 = arith.constant 0 : i32
      %dma_start3A_93 = tpu.memref_slice %arg4[%arg1, %dma_start3A_91, %dma_start3A_92] : memref<16x80x128xi32, #tpu.memory_space<hbm>> -> memref<1x80x128xi32, #tpu.memory_space<hbm>>
      %dma_start3A_94 = tpu.memref_squeeze %dma_start3A_93 : memref<1x80x128xi32, #tpu.memory_space<hbm>> -> memref<80x128xi32, #tpu.memory_space<hbm>>
      %dma_start3A_95 = arith.constant 0 : i32
      %dma_start3A_96 = arith.constant 0 : i32
      %dma_start3A_97 = tpu.memref_slice %arg4[%arg1, %dma_start3A_95, %dma_start3A_96] : memref<16x80x128xi32, #tpu.memory_space<hbm>> -> memref<1x80x128xi32, #tpu.memory_space<hbm>>
      %dma_start3A_98 = tpu.memref_squeeze %dma_start3A_97 : memref<1x80x128xi32, #tpu.memory_space<hbm>> -> memref<80x128xi32, #tpu.memory_space<hbm>>
      tpu.enqueue_dma source(%dma_start3A_98 : memref<80x128xi32, #tpu.memory_space<hbm>>) target(%arg8 : memref<80x128xi32, #tpu.memory_space<vmem>>) target_semaphore(%run_scoped3A : memref<!tpu.dma_semaphore, #tpu.memory_space<semaphore_mem>>)
      %dma_wait3A_99 = arith.constant 0 : i32
      %dma_wait3A_100 = arith.constant 0 : i32
      %dma_wait3A_101 = tpu.memref_slice %arg4[%arg1, %dma_wait3A_99, %dma_wait3A_100] : memref<16x80x128xi32, #tpu.memory_space<hbm>> -> memref<1x80x128xi32, #tpu.memory_space<hbm>>
      %dma_wait3A_102 = tpu.memref_squeeze %dma_wait3A_101 : memref<1x80x128xi32, #tpu.memory_space<hbm>> -> memref<80x128xi32, #tpu.memory_space<hbm>>
      %dma_wait3A_103 = arith.constant 0 : i32
      %dma_wait3A_104 = arith.constant 0 : i32
      %dma_wait3A_105 = tpu.memref_slice %arg4[%arg1, %dma_wait3A_103, %dma_wait3A_104] : memref<16x80x128xi32, #tpu.memory_space<hbm>> -> memref<1x80x128xi32, #tpu.memory_space<hbm>>
      %dma_wait3A_106 = tpu.memref_squeeze %dma_wait3A_105 : memref<1x80x128xi32, #tpu.memory_space<hbm>> -> memref<80x128xi32, #tpu.memory_space<hbm>>
      tpu.wait_dma2 semaphore(%run_scoped3A : memref<!tpu.dma_semaphore, #tpu.memory_space<semaphore_mem>>) src(%dma_wait3A_106 : memref<80x128xi32, #tpu.memory_space<hbm>>) dst(%arg8 : memref<80x128xi32, #tpu.memory_space<vmem>>)
      tpu.yield
    }) : () -> ()
    %barrier3A = arith.constant 0 : index
    tpu.barrier barrier_id(%barrier3A)
    %dma_start3A = arith.constant 0 : i32
    %dma_start3A_27 = arith.constant 0 : i32
    %dma_start3A_28 = tpu.memref_slice %arg3[%add3A, %dma_start3A, %dma_start3A_27] : memref<32x80x128xi32, #tpu.memory_space<hbm>> -> memref<1x1x128xi32, #tpu.memory_space<hbm>>
    %dma_start3A_29 = tpu.memref_squeeze %dma_start3A_28 : memref<1x1x128xi32, #tpu.memory_space<hbm>> -> memref<128xi32, #tpu.memory_space<hbm>>
    %dma_start3A_30 = arith.constant 0 : i32
    %dma_start3A_31 = tpu.memref_slice %arg3[%add3A, %dma_start3A, %dma_start3A_30] : memref<32x80x128xi32, #tpu.memory_space<hbm>> -> memref<1x1x128xi32, #tpu.memory_space<hbm>>
    %dma_start3A_32 = tpu.memref_squeeze %dma_start3A_31 : memref<1x1x128xi32, #tpu.memory_space<hbm>> -> memref<128xi32, #tpu.memory_space<hbm>>
    tpu.enqueue_dma source(%dma_start3A_32 : memref<128xi32, #tpu.memory_space<hbm>>) target(%arg6 : memref<128xi32, #tpu.memory_space<vmem>>) target_semaphore(%arg12 : memref<!tpu.dma_semaphore, #tpu.memory_space<semaphore_mem>>)
    %dma_start3A_33 = arith.constant 1 : i32
    %dma_start3A_34 = arith.constant 0 : i32
    %dma_start3A_35 = tpu.memref_slice %arg3[%add3A, %dma_start3A_33, %dma_start3A_34] : memref<32x80x128xi32, #tpu.memory_space<hbm>> -> memref<1x1x128xi32, #tpu.memory_space<hbm>>
    %dma_start3A_36 = tpu.memref_squeeze %dma_start3A_35 : memref<1x1x128xi32, #tpu.memory_space<hbm>> -> memref<128xi32, #tpu.memory_space<hbm>>
    %dma_start3A_37 = arith.constant 0 : i32
    %dma_start3A_38 = tpu.memref_slice %arg3[%add3A, %dma_start3A_33, %dma_start3A_37] : memref<32x80x128xi32, #tpu.memory_space<hbm>> -> memref<1x1x128xi32, #tpu.memory_space<hbm>>
    %dma_start3A_39 = tpu.memref_squeeze %dma_start3A_38 : memref<1x1x128xi32, #tpu.memory_space<hbm>> -> memref<128xi32, #tpu.memory_space<hbm>>
    tpu.enqueue_dma source(%dma_start3A_39 : memref<128xi32, #tpu.memory_space<hbm>>) target(%arg7 : memref<128xi32, #tpu.memory_space<vmem>>) target_semaphore(%arg13 : memref<!tpu.dma_semaphore, #tpu.memory_space<semaphore_mem>>)
    %dma_start3A_40 = arith.constant 0 : i32
    %dma_start3A_41 = arith.constant 0 : i32
    %dma_start3A_42 = tpu.memref_slice %arg2[%dma_start3A_40, %dma_start3A_41] : memref<20000x128xf32, #tpu.memory_space<hbm>> -> memref<128x128xf32, #tpu.memory_space<hbm>>
    %dma_start3A_43 = arith.constant 0 : i32
    %dma_start3A_44 = arith.constant 0 : i32
    %dma_start3A_45 = tpu.memref_slice %arg2[%dma_start3A_43, %dma_start3A_44] : memref<20000x128xf32, #tpu.memory_space<hbm>> -> memref<128x128xf32, #tpu.memory_space<hbm>>
    tpu.enqueue_dma source(%dma_start3A_45 : memref<128x128xf32, #tpu.memory_space<hbm>>) target(%arg9 : memref<128x128xf32, #tpu.memory_space<vmem>>) target_semaphore(%arg16 : memref<!tpu.dma_semaphore, #tpu.memory_space<semaphore_mem>>)
    %dma_start3A_46 = arith.constant 0 : i32
    %dma_start3A_47 = arith.constant 0 : i32
    %dma_start3A_48 = tpu.memref_slice %arg2[%dma_start3A_46, %dma_start3A_47] : memref<20000x128xf32, #tpu.memory_space<hbm>> -> memref<128x128xf32, #tpu.memory_space<hbm>>
    %dma_start3A_49 = arith.constant 0 : i32
    %dma_start3A_50 = arith.constant 0 : i32
    %dma_start3A_51 = tpu.memref_slice %arg2[%dma_start3A_49, %dma_start3A_50] : memref<20000x128xf32, #tpu.memory_space<hbm>> -> memref<128x128xf32, #tpu.memory_space<hbm>>
    tpu.enqueue_dma source(%dma_start3A_51 : memref<128x128xf32, #tpu.memory_space<hbm>>) target(%arg10 : memref<128x128xf32, #tpu.memory_space<vmem>>) target_semaphore(%arg17 : memref<!tpu.dma_semaphore, #tpu.memory_space<semaphore_mem>>)
    %scan3A_52 = arith.constant 0 : i32
    %scan3A_53 = arith.constant 0 : i32
    %scan3A_54 = arith.constant 40 : i32
    %scan3A_55 = arith.addi %scan3A_53, %scan3A_54 : i32
    %scan3A_56 = arith.constant 1 : i32
    scf.for %scan3A_91 = %scan3A_53 to %scan3A_55 step %scan3A_56  : i32 {
      %mul3A_92 = arith.constant 2 : i32
      %mul3A_93 = arith.muli %scan3A_91, %mul3A_92 : i32
      %add3A_94 = arith.constant 0 : i32
      %add3A_95 = arith.addi %mul3A_93, %add3A_94 : i32
      %dma_wait3A_96 = arith.constant 0 : i32
      %dma_wait3A_97 = arith.constant 0 : i32
      %dma_wait3A_98 = tpu.memref_slice %arg3[%add3A, %dma_wait3A_96, %dma_wait3A_97] : memref<32x80x128xi32, #tpu.memory_space<hbm>> -> memref<1x1x128xi32, #tpu.memory_space<hbm>>
      %dma_wait3A_99 = tpu.memref_squeeze %dma_wait3A_98 : memref<1x1x128xi32, #tpu.memory_space<hbm>> -> memref<128xi32, #tpu.memory_space<hbm>>
      %dma_wait3A_100 = arith.constant 0 : i32
      %dma_wait3A_101 = tpu.memref_slice %arg3[%add3A, %dma_wait3A_96, %dma_wait3A_100] : memref<32x80x128xi32, #tpu.memory_space<hbm>> -> memref<1x1x128xi32, #tpu.memory_space<hbm>>
      %dma_wait3A_102 = tpu.memref_squeeze %dma_wait3A_101 : memref<1x1x128xi32, #tpu.memory_space<hbm>> -> memref<128xi32, #tpu.memory_space<hbm>>
      tpu.wait_dma2 semaphore(%arg12 : memref<!tpu.dma_semaphore, #tpu.memory_space<semaphore_mem>>) src(%dma_wait3A_102 : memref<128xi32, #tpu.memory_space<hbm>>) dst(%arg6 : memref<128xi32, #tpu.memory_space<vmem>>)
      %dma_wait3A_103 = arith.constant 0 : i32
      %dma_wait3A_104 = arith.constant 0 : i32
      %dma_wait3A_105 = tpu.memref_slice %arg2[%dma_wait3A_103, %dma_wait3A_104] : memref<20000x128xf32, #tpu.memory_space<hbm>> -> memref<128x128xf32, #tpu.memory_space<hbm>>
      %dma_wait3A_106 = arith.constant 0 : i32
      %dma_wait3A_107 = arith.constant 0 : i32
      %dma_wait3A_108 = tpu.memref_slice %arg2[%dma_wait3A_106, %dma_wait3A_107] : memref<20000x128xf32, #tpu.memory_space<hbm>> -> memref<128x128xf32, #tpu.memory_space<hbm>>
      tpu.wait_dma2 semaphore(%arg16 : memref<!tpu.dma_semaphore, #tpu.memory_space<semaphore_mem>>) src(%dma_wait3A_108 : memref<128x128xf32, #tpu.memory_space<hbm>>) dst(%arg9 : memref<128x128xf32, #tpu.memory_space<vmem>>)
      %dma_start3A_109 = arith.constant 0 : i32
      %dma_start3A_110 = arith.constant 0 : i32
      %dma_start3A_111 = tpu.memref_slice %arg2[%dma_start3A_109, %dma_start3A_110] : memref<20000x128xf32, #tpu.memory_space<hbm>> -> memref<20000x128xf32, #tpu.memory_space<hbm>>
      tpu.enqueue_indirect_dma source(%dma_start3A_111 : memref<20000x128xf32, #tpu.memory_space<hbm>>) target(%arg9 : memref<128x128xf32, #tpu.memory_space<vmem>>) offsets(%arg6 : memref<128xi32, #tpu.memory_space<vmem>>) semaphore(%arg14 : memref<!tpu.dma_semaphore, #tpu.memory_space<semaphore_mem>>)
      %dma_wait3A_112 = arith.constant 0 : i32
      %dma_wait3A_113 = arith.constant 0 : i32
      %dma_wait3A_114 = tpu.memref_slice %arg2[%dma_wait3A_112, %dma_wait3A_113] : memref<20000x128xf32, #tpu.memory_space<hbm>> -> memref<128x128xf32, #tpu.memory_space<hbm>>
      %dma_wait3A_115 = arith.constant 0 : i32
      %dma_wait3A_116 = arith.constant 0 : i32
      %dma_wait3A_117 = tpu.memref_slice %arg2[%dma_wait3A_115, %dma_wait3A_116] : memref<20000x128xf32, #tpu.memory_space<hbm>> -> memref<128x128xf32, #tpu.memory_space<hbm>>
      tpu.wait_dma2 semaphore(%arg14 : memref<!tpu.dma_semaphore, #tpu.memory_space<semaphore_mem>>) src(%dma_wait3A_117 : memref<128x128xf32, #tpu.memory_space<hbm>>) dst(%arg9 : memref<128x128xf32, #tpu.memory_space<vmem>>)
      %dma_start3A_118 = arith.constant 0 : i32
      %dma_start3A_119 = tpu.memref_slice %arg8[%add3A_95, %dma_start3A_118] : memref<80x128xi32, #tpu.memory_space<vmem>> -> memref<1x128xi32, #tpu.memory_space<vmem>>
      %dma_start3A_120 = tpu.memref_squeeze %dma_start3A_119 : memref<1x128xi32, #tpu.memory_space<vmem>> -> memref<128xi32, #tpu.memory_space<vmem>>
      %dma_start3A_121 = arith.constant 0 : i32
      %dma_start3A_122 = arith.constant 0 : i32
      %dma_start3A_123 = tpu.memref_slice %arg11[%dma_start3A_121, %dma_start3A_122] : memref<10112x128xf32, #tpu.memory_space<vmem_shared>> -> memref<10112x128xf32, #tpu.memory_space<vmem_shared>>
      tpu.enqueue_indirect_dma source(%arg9 : memref<128x128xf32, #tpu.memory_space<vmem>>) target(%dma_start3A_123 : memref<10112x128xf32, #tpu.memory_space<vmem_shared>>) offsets(%dma_start3A_120 : memref<128xi32, #tpu.memory_space<vmem>>) semaphore(%arg16 : memref<!tpu.dma_semaphore, #tpu.memory_space<semaphore_mem>>) {add = true}
      %add3A_124 = arith.constant 2 : i32
      %add3A_125 = arith.addi %add3A_95, %add3A_124 : i32
      %lt3A = arith.constant 80 : i32
      %lt3A_126 = arith.cmpi slt, %add3A_125, %lt3A : i32
      %jit3A = arith.constant 0 : i32
      %select_n3A = arith.select %lt3A_126, %add3A_125, %jit3A : i32
      %dma_start3A_127 = arith.constant 0 : i32
      %dma_start3A_128 = tpu.memref_slice %arg3[%add3A, %select_n3A, %dma_start3A_127] : memref<32x80x128xi32, #tpu.memory_space<hbm>> -> memref<1x1x128xi32, #tpu.memory_space<hbm>>
      %dma_start3A_129 = tpu.memref_squeeze %dma_start3A_128 : memref<1x1x128xi32, #tpu.memory_space<hbm>> -> memref<128xi32, #tpu.memory_space<hbm>>
      %dma_start3A_130 = arith.constant 0 : i32
      %dma_start3A_131 = tpu.memref_slice %arg3[%add3A, %select_n3A, %dma_start3A_130] : memref<32x80x128xi32, #tpu.memory_space<hbm>> -> memref<1x1x128xi32, #tpu.memory_space<hbm>>
      %dma_start3A_132 = tpu.memref_squeeze %dma_start3A_131 : memref<1x1x128xi32, #tpu.memory_space<hbm>> -> memref<128xi32, #tpu.memory_space<hbm>>
      tpu.enqueue_dma source(%dma_start3A_132 : memref<128xi32, #tpu.memory_space<hbm>>) target(%arg6 : memref<128xi32, #tpu.memory_space<vmem>>) target_semaphore(%arg12 : memref<!tpu.dma_semaphore, #tpu.memory_space<semaphore_mem>>)
      %add3A_133 = arith.constant 1 : i32
      %add3A_134 = arith.addi %mul3A_93, %add3A_133 : i32
      %dma_wait3A_135 = arith.constant 0 : i32
      %dma_wait3A_136 = arith.constant 0 : i32
      %dma_wait3A_137 = tpu.memref_slice %arg3[%add3A, %dma_wait3A_135, %dma_wait3A_136] : memref<32x80x128xi32, #tpu.memory_space<hbm>> -> memref<1x1x128xi32, #tpu.memory_space<hbm>>
      %dma_wait3A_138 = tpu.memref_squeeze %dma_wait3A_137 : memref<1x1x128xi32, #tpu.memory_space<hbm>> -> memref<128xi32, #tpu.memory_space<hbm>>
      %dma_wait3A_139 = arith.constant 0 : i32
      %dma_wait3A_140 = tpu.memref_slice %arg3[%add3A, %dma_wait3A_135, %dma_wait3A_139] : memref<32x80x128xi32, #tpu.memory_space<hbm>> -> memref<1x1x128xi32, #tpu.memory_space<hbm>>
      %dma_wait3A_141 = tpu.memref_squeeze %dma_wait3A_140 : memref<1x1x128xi32, #tpu.memory_space<hbm>> -> memref<128xi32, #tpu.memory_space<hbm>>
      tpu.wait_dma2 semaphore(%arg13 : memref<!tpu.dma_semaphore, #tpu.memory_space<semaphore_mem>>) src(%dma_wait3A_141 : memref<128xi32, #tpu.memory_space<hbm>>) dst(%arg7 : memref<128xi32, #tpu.memory_space<vmem>>)
      %dma_wait3A_142 = arith.constant 0 : i32
      %dma_wait3A_143 = arith.constant 0 : i32
      %dma_wait3A_144 = tpu.memref_slice %arg2[%dma_wait3A_142, %dma_wait3A_143] : memref<20000x128xf32, #tpu.memory_space<hbm>> -> memref<128x128xf32, #tpu.memory_space<hbm>>
      %dma_wait3A_145 = arith.constant 0 : i32
      %dma_wait3A_146 = arith.constant 0 : i32
      %dma_wait3A_147 = tpu.memref_slice %arg2[%dma_wait3A_145, %dma_wait3A_146] : memref<20000x128xf32, #tpu.memory_space<hbm>> -> memref<128x128xf32, #tpu.memory_space<hbm>>
      tpu.wait_dma2 semaphore(%arg17 : memref<!tpu.dma_semaphore, #tpu.memory_space<semaphore_mem>>) src(%dma_wait3A_147 : memref<128x128xf32, #tpu.memory_space<hbm>>) dst(%arg10 : memref<128x128xf32, #tpu.memory_space<vmem>>)
      %dma_start3A_148 = arith.constant 0 : i32
      %dma_start3A_149 = arith.constant 0 : i32
      %dma_start3A_150 = tpu.memref_slice %arg2[%dma_start3A_148, %dma_start3A_149] : memref<20000x128xf32, #tpu.memory_space<hbm>> -> memref<20000x128xf32, #tpu.memory_space<hbm>>
      tpu.enqueue_indirect_dma source(%dma_start3A_150 : memref<20000x128xf32, #tpu.memory_space<hbm>>) target(%arg10 : memref<128x128xf32, #tpu.memory_space<vmem>>) offsets(%arg7 : memref<128xi32, #tpu.memory_space<vmem>>) semaphore(%arg15 : memref<!tpu.dma_semaphore, #tpu.memory_space<semaphore_mem>>)
      %dma_wait3A_151 = arith.constant 0 : i32
      %dma_wait3A_152 = arith.constant 0 : i32
      %dma_wait3A_153 = tpu.memref_slice %arg2[%dma_wait3A_151, %dma_wait3A_152] : memref<20000x128xf32, #tpu.memory_space<hbm>> -> memref<128x128xf32, #tpu.memory_space<hbm>>
      %dma_wait3A_154 = arith.constant 0 : i32
      %dma_wait3A_155 = arith.constant 0 : i32
      %dma_wait3A_156 = tpu.memref_slice %arg2[%dma_wait3A_154, %dma_wait3A_155] : memref<20000x128xf32, #tpu.memory_space<hbm>> -> memref<128x128xf32, #tpu.memory_space<hbm>>
      tpu.wait_dma2 semaphore(%arg15 : memref<!tpu.dma_semaphore, #tpu.memory_space<semaphore_mem>>) src(%dma_wait3A_156 : memref<128x128xf32, #tpu.memory_space<hbm>>) dst(%arg10 : memref<128x128xf32, #tpu.memory_space<vmem>>)
      %dma_start3A_157 = arith.constant 0 : i32
      %dma_start3A_158 = tpu.memref_slice %arg8[%add3A_134, %dma_start3A_157] : memref<80x128xi32, #tpu.memory_space<vmem>> -> memref<1x128xi32, #tpu.memory_space<vmem>>
      %dma_start3A_159 = tpu.memref_squeeze %dma_start3A_158 : memref<1x128xi32, #tpu.memory_space<vmem>> -> memref<128xi32, #tpu.memory_space<vmem>>
      %dma_start3A_160 = arith.constant 0 : i32
      %dma_start3A_161 = arith.constant 0 : i32
      %dma_start3A_162 = tpu.memref_slice %arg11[%dma_start3A_160, %dma_start3A_161] : memref<10112x128xf32, #tpu.memory_space<vmem_shared>> -> memref<10112x128xf32, #tpu.memory_space<vmem_shared>>
      tpu.enqueue_indirect_dma source(%arg10 : memref<128x128xf32, #tpu.memory_space<vmem>>) target(%dma_start3A_162 : memref<10112x128xf32, #tpu.memory_space<vmem_shared>>) offsets(%dma_start3A_159 : memref<128xi32, #tpu.memory_space<vmem>>) semaphore(%arg17 : memref<!tpu.dma_semaphore, #tpu.memory_space<semaphore_mem>>) {add = true}
      %add3A_163 = arith.constant 2 : i32
      %add3A_164 = arith.addi %add3A_134, %add3A_163 : i32
      %lt3A_165 = arith.constant 80 : i32
      %lt3A_166 = arith.cmpi slt, %add3A_164, %lt3A_165 : i32
      %jit3A_167 = arith.constant 0 : i32
      %select_n3A_168 = arith.select %lt3A_166, %add3A_164, %jit3A_167 : i32
      %dma_start3A_169 = arith.constant 0 : i32
      %dma_start3A_170 = tpu.memref_slice %arg3[%add3A, %select_n3A_168, %dma_start3A_169] : memref<32x80x128xi32, #tpu.memory_space<hbm>> -> memref<1x1x128xi32, #tpu.memory_space<hbm>>
      %dma_start3A_171 = tpu.memref_squeeze %dma_start3A_170 : memref<1x1x128xi32, #tpu.memory_space<hbm>> -> memref<128xi32, #tpu.memory_space<hbm>>
      %dma_start3A_172 = arith.constant 0 : i32
      %dma_start3A_173 = tpu.memref_slice %arg3[%add3A, %select_n3A_168, %dma_start3A_172] : memref<32x80x128xi32, #tpu.memory_space<hbm>> -> memref<1x1x128xi32, #tpu.memory_space<hbm>>
      %dma_start3A_174 = tpu.memref_squeeze %dma_start3A_173 : memref<1x1x128xi32, #tpu.memory_space<hbm>> -> memref<128xi32, #tpu.memory_space<hbm>>
      tpu.enqueue_dma source(%dma_start3A_174 : memref<128xi32, #tpu.memory_space<hbm>>) target(%arg7 : memref<128xi32, #tpu.memory_space<vmem>>) target_semaphore(%arg13 : memref<!tpu.dma_semaphore, #tpu.memory_space<semaphore_mem>>)
    }
    %scan3A_57 = arith.constant 40 : i32
    %dma_wait3A = arith.constant 0 : i32
    %dma_wait3A_58 = arith.constant 0 : i32
    %dma_wait3A_59 = tpu.memref_slice %arg2[%dma_wait3A, %dma_wait3A_58] : memref<20000x128xf32, #tpu.memory_space<hbm>> -> memref<128x128xf32, #tpu.memory_space<hbm>>
    %dma_wait3A_60 = arith.constant 0 : i32
    %dma_wait3A_61 = arith.constant 0 : i32
    %dma_wait3A_62 = tpu.memref_slice %arg2[%dma_wait3A_60, %dma_wait3A_61] : memref<20000x128xf32, #tpu.memory_space<hbm>> -> memref<128x128xf32, #tpu.memory_space<hbm>>
    tpu.wait_dma2 semaphore(%arg16 : memref<!tpu.dma_semaphore, #tpu.memory_space<semaphore_mem>>) src(%dma_wait3A_62 : memref<128x128xf32, #tpu.memory_space<hbm>>) dst(%arg9 : memref<128x128xf32, #tpu.memory_space<vmem>>)
    %dma_wait3A_63 = arith.constant 0 : i32
    %dma_wait3A_64 = arith.constant 0 : i32
    %dma_wait3A_65 = tpu.memref_slice %arg3[%add3A, %dma_wait3A_63, %dma_wait3A_64] : memref<32x80x128xi32, #tpu.memory_space<hbm>> -> memref<1x1x128xi32, #tpu.memory_space<hbm>>
    %dma_wait3A_66 = tpu.memref_squeeze %dma_wait3A_65 : memref<1x1x128xi32, #tpu.memory_space<hbm>> -> memref<128xi32, #tpu.memory_space<hbm>>
    %dma_wait3A_67 = arith.constant 0 : i32
    %dma_wait3A_68 = tpu.memref_slice %arg3[%add3A, %dma_wait3A_63, %dma_wait3A_67] : memref<32x80x128xi32, #tpu.memory_space<hbm>> -> memref<1x1x128xi32, #tpu.memory_space<hbm>>
    %dma_wait3A_69 = tpu.memref_squeeze %dma_wait3A_68 : memref<1x1x128xi32, #tpu.memory_space<hbm>> -> memref<128xi32, #tpu.memory_space<hbm>>
    tpu.wait_dma2 semaphore(%arg12 : memref<!tpu.dma_semaphore, #tpu.memory_space<semaphore_mem>>) src(%dma_wait3A_69 : memref<128xi32, #tpu.memory_space<hbm>>) dst(%arg6 : memref<128xi32, #tpu.memory_space<vmem>>)
    %dma_wait3A_70 = arith.constant 0 : i32
    %dma_wait3A_71 = arith.constant 0 : i32
    %dma_wait3A_72 = tpu.memref_slice %arg2[%dma_wait3A_70, %dma_wait3A_71] : memref<20000x128xf32, #tpu.memory_space<hbm>> -> memref<128x128xf32, #tpu.memory_space<hbm>>
    %dma_wait3A_73 = arith.constant 0 : i32
    %dma_wait3A_74 = arith.constant 0 : i32
    %dma_wait3A_75 = tpu.memref_slice %arg2[%dma_wait3A_73, %dma_wait3A_74] : memref<20000x128xf32, #tpu.memory_space<hbm>> -> memref<128x128xf32, #tpu.memory_space<hbm>>
    tpu.wait_dma2 semaphore(%arg17 : memref<!tpu.dma_semaphore, #tpu.memory_space<semaphore_mem>>) src(%dma_wait3A_75 : memref<128x128xf32, #tpu.memory_space<hbm>>) dst(%arg10 : memref<128x128xf32, #tpu.memory_space<vmem>>)
    %dma_wait3A_76 = arith.constant 0 : i32
    %dma_wait3A_77 = arith.constant 0 : i32
    %dma_wait3A_78 = tpu.memref_slice %arg3[%add3A, %dma_wait3A_76, %dma_wait3A_77] : memref<32x80x128xi32, #tpu.memory_space<hbm>> -> memref<1x1x128xi32, #tpu.memory_space<hbm>>
    %dma_wait3A_79 = tpu.memref_squeeze %dma_wait3A_78 : memref<1x1x128xi32, #tpu.memory_space<hbm>> -> memref<128xi32, #tpu.memory_space<hbm>>
    %dma_wait3A_80 = arith.constant 0 : i32
    %dma_wait3A_81 = tpu.memref_slice %arg3[%add3A, %dma_wait3A_76, %dma_wait3A_80] : memref<32x80x128xi32, #tpu.memory_space<hbm>> -> memref<1x1x128xi32, #tpu.memory_space<hbm>>
    %dma_wait3A_82 = tpu.memref_squeeze %dma_wait3A_81 : memref<1x1x128xi32, #tpu.memory_space<hbm>> -> memref<128xi32, #tpu.memory_space<hbm>>
    tpu.wait_dma2 semaphore(%arg13 : memref<!tpu.dma_semaphore, #tpu.memory_space<semaphore_mem>>) src(%dma_wait3A_82 : memref<128xi32, #tpu.memory_space<hbm>>) dst(%arg7 : memref<128xi32, #tpu.memory_space<vmem>>)
    %barrier3A_83 = arith.constant 0 : index
    tpu.barrier barrier_id(%barrier3A_83)
    %mul3A_84 = arith.constant 632 : i32
    %mul3A_85 = arith.muli %arg1, %mul3A_84 : i32
    %mul3A_86 = arith.constant 10112 : i32
    %mul3A_87 = arith.muli %arg0, %mul3A_86 : i32
    %mul3A_88 = arith.constant 632 : i32
    %mul3A_89 = arith.muli %arg1, %mul3A_88 : i32
    %add3A_90 = arith.addi %mul3A_87, %mul3A_89 : i32
    "tpu.region"() ({
      %run_scoped3A = tpu.sem_alloc : memref<!tpu.dma_semaphore, #tpu.memory_space<semaphore_mem>>
      %dma_start3A_91 = arith.constant 0 : i32
      %dma_start3A_92 = tpu.memref_slice %arg5[%add3A_90, %dma_start3A_91] : memref<20224x128xf32, #tpu.memory_space<hbm>> -> memref<632x128xf32, #tpu.memory_space<hbm>>
      %dma_start3A_93 = arith.constant 0 : i32
      %dma_start3A_94 = tpu.memref_slice %arg11[%mul3A_85, %dma_start3A_93] : memref<10112x128xf32, #tpu.memory_space<vmem_shared>> -> memref<632x128xf32, #tpu.memory_space<vmem_shared>>
      tpu.enqueue_dma source(%dma_start3A_94 : memref<632x128xf32, #tpu.memory_space<vmem_shared>>) target(%dma_start3A_92 : memref<632x128xf32, #tpu.memory_space<hbm>>) target_semaphore(%run_scoped3A : memref<!tpu.dma_semaphore, #tpu.memory_space<semaphore_mem>>)
      %dma_wait3A_95 = arith.constant 0 : i32
      %dma_wait3A_96 = tpu.memref_slice %arg5[%add3A_90, %dma_wait3A_95] : memref<20224x128xf32, #tpu.memory_space<hbm>> -> memref<632x128xf32, #tpu.memory_space<hbm>>
      %dma_wait3A_97 = arith.constant 0 : i32
      %dma_wait3A_98 = tpu.memref_slice %arg11[%mul3A_85, %dma_wait3A_97] : memref<10112x128xf32, #tpu.memory_space<vmem_shared>> -> memref<632x128xf32, #tpu.memory_space<vmem_shared>>
      tpu.wait_dma2 semaphore(%run_scoped3A : memref<!tpu.dma_semaphore, #tpu.memory_space<semaphore_mem>>) src(%dma_wait3A_98 : memref<632x128xf32, #tpu.memory_space<vmem_shared>>) dst(%dma_wait3A_96 : memref<632x128xf32, #tpu.memory_space<hbm>>)
      tpu.yield
    }) : () -> ()
    return
  }
}

#map = affine_map<(d0, d1) -> (0, 0)>
#map1 = affine_map<(d0, d1) -> (0, 0, 0)>
module attributes {stable_mosaic.version = 14 : i64} {
  func.func @_scat_body(%arg0: i32, %arg1: i32, %arg2: memref<20000x128xf32, #tpu.memory_space<hbm>>, %arg3: memref<32x80x128xi32, #tpu.memory_space<hbm>>, %arg4: memref<16x80x128xi32, #tpu.memory_space<hbm>>, %arg5: memref<20224x128xf32, #tpu.memory_space<hbm>>, %arg6: memref<128xi32, #tpu.memory_space<vmem>>, %arg7: memref<128xi32, #tpu.memory_space<vmem>>, %arg8: memref<80x128xi32, #tpu.memory_space<vmem>>, %arg9: memref<128x128xf32, #tpu.memory_space<vmem>>, %arg10: memref<128x128xf32, #tpu.memory_space<vmem>>, %arg11: memref<10112x128xf32, #tpu.memory_space<vmem_shared>>, %arg12: memref<!tpu.dma_semaphore, #tpu.memory_space<semaphore_mem>>, %arg13: memref<!tpu.dma_semaphore, #tpu.memory_space<semaphore_mem>>, %arg14: memref<!tpu.dma_semaphore, #tpu.memory_space<semaphore_mem>>, %arg15: memref<!tpu.dma_semaphore, #tpu.memory_space<semaphore_mem>>, %arg16: memref<!tpu.dma_semaphore, #tpu.memory_space<semaphore_mem>>, %arg17: memref<!tpu.dma_semaphore, #tpu.memory_space<semaphore_mem>>) attributes {dimension_semantics = [#tpu.dimension_semantics<core_parallel>, #tpu.dimension_semantics<subcore_parallel>], iteration_bounds = array<i64: 2, 16>, scalar_prefetch = 0 : i64, scratch_operands = 12 : i64, tpu.core_type = #tpu.core_type<sc_vector_subcore>, window_params = [{transform_indices = #map}, {transform_indices = #map1}, {transform_indices = #map1}, {transform_indices = #map}]} {
    %mul3A = arith.constant 16 : i32
    %mul3A_0 = arith.muli %arg0, %mul3A : i32
    %add3A = arith.addi %mul3A_0, %arg1 : i32
    %broadcast_in_dim3A = arith.constant 0.000000e+00 : f32
    %broadcast_in_dim3A_1 = vector.broadcast %broadcast_in_dim3A : f32 to vector<16xf32>
    %scan3A = arith.constant 0 : i32
    %scan3A_2 = arith.constant 0 : i32
    %scan3A_3 = arith.constant 128 : i32
    %scan3A_4 = arith.addi %scan3A_2, %scan3A_3 : i32
    %scan3A_5 = arith.constant 1 : i32
    scf.for %scan3A_91 = %scan3A_2 to %scan3A_4 step %scan3A_5  : i32 {
      %swap3A = arith.index_cast %scan3A_91 : i32 to index
      %swap3A_92 = arith.constant 0 : index
      %swap3A_93 = tpu.vector_load %arg9[%swap3A, %swap3A_92] {strides = array<i32>} : memref<128x128xf32, #tpu.memory_space<vmem>>, vector<1x16xf32>,
      %swap3A_94 = vector.shape_cast %swap3A_93 : vector<1x16xf32> to vector<16xf32>
      %swap3A_95 = vector.shape_cast %broadcast_in_dim3A_1 : vector<16xf32> to vector<1x16xf32>
      tpu.vector_store %arg9[%swap3A, %swap3A_92], %swap3A_95 {strides = array<i32>} : memref<128x128xf32, #tpu.memory_space<vmem>>, vector<1x16xf32>,
      %swap3A_96 = arith.index_cast %scan3A_91 : i32 to index
      %swap3A_97 = arith.constant 16 : index
      %swap3A_98 = tpu.vector_load %arg9[%swap3A_96, %swap3A_97] {strides = array<i32>} : memref<128x128xf32, #tpu.memory_space<vmem>>, vector<1x16xf32>,
      %swap3A_99 = vector.shape_cast %swap3A_98 : vector<1x16xf32> to vector<16xf32>
      %swap3A_100 = vector.shape_cast %broadcast_in_dim3A_1 : vector<16xf32> to vector<1x16xf32>
      tpu.vector_store %arg9[%swap3A_96, %swap3A_97], %swap3A_100 {strides = array<i32>} : memref<128x128xf32, #tpu.memory_space<vmem>>, vector<1x16xf32>,
      %swap3A_101 = arith.index_cast %scan3A_91 : i32 to index
      %swap3A_102 = arith.constant 32 : index
      %swap3A_103 = tpu.vector_load %arg9[%swap3A_101, %swap3A_102] {strides = array<i32>} : memref<128x128xf32, #tpu.memory_space<vmem>>, vector<1x16xf32>,
      %swap3A_104 = vector.shape_cast %swap3A_103 : vector<1x16xf32> to vector<16xf32>
      %swap3A_105 = vector.shape_cast %broadcast_in_dim3A_1 : vector<16xf32> to vector<1x16xf32>
      tpu.vector_store %arg9[%swap3A_101, %swap3A_102], %swap3A_105 {strides = array<i32>} : memref<128x128xf32, #tpu.memory_space<vmem>>, vector<1x16xf32>,
      %swap3A_106 = arith.index_cast %scan3A_91 : i32 to index
      %swap3A_107 = arith.constant 48 : index
      %swap3A_108 = tpu.vector_load %arg9[%swap3A_106, %swap3A_107] {strides = array<i32>} : memref<128x128xf32, #tpu.memory_space<vmem>>, vector<1x16xf32>,
      %swap3A_109 = vector.shape_cast %swap3A_108 : vector<1x16xf32> to vector<16xf32>
      %swap3A_110 = vector.shape_cast %broadcast_in_dim3A_1 : vector<16xf32> to vector<1x16xf32>
      tpu.vector_store %arg9[%swap3A_106, %swap3A_107], %swap3A_110 {strides = array<i32>} : memref<128x128xf32, #tpu.memory_space<vmem>>, vector<1x16xf32>,
      %swap3A_111 = arith.index_cast %scan3A_91 : i32 to index
      %swap3A_112 = arith.constant 64 : index
      %swap3A_113 = tpu.vector_load %arg9[%swap3A_111, %swap3A_112] {strides = array<i32>} : memref<128x128xf32, #tpu.memory_space<vmem>>, vector<1x16xf32>,
      %swap3A_114 = vector.shape_cast %swap3A_113 : vector<1x16xf32> to vector<16xf32>
      %swap3A_115 = vector.shape_cast %broadcast_in_dim3A_1 : vector<16xf32> to vector<1x16xf32>
      tpu.vector_store %arg9[%swap3A_111, %swap3A_112], %swap3A_115 {strides = array<i32>} : memref<128x128xf32, #tpu.memory_space<vmem>>, vector<1x16xf32>,
      %swap3A_116 = arith.index_cast %scan3A_91 : i32 to index
      %swap3A_117 = arith.constant 80 : index
      %swap3A_118 = tpu.vector_load %arg9[%swap3A_116, %swap3A_117] {strides = array<i32>} : memref<128x128xf32, #tpu.memory_space<vmem>>, vector<1x16xf32>,
      %swap3A_119 = vector.shape_cast %swap3A_118 : vector<1x16xf32> to vector<16xf32>
      %swap3A_120 = vector.shape_cast %broadcast_in_dim3A_1 : vector<16xf32> to vector<1x16xf32>
      tpu.vector_store %arg9[%swap3A_116, %swap3A_117], %swap3A_120 {strides = array<i32>} : memref<128x128xf32, #tpu.memory_space<vmem>>, vector<1x16xf32>,
      %swap3A_121 = arith.index_cast %scan3A_91 : i32 to index
      %swap3A_122 = arith.constant 96 : index
      %swap3A_123 = tpu.vector_load %arg9[%swap3A_121, %swap3A_122] {strides = array<i32>} : memref<128x128xf32, #tpu.memory_space<vmem>>, vector<1x16xf32>,
      %swap3A_124 = vector.shape_cast %swap3A_123 : vector<1x16xf32> to vector<16xf32>
      %swap3A_125 = vector.shape_cast %broadcast_in_dim3A_1 : vector<16xf32> to vector<1x16xf32>
      tpu.vector_store %arg9[%swap3A_121, %swap3A_122], %swap3A_125 {strides = array<i32>} : memref<128x128xf32, #tpu.memory_space<vmem>>, vector<1x16xf32>,
      %swap3A_126 = arith.index_cast %scan3A_91 : i32 to index
      %swap3A_127 = arith.constant 112 : index
      %swap3A_128 = tpu.vector_load %arg9[%swap3A_126, %swap3A_127] {strides = array<i32>} : memref<128x128xf32, #tpu.memory_space<vmem>>, vector<1x16xf32>,
      %swap3A_129 = vector.shape_cast %swap3A_128 : vector<1x16xf32> to vector<16xf32>
      %swap3A_130 = vector.shape_cast %broadcast_in_dim3A_1 : vector<16xf32> to vector<1x16xf32>
      tpu.vector_store %arg9[%swap3A_126, %swap3A_127], %swap3A_130 {strides = array<i32>} : memref<128x128xf32, #tpu.memory_space<vmem>>, vector<1x16xf32>,
    }
    %scan3A_6 = arith.constant 128 : i32
    %mul3A_7 = arith.constant 632 : i32
    %mul3A_8 = arith.muli %arg1, %mul3A_7 : i32
    %add3A_9 = arith.constant 0 : i32
    %add3A_10 = arith.addi %mul3A_8, %add3A_9 : i32
    "tpu.region"() ({
      %run_scoped3A = tpu.sem_alloc : memref<!tpu.dma_semaphore, #tpu.memory_space<semaphore_mem>>
      %dma_start3A_91 = arith.constant 0 : i32
      %dma_start3A_92 = tpu.memref_slice %arg11[%add3A_10, %dma_start3A_91] : memref<10112x128xf32, #tpu.memory_space<vmem_shared>> -> memref<128x128xf32, #tpu.memory_space<vmem_shared>>
      %dma_start3A_93 = arith.constant 0 : i32
      %dma_start3A_94 = tpu.memref_slice %arg11[%add3A_10, %dma_start3A_93] : memref<10112x128xf32, #tpu.memory_space<vmem_shared>> -> memref<128x128xf32, #tpu.memory_space<vmem_shared>>
      tpu.enqueue_dma source(%arg9 : memref<128x128xf32, #tpu.memory_space<vmem>>) target(%dma_start3A_94 : memref<128x128xf32, #tpu.memory_space<vmem_shared>>) target_semaphore(%run_scoped3A : memref<!tpu.dma_semaphore, #tpu.memory_space<semaphore_mem>>)
      %dma_wait3A_95 = arith.constant 0 : i32
      %dma_wait3A_96 = tpu.memref_slice %arg11[%add3A_10, %dma_wait3A_95] : memref<10112x128xf32, #tpu.memory_space<vmem_shared>> -> memref<128x128xf32, #tpu.memory_space<vmem_shared>>
      %dma_wait3A_97 = arith.constant 0 : i32
      %dma_wait3A_98 = tpu.memref_slice %arg11[%add3A_10, %dma_wait3A_97] : memref<10112x128xf32, #tpu.memory_space<vmem_shared>> -> memref<128x128xf32, #tpu.memory_space<vmem_shared>>
      tpu.wait_dma2 semaphore(%run_scoped3A : memref<!tpu.dma_semaphore, #tpu.memory_space<semaphore_mem>>) src(%arg9 : memref<128x128xf32, #tpu.memory_space<vmem>>) dst(%dma_wait3A_98 : memref<128x128xf32, #tpu.memory_space<vmem_shared>>)
      tpu.yield
    }) : () -> ()
    %mul3A_11 = arith.constant 632 : i32
    %mul3A_12 = arith.muli %arg1, %mul3A_11 : i32
    %add3A_13 = arith.constant 128 : i32
    %add3A_14 = arith.addi %mul3A_12, %add3A_13 : i32
    "tpu.region"() ({
      %run_scoped3A = tpu.sem_alloc : memref<!tpu.dma_semaphore, #tpu.memory_space<semaphore_mem>>
      %dma_start3A_91 = arith.constant 0 : i32
      %dma_start3A_92 = tpu.memref_slice %arg11[%add3A_14, %dma_start3A_91] : memref<10112x128xf32, #tpu.memory_space<vmem_shared>> -> memref<128x128xf32, #tpu.memory_space<vmem_shared>>
      %dma_start3A_93 = arith.constant 0 : i32
      %dma_start3A_94 = tpu.memref_slice %arg11[%add3A_14, %dma_start3A_93] : memref<10112x128xf32, #tpu.memory_space<vmem_shared>> -> memref<128x128xf32, #tpu.memory_space<vmem_shared>>
      tpu.enqueue_dma source(%arg9 : memref<128x128xf32, #tpu.memory_space<vmem>>) target(%dma_start3A_94 : memref<128x128xf32, #tpu.memory_space<vmem_shared>>) target_semaphore(%run_scoped3A : memref<!tpu.dma_semaphore, #tpu.memory_space<semaphore_mem>>)
      %dma_wait3A_95 = arith.constant 0 : i32
      %dma_wait3A_96 = tpu.memref_slice %arg11[%add3A_14, %dma_wait3A_95] : memref<10112x128xf32, #tpu.memory_space<vmem_shared>> -> memref<128x128xf32, #tpu.memory_space<vmem_shared>>
      %dma_wait3A_97 = arith.constant 0 : i32
      %dma_wait3A_98 = tpu.memref_slice %arg11[%add3A_14, %dma_wait3A_97] : memref<10112x128xf32, #tpu.memory_space<vmem_shared>> -> memref<128x128xf32, #tpu.memory_space<vmem_shared>>
      tpu.wait_dma2 semaphore(%run_scoped3A : memref<!tpu.dma_semaphore, #tpu.memory_space<semaphore_mem>>) src(%arg9 : memref<128x128xf32, #tpu.memory_space<vmem>>) dst(%dma_wait3A_98 : memref<128x128xf32, #tpu.memory_space<vmem_shared>>)
      tpu.yield
    }) : () -> ()
    %mul3A_15 = arith.constant 632 : i32
    %mul3A_16 = arith.muli %arg1, %mul3A_15 : i32
    %add3A_17 = arith.constant 256 : i32
    %add3A_18 = arith.addi %mul3A_16, %add3A_17 : i32
    "tpu.region"() ({
      %run_scoped3A = tpu.sem_alloc : memref<!tpu.dma_semaphore, #tpu.memory_space<semaphore_mem>>
      %dma_start3A_91 = arith.constant 0 : i32
      %dma_start3A_92 = tpu.memref_slice %arg11[%add3A_18, %dma_start3A_91] : memref<10112x128xf32, #tpu.memory_space<vmem_shared>> -> memref<128x128xf32, #tpu.memory_space<vmem_shared>>
      %dma_start3A_93 = arith.constant 0 : i32
      %dma_start3A_94 = tpu.memref_slice %arg11[%add3A_18, %dma_start3A_93] : memref<10112x128xf32, #tpu.memory_space<vmem_shared>> -> memref<128x128xf32, #tpu.memory_space<vmem_shared>>
      tpu.enqueue_dma source(%arg9 : memref<128x128xf32, #tpu.memory_space<vmem>>) target(%dma_start3A_94 : memref<128x128xf32, #tpu.memory_space<vmem_shared>>) target_semaphore(%run_scoped3A : memref<!tpu.dma_semaphore, #tpu.memory_space<semaphore_mem>>)
      %dma_wait3A_95 = arith.constant 0 : i32
      %dma_wait3A_96 = tpu.memref_slice %arg11[%add3A_18, %dma_wait3A_95] : memref<10112x128xf32, #tpu.memory_space<vmem_shared>> -> memref<128x128xf32, #tpu.memory_space<vmem_shared>>
      %dma_wait3A_97 = arith.constant 0 : i32
      %dma_wait3A_98 = tpu.memref_slice %arg11[%add3A_18, %dma_wait3A_97] : memref<10112x128xf32, #tpu.memory_space<vmem_shared>> -> memref<128x128xf32, #tpu.memory_space<vmem_shared>>
      tpu.wait_dma2 semaphore(%run_scoped3A : memref<!tpu.dma_semaphore, #tpu.memory_space<semaphore_mem>>) src(%arg9 : memref<128x128xf32, #tpu.memory_space<vmem>>) dst(%dma_wait3A_98 : memref<128x128xf32, #tpu.memory_space<vmem_shared>>)
      tpu.yield
    }) : () -> ()
    %mul3A_19 = arith.constant 632 : i32
    %mul3A_20 = arith.muli %arg1, %mul3A_19 : i32
    %add3A_21 = arith.constant 384 : i32
    %add3A_22 = arith.addi %mul3A_20, %add3A_21 : i32
    "tpu.region"() ({
      %run_scoped3A = tpu.sem_alloc : memref<!tpu.dma_semaphore, #tpu.memory_space<semaphore_mem>>
      %dma_start3A_91 = arith.constant 0 : i32
      %dma_start3A_92 = tpu.memref_slice %arg11[%add3A_22, %dma_start3A_91] : memref<10112x128xf32, #tpu.memory_space<vmem_shared>> -> memref<128x128xf32, #tpu.memory_space<vmem_shared>>
      %dma_start3A_93 = arith.constant 0 : i32
      %dma_start3A_94 = tpu.memref_slice %arg11[%add3A_22, %dma_start3A_93] : memref<10112x128xf32, #tpu.memory_space<vmem_shared>> -> memref<128x128xf32, #tpu.memory_space<vmem_shared>>
      tpu.enqueue_dma source(%arg9 : memref<128x128xf32, #tpu.memory_space<vmem>>) target(%dma_start3A_94 : memref<128x128xf32, #tpu.memory_space<vmem_shared>>) target_semaphore(%run_scoped3A : memref<!tpu.dma_semaphore, #tpu.memory_space<semaphore_mem>>)
      %dma_wait3A_95 = arith.constant 0 : i32
      %dma_wait3A_96 = tpu.memref_slice %arg11[%add3A_22, %dma_wait3A_95] : memref<10112x128xf32, #tpu.memory_space<vmem_shared>> -> memref<128x128xf32, #tpu.memory_space<vmem_shared>>
      %dma_wait3A_97 = arith.constant 0 : i32
      %dma_wait3A_98 = tpu.memref_slice %arg11[%add3A_22, %dma_wait3A_97] : memref<10112x128xf32, #tpu.memory_space<vmem_shared>> -> memref<128x128xf32, #tpu.memory_space<vmem_shared>>
      tpu.wait_dma2 semaphore(%run_scoped3A : memref<!tpu.dma_semaphore, #tpu.memory_space<semaphore_mem>>) src(%arg9 : memref<128x128xf32, #tpu.memory_space<vmem>>) dst(%dma_wait3A_98 : memref<128x128xf32, #tpu.memory_space<vmem_shared>>)
      tpu.yield
    }) : () -> ()
    %mul3A_23 = arith.constant 632 : i32
    %mul3A_24 = arith.muli %arg1, %mul3A_23 : i32
    %add3A_25 = arith.constant 512 : i32
    %add3A_26 = arith.addi %mul3A_24, %add3A_25 : i32
    "tpu.region"() ({
      %run_scoped3A = tpu.sem_alloc : memref<!tpu.dma_semaphore, #tpu.memory_space<semaphore_mem>>
      %dma_start3A_91 = arith.constant 0 : i32
      %dma_start3A_92 = arith.constant 0 : i32
      %dma_start3A_93 = tpu.memref_slice %arg9[%dma_start3A_91, %dma_start3A_92] : memref<128x128xf32, #tpu.memory_space<vmem>> -> memref<120x128xf32, #tpu.memory_space<vmem>>
      %dma_start3A_94 = arith.constant 0 : i32
      %dma_start3A_95 = tpu.memref_slice %arg11[%add3A_26, %dma_start3A_94] : memref<10112x128xf32, #tpu.memory_space<vmem_shared>> -> memref<120x128xf32, #tpu.memory_space<vmem_shared>>
      %dma_start3A_96 = arith.constant 0 : i32
      %dma_start3A_97 = tpu.memref_slice %arg11[%add3A_26, %dma_start3A_96] : memref<10112x128xf32, #tpu.memory_space<vmem_shared>> -> memref<120x128xf32, #tpu.memory_space<vmem_shared>>
      %dma_start3A_98 = arith.constant 0 : i32
      %dma_start3A_99 = arith.constant 0 : i32
      %dma_start3A_100 = tpu.memref_slice %arg9[%dma_start3A_98, %dma_start3A_99] : memref<128x128xf32, #tpu.memory_space<vmem>> -> memref<120x128xf32, #tpu.memory_space<vmem>>
      tpu.enqueue_dma source(%dma_start3A_100 : memref<120x128xf32, #tpu.memory_space<vmem>>) target(%dma_start3A_97 : memref<120x128xf32, #tpu.memory_space<vmem_shared>>) target_semaphore(%run_scoped3A : memref<!tpu.dma_semaphore, #tpu.memory_space<semaphore_mem>>)
      %dma_wait3A_101 = arith.constant 0 : i32
      %dma_wait3A_102 = arith.constant 0 : i32
      %dma_wait3A_103 = tpu.memref_slice %arg9[%dma_wait3A_101, %dma_wait3A_102] : memref<128x128xf32, #tpu.memory_space<vmem>> -> memref<120x128xf32, #tpu.memory_space<vmem>>
      %dma_wait3A_104 = arith.constant 0 : i32
      %dma_wait3A_105 = tpu.memref_slice %arg11[%add3A_26, %dma_wait3A_104] : memref<10112x128xf32, #tpu.memory_space<vmem_shared>> -> memref<120x128xf32, #tpu.memory_space<vmem_shared>>
      %dma_wait3A_106 = arith.constant 0 : i32
      %dma_wait3A_107 = tpu.memref_slice %arg11[%add3A_26, %dma_wait3A_106] : memref<10112x128xf32, #tpu.memory_space<vmem_shared>> -> memref<120x128xf32, #tpu.memory_space<vmem_shared>>
      %dma_wait3A_108 = arith.constant 0 : i32
      %dma_wait3A_109 = arith.constant 0 : i32
      %dma_wait3A_110 = tpu.memref_slice %arg9[%dma_wait3A_108, %dma_wait3A_109] : memref<128x128xf32, #tpu.memory_space<vmem>> -> memref<120x128xf32, #tpu.memory_space<vmem>>
      tpu.wait_dma2 semaphore(%run_scoped3A : memref<!tpu.dma_semaphore, #tpu.memory_space<semaphore_mem>>) src(%dma_wait3A_110 : memref<120x128xf32, #tpu.memory_space<vmem>>) dst(%dma_wait3A_107 : memref<120x128xf32, #tpu.memory_space<vmem_shared>>)
      tpu.yield
    }) : () -> ()
    "tpu.region"() ({
      %run_scoped3A = tpu.sem_alloc : memref<!tpu.dma_semaphore, #tpu.memory_space<semaphore_mem>>
      %dma_start3A_91 = arith.constant 0 : i32
      %dma_start3A_92 = arith.constant 0 : i32
      %dma_start3A_93 = tpu.memref_slice %arg4[%arg1, %dma_start3A_91, %dma_start3A_92] : memref<16x80x128xi32, #tpu.memory_space<hbm>> -> memref<1x80x128xi32, #tpu.memory_space<hbm>>
      %dma_start3A_94 = tpu.memref_squeeze %dma_start3A_93 : memref<1x80x128xi32, #tpu.memory_space<hbm>> -> memref<80x128xi32, #tpu.memory_space<hbm>>
      %dma_start3A_95 = arith.constant 0 : i32
      %dma_start3A_96 = arith.constant 0 : i32
      %dma_start3A_97 = tpu.memref_slice %arg4[%arg1, %dma_start3A_95, %dma_start3A_96] : memref<16x80x128xi32, #tpu.memory_space<hbm>> -> memref<1x80x128xi32, #tpu.memory_space<hbm>>
      %dma_start3A_98 = tpu.memref_squeeze %dma_start3A_97 : memref<1x80x128xi32, #tpu.memory_space<hbm>> -> memref<80x128xi32, #tpu.memory_space<hbm>>
      tpu.enqueue_dma source(%dma_start3A_98 : memref<80x128xi32, #tpu.memory_space<hbm>>) target(%arg8 : memref<80x128xi32, #tpu.memory_space<vmem>>) target_semaphore(%run_scoped3A : memref<!tpu.dma_semaphore, #tpu.memory_space<semaphore_mem>>)
      %dma_wait3A_99 = arith.constant 0 : i32
      %dma_wait3A_100 = arith.constant 0 : i32
      %dma_wait3A_101 = tpu.memref_slice %arg4[%arg1, %dma_wait3A_99, %dma_wait3A_100] : memref<16x80x128xi32, #tpu.memory_space<hbm>> -> memref<1x80x128xi32, #tpu.memory_space<hbm>>
      %dma_wait3A_102 = tpu.memref_squeeze %dma_wait3A_101 : memref<1x80x128xi32, #tpu.memory_space<hbm>> -> memref<80x128xi32, #tpu.memory_space<hbm>>
      %dma_wait3A_103 = arith.constant 0 : i32
      %dma_wait3A_104 = arith.constant 0 : i32
      %dma_wait3A_105 = tpu.memref_slice %arg4[%arg1, %dma_wait3A_103, %dma_wait3A_104] : memref<16x80x128xi32, #tpu.memory_space<hbm>> -> memref<1x80x128xi32, #tpu.memory_space<hbm>>
      %dma_wait3A_106 = tpu.memref_squeeze %dma_wait3A_105 : memref<1x80x128xi32, #tpu.memory_space<hbm>> -> memref<80x128xi32, #tpu.memory_space<hbm>>
      tpu.wait_dma2 semaphore(%run_scoped3A : memref<!tpu.dma_semaphore, #tpu.memory_space<semaphore_mem>>) src(%dma_wait3A_106 : memref<80x128xi32, #tpu.memory_space<hbm>>) dst(%arg8 : memref<80x128xi32, #tpu.memory_space<vmem>>)
      tpu.yield
    }) : () -> ()
    %barrier3A = arith.constant 0 : index
    tpu.barrier barrier_id(%barrier3A)
    %dma_start3A = arith.constant 0 : i32
    %dma_start3A_27 = arith.constant 0 : i32
    %dma_start3A_28 = tpu.memref_slice %arg3[%add3A, %dma_start3A, %dma_start3A_27] : memref<32x80x128xi32, #tpu.memory_space<hbm>> -> memref<1x1x128xi32, #tpu.memory_space<hbm>>
    %dma_start3A_29 = tpu.memref_squeeze %dma_start3A_28 : memref<1x1x128xi32, #tpu.memory_space<hbm>> -> memref<128xi32, #tpu.memory_space<hbm>>
    %dma_start3A_30 = arith.constant 0 : i32
    %dma_start3A_31 = tpu.memref_slice %arg3[%add3A, %dma_start3A, %dma_start3A_30] : memref<32x80x128xi32, #tpu.memory_space<hbm>> -> memref<1x1x128xi32, #tpu.memory_space<hbm>>
    %dma_start3A_32 = tpu.memref_squeeze %dma_start3A_31 : memref<1x1x128xi32, #tpu.memory_space<hbm>> -> memref<128xi32, #tpu.memory_space<hbm>>
    tpu.enqueue_dma source(%dma_start3A_32 : memref<128xi32, #tpu.memory_space<hbm>>) target(%arg6 : memref<128xi32, #tpu.memory_space<vmem>>) target_semaphore(%arg12 : memref<!tpu.dma_semaphore, #tpu.memory_space<semaphore_mem>>)
    %dma_start3A_33 = arith.constant 1 : i32
    %dma_start3A_34 = arith.constant 0 : i32
    %dma_start3A_35 = tpu.memref_slice %arg3[%add3A, %dma_start3A_33, %dma_start3A_34] : memref<32x80x128xi32, #tpu.memory_space<hbm>> -> memref<1x1x128xi32, #tpu.memory_space<hbm>>
    %dma_start3A_36 = tpu.memref_squeeze %dma_start3A_35 : memref<1x1x128xi32, #tpu.memory_space<hbm>> -> memref<128xi32, #tpu.memory_space<hbm>>
    %dma_start3A_37 = arith.constant 0 : i32
    %dma_start3A_38 = tpu.memref_slice %arg3[%add3A, %dma_start3A_33, %dma_start3A_37] : memref<32x80x128xi32, #tpu.memory_space<hbm>> -> memref<1x1x128xi32, #tpu.memory_space<hbm>>
    %dma_start3A_39 = tpu.memref_squeeze %dma_start3A_38 : memref<1x1x128xi32, #tpu.memory_space<hbm>> -> memref<128xi32, #tpu.memory_space<hbm>>
    tpu.enqueue_dma source(%dma_start3A_39 : memref<128xi32, #tpu.memory_space<hbm>>) target(%arg7 : memref<128xi32, #tpu.memory_space<vmem>>) target_semaphore(%arg13 : memref<!tpu.dma_semaphore, #tpu.memory_space<semaphore_mem>>)
    %dma_start3A_40 = arith.constant 0 : i32
    %dma_start3A_41 = arith.constant 0 : i32
    %dma_start3A_42 = tpu.memref_slice %arg2[%dma_start3A_40, %dma_start3A_41] : memref<20000x128xf32, #tpu.memory_space<hbm>> -> memref<128x128xf32, #tpu.memory_space<hbm>>
    %dma_start3A_43 = arith.constant 0 : i32
    %dma_start3A_44 = arith.constant 0 : i32
    %dma_start3A_45 = tpu.memref_slice %arg2[%dma_start3A_43, %dma_start3A_44] : memref<20000x128xf32, #tpu.memory_space<hbm>> -> memref<128x128xf32, #tpu.memory_space<hbm>>
    tpu.enqueue_dma source(%dma_start3A_45 : memref<128x128xf32, #tpu.memory_space<hbm>>) target(%arg9 : memref<128x128xf32, #tpu.memory_space<vmem>>) target_semaphore(%arg16 : memref<!tpu.dma_semaphore, #tpu.memory_space<semaphore_mem>>)
    %dma_start3A_46 = arith.constant 0 : i32
    %dma_start3A_47 = arith.constant 0 : i32
    %dma_start3A_48 = tpu.memref_slice %arg2[%dma_start3A_46, %dma_start3A_47] : memref<20000x128xf32, #tpu.memory_space<hbm>> -> memref<128x128xf32, #tpu.memory_space<hbm>>
    %dma_start3A_49 = arith.constant 0 : i32
    %dma_start3A_50 = arith.constant 0 : i32
    %dma_start3A_51 = tpu.memref_slice %arg2[%dma_start3A_49, %dma_start3A_50] : memref<20000x128xf32, #tpu.memory_space<hbm>> -> memref<128x128xf32, #tpu.memory_space<hbm>>
    tpu.enqueue_dma source(%dma_start3A_51 : memref<128x128xf32, #tpu.memory_space<hbm>>) target(%arg10 : memref<128x128xf32, #tpu.memory_space<vmem>>) target_semaphore(%arg17 : memref<!tpu.dma_semaphore, #tpu.memory_space<semaphore_mem>>)
    %scan3A_52 = arith.constant 0 : i32
    %scan3A_53 = arith.constant 0 : i32
    %scan3A_54 = arith.constant 40 : i32
    %scan3A_55 = arith.addi %scan3A_53, %scan3A_54 : i32
    %scan3A_56 = arith.constant 1 : i32
    scf.for %scan3A_91 = %scan3A_53 to %scan3A_55 step %scan3A_56  : i32 {
      %mul3A_92 = arith.constant 2 : i32
      %mul3A_93 = arith.muli %scan3A_91, %mul3A_92 : i32
      %add3A_94 = arith.constant 0 : i32
      %add3A_95 = arith.addi %mul3A_93, %add3A_94 : i32
      %dma_wait3A_96 = arith.constant 0 : i32
      %dma_wait3A_97 = arith.constant 0 : i32
      %dma_wait3A_98 = tpu.memref_slice %arg3[%add3A, %dma_wait3A_96, %dma_wait3A_97] : memref<32x80x128xi32, #tpu.memory_space<hbm>> -> memref<1x1x128xi32, #tpu.memory_space<hbm>>
      %dma_wait3A_99 = tpu.memref_squeeze %dma_wait3A_98 : memref<1x1x128xi32, #tpu.memory_space<hbm>> -> memref<128xi32, #tpu.memory_space<hbm>>
      %dma_wait3A_100 = arith.constant 0 : i32
      %dma_wait3A_101 = tpu.memref_slice %arg3[%add3A, %dma_wait3A_96, %dma_wait3A_100] : memref<32x80x128xi32, #tpu.memory_space<hbm>> -> memref<1x1x128xi32, #tpu.memory_space<hbm>>
      %dma_wait3A_102 = tpu.memref_squeeze %dma_wait3A_101 : memref<1x1x128xi32, #tpu.memory_space<hbm>> -> memref<128xi32, #tpu.memory_space<hbm>>
      tpu.wait_dma2 semaphore(%arg12 : memref<!tpu.dma_semaphore, #tpu.memory_space<semaphore_mem>>) src(%dma_wait3A_102 : memref<128xi32, #tpu.memory_space<hbm>>) dst(%arg6 : memref<128xi32, #tpu.memory_space<vmem>>)
      %dma_wait3A_103 = arith.constant 0 : i32
      %dma_wait3A_104 = arith.constant 0 : i32
      %dma_wait3A_105 = tpu.memref_slice %arg2[%dma_wait3A_103, %dma_wait3A_104] : memref<20000x128xf32, #tpu.memory_space<hbm>> -> memref<128x128xf32, #tpu.memory_space<hbm>>
      %dma_wait3A_106 = arith.constant 0 : i32
      %dma_wait3A_107 = arith.constant 0 : i32
      %dma_wait3A_108 = tpu.memref_slice %arg2[%dma_wait3A_106, %dma_wait3A_107] : memref<20000x128xf32, #tpu.memory_space<hbm>> -> memref<128x128xf32, #tpu.memory_space<hbm>>
      tpu.wait_dma2 semaphore(%arg16 : memref<!tpu.dma_semaphore, #tpu.memory_space<semaphore_mem>>) src(%dma_wait3A_108 : memref<128x128xf32, #tpu.memory_space<hbm>>) dst(%arg9 : memref<128x128xf32, #tpu.memory_space<vmem>>)
      %dma_start3A_109 = arith.constant 0 : i32
      %dma_start3A_110 = arith.constant 0 : i32
      %dma_start3A_111 = tpu.memref_slice %arg2[%dma_start3A_109, %dma_start3A_110] : memref<20000x128xf32, #tpu.memory_space<hbm>> -> memref<20000x128xf32, #tpu.memory_space<hbm>>
      tpu.enqueue_indirect_dma source(%dma_start3A_111 : memref<20000x128xf32, #tpu.memory_space<hbm>>) target(%arg9 : memref<128x128xf32, #tpu.memory_space<vmem>>) offsets(%arg6 : memref<128xi32, #tpu.memory_space<vmem>>) semaphore(%arg14 : memref<!tpu.dma_semaphore, #tpu.memory_space<semaphore_mem>>)
      %dma_wait3A_112 = arith.constant 0 : i32
      %dma_wait3A_113 = arith.constant 0 : i32
      %dma_wait3A_114 = tpu.memref_slice %arg2[%dma_wait3A_112, %dma_wait3A_113] : memref<20000x128xf32, #tpu.memory_space<hbm>> -> memref<128x128xf32, #tpu.memory_space<hbm>>
      %dma_wait3A_115 = arith.constant 0 : i32
      %dma_wait3A_116 = arith.constant 0 : i32
      %dma_wait3A_117 = tpu.memref_slice %arg2[%dma_wait3A_115, %dma_wait3A_116] : memref<20000x128xf32, #tpu.memory_space<hbm>> -> memref<128x128xf32, #tpu.memory_space<hbm>>
      tpu.wait_dma2 semaphore(%arg14 : memref<!tpu.dma_semaphore, #tpu.memory_space<semaphore_mem>>) src(%dma_wait3A_117 : memref<128x128xf32, #tpu.memory_space<hbm>>) dst(%arg9 : memref<128x128xf32, #tpu.memory_space<vmem>>)
      %dma_start3A_118 = arith.constant 0 : i32
      %dma_start3A_119 = tpu.memref_slice %arg8[%add3A_95, %dma_start3A_118] : memref<80x128xi32, #tpu.memory_space<vmem>> -> memref<1x128xi32, #tpu.memory_space<vmem>>
      %dma_start3A_120 = tpu.memref_squeeze %dma_start3A_119 : memref<1x128xi32, #tpu.memory_space<vmem>> -> memref<128xi32, #tpu.memory_space<vmem>>
      %dma_start3A_121 = arith.constant 0 : i32
      %dma_start3A_122 = arith.constant 0 : i32
      %dma_start3A_123 = tpu.memref_slice %arg11[%dma_start3A_121, %dma_start3A_122] : memref<10112x128xf32, #tpu.memory_space<vmem_shared>> -> memref<10112x128xf32, #tpu.memory_space<vmem_shared>>
      tpu.enqueue_indirect_dma source(%arg9 : memref<128x128xf32, #tpu.memory_space<vmem>>) target(%dma_start3A_123 : memref<10112x128xf32, #tpu.memory_space<vmem_shared>>) offsets(%dma_start3A_120 : memref<128xi32, #tpu.memory_space<vmem>>) semaphore(%arg16 : memref<!tpu.dma_semaphore, #tpu.memory_space<semaphore_mem>>) {add = true}
      %add3A_124 = arith.constant 2 : i32
      %add3A_125 = arith.addi %add3A_95, %add3A_124 : i32
      %lt3A = arith.constant 80 : i32
      %lt3A_126 = arith.cmpi slt, %add3A_125, %lt3A : i32
      %jit3A = arith.constant 0 : i32
      %select_n3A = arith.select %lt3A_126, %add3A_125, %jit3A : i32
      %dma_start3A_127 = arith.constant 0 : i32
      %dma_start3A_128 = tpu.memref_slice %arg3[%add3A, %select_n3A, %dma_start3A_127] : memref<32x80x128xi32, #tpu.memory_space<hbm>> -> memref<1x1x128xi32, #tpu.memory_space<hbm>>
      %dma_start3A_129 = tpu.memref_squeeze %dma_start3A_128 : memref<1x1x128xi32, #tpu.memory_space<hbm>> -> memref<128xi32, #tpu.memory_space<hbm>>
      %dma_start3A_130 = arith.constant 0 : i32
      %dma_start3A_131 = tpu.memref_slice %arg3[%add3A, %select_n3A, %dma_start3A_130] : memref<32x80x128xi32, #tpu.memory_space<hbm>> -> memref<1x1x128xi32, #tpu.memory_space<hbm>>
      %dma_start3A_132 = tpu.memref_squeeze %dma_start3A_131 : memref<1x1x128xi32, #tpu.memory_space<hbm>> -> memref<128xi32, #tpu.memory_space<hbm>>
      tpu.enqueue_dma source(%dma_start3A_132 : memref<128xi32, #tpu.memory_space<hbm>>) target(%arg6 : memref<128xi32, #tpu.memory_space<vmem>>) target_semaphore(%arg12 : memref<!tpu.dma_semaphore, #tpu.memory_space<semaphore_mem>>)
      %add3A_133 = arith.constant 1 : i32
      %add3A_134 = arith.addi %mul3A_93, %add3A_133 : i32
      %dma_wait3A_135 = arith.constant 0 : i32
      %dma_wait3A_136 = arith.constant 0 : i32
      %dma_wait3A_137 = tpu.memref_slice %arg3[%add3A, %dma_wait3A_135, %dma_wait3A_136] : memref<32x80x128xi32, #tpu.memory_space<hbm>> -> memref<1x1x128xi32, #tpu.memory_space<hbm>>
      %dma_wait3A_138 = tpu.memref_squeeze %dma_wait3A_137 : memref<1x1x128xi32, #tpu.memory_space<hbm>> -> memref<128xi32, #tpu.memory_space<hbm>>
      %dma_wait3A_139 = arith.constant 0 : i32
      %dma_wait3A_140 = tpu.memref_slice %arg3[%add3A, %dma_wait3A_135, %dma_wait3A_139] : memref<32x80x128xi32, #tpu.memory_space<hbm>> -> memref<1x1x128xi32, #tpu.memory_space<hbm>>
      %dma_wait3A_141 = tpu.memref_squeeze %dma_wait3A_140 : memref<1x1x128xi32, #tpu.memory_space<hbm>> -> memref<128xi32, #tpu.memory_space<hbm>>
      tpu.wait_dma2 semaphore(%arg13 : memref<!tpu.dma_semaphore, #tpu.memory_space<semaphore_mem>>) src(%dma_wait3A_141 : memref<128xi32, #tpu.memory_space<hbm>>) dst(%arg7 : memref<128xi32, #tpu.memory_space<vmem>>)
      %dma_wait3A_142 = arith.constant 0 : i32
      %dma_wait3A_143 = arith.constant 0 : i32
      %dma_wait3A_144 = tpu.memref_slice %arg2[%dma_wait3A_142, %dma_wait3A_143] : memref<20000x128xf32, #tpu.memory_space<hbm>> -> memref<128x128xf32, #tpu.memory_space<hbm>>
      %dma_wait3A_145 = arith.constant 0 : i32
      %dma_wait3A_146 = arith.constant 0 : i32
      %dma_wait3A_147 = tpu.memref_slice %arg2[%dma_wait3A_145, %dma_wait3A_146] : memref<20000x128xf32, #tpu.memory_space<hbm>> -> memref<128x128xf32, #tpu.memory_space<hbm>>
      tpu.wait_dma2 semaphore(%arg17 : memref<!tpu.dma_semaphore, #tpu.memory_space<semaphore_mem>>) src(%dma_wait3A_147 : memref<128x128xf32, #tpu.memory_space<hbm>>) dst(%arg10 : memref<128x128xf32, #tpu.memory_space<vmem>>)
      %dma_start3A_148 = arith.constant 0 : i32
      %dma_start3A_149 = arith.constant 0 : i32
      %dma_start3A_150 = tpu.memref_slice %arg2[%dma_start3A_148, %dma_start3A_149] : memref<20000x128xf32, #tpu.memory_space<hbm>> -> memref<20000x128xf32, #tpu.memory_space<hbm>>
      tpu.enqueue_indirect_dma source(%dma_start3A_150 : memref<20000x128xf32, #tpu.memory_space<hbm>>) target(%arg10 : memref<128x128xf32, #tpu.memory_space<vmem>>) offsets(%arg7 : memref<128xi32, #tpu.memory_space<vmem>>) semaphore(%arg15 : memref<!tpu.dma_semaphore, #tpu.memory_space<semaphore_mem>>)
      %dma_wait3A_151 = arith.constant 0 : i32
      %dma_wait3A_152 = arith.constant 0 : i32
      %dma_wait3A_153 = tpu.memref_slice %arg2[%dma_wait3A_151, %dma_wait3A_152] : memref<20000x128xf32, #tpu.memory_space<hbm>> -> memref<128x128xf32, #tpu.memory_space<hbm>>
      %dma_wait3A_154 = arith.constant 0 : i32
      %dma_wait3A_155 = arith.constant 0 : i32
      %dma_wait3A_156 = tpu.memref_slice %arg2[%dma_wait3A_154, %dma_wait3A_155] : memref<20000x128xf32, #tpu.memory_space<hbm>> -> memref<128x128xf32, #tpu.memory_space<hbm>>
      tpu.wait_dma2 semaphore(%arg15 : memref<!tpu.dma_semaphore, #tpu.memory_space<semaphore_mem>>) src(%dma_wait3A_156 : memref<128x128xf32, #tpu.memory_space<hbm>>) dst(%arg10 : memref<128x128xf32, #tpu.memory_space<vmem>>)
      %dma_start3A_157 = arith.constant 0 : i32
      %dma_start3A_158 = tpu.memref_slice %arg8[%add3A_134, %dma_start3A_157] : memref<80x128xi32, #tpu.memory_space<vmem>> -> memref<1x128xi32, #tpu.memory_space<vmem>>
      %dma_start3A_159 = tpu.memref_squeeze %dma_start3A_158 : memref<1x128xi32, #tpu.memory_space<vmem>> -> memref<128xi32, #tpu.memory_space<vmem>>
      %dma_start3A_160 = arith.constant 0 : i32
      %dma_start3A_161 = arith.constant 0 : i32
      %dma_start3A_162 = tpu.memref_slice %arg11[%dma_start3A_160, %dma_start3A_161] : memref<10112x128xf32, #tpu.memory_space<vmem_shared>> -> memref<10112x128xf32, #tpu.memory_space<vmem_shared>>
      tpu.enqueue_indirect_dma source(%arg10 : memref<128x128xf32, #tpu.memory_space<vmem>>) target(%dma_start3A_162 : memref<10112x128xf32, #tpu.memory_space<vmem_shared>>) offsets(%dma_start3A_159 : memref<128xi32, #tpu.memory_space<vmem>>) semaphore(%arg17 : memref<!tpu.dma_semaphore, #tpu.memory_space<semaphore_mem>>) {add = true}
      %add3A_163 = arith.constant 2 : i32
      %add3A_164 = arith.addi %add3A_134, %add3A_163 : i32
      %lt3A_165 = arith.constant 80 : i32
      %lt3A_166 = arith.cmpi slt, %add3A_164, %lt3A_165 : i32
      %jit3A_167 = arith.constant 0 : i32
      %select_n3A_168 = arith.select %lt3A_166, %add3A_164, %jit3A_167 : i32
      %dma_start3A_169 = arith.constant 0 : i32
      %dma_start3A_170 = tpu.memref_slice %arg3[%add3A, %select_n3A_168, %dma_start3A_169] : memref<32x80x128xi32, #tpu.memory_space<hbm>> -> memref<1x1x128xi32, #tpu.memory_space<hbm>>
      %dma_start3A_171 = tpu.memref_squeeze %dma_start3A_170 : memref<1x1x128xi32, #tpu.memory_space<hbm>> -> memref<128xi32, #tpu.memory_space<hbm>>
      %dma_start3A_172 = arith.constant 0 : i32
      %dma_start3A_173 = tpu.memref_slice %arg3[%add3A, %select_n3A_168, %dma_start3A_172] : memref<32x80x128xi32, #tpu.memory_space<hbm>> -> memref<1x1x128xi32, #tpu.memory_space<hbm>>
      %dma_start3A_174 = tpu.memref_squeeze %dma_start3A_173 : memref<1x1x128xi32, #tpu.memory_space<hbm>> -> memref<128xi32, #tpu.memory_space<hbm>>
      tpu.enqueue_dma source(%dma_start3A_174 : memref<128xi32, #tpu.memory_space<hbm>>) target(%arg7 : memref<128xi32, #tpu.memory_space<vmem>>) target_semaphore(%arg13 : memref<!tpu.dma_semaphore, #tpu.memory_space<semaphore_mem>>)
    }
    %scan3A_57 = arith.constant 40 : i32
    %dma_wait3A = arith.constant 0 : i32
    %dma_wait3A_58 = arith.constant 0 : i32
    %dma_wait3A_59 = tpu.memref_slice %arg2[%dma_wait3A, %dma_wait3A_58] : memref<20000x128xf32, #tpu.memory_space<hbm>> -> memref<128x128xf32, #tpu.memory_space<hbm>>
    %dma_wait3A_60 = arith.constant 0 : i32
    %dma_wait3A_61 = arith.constant 0 : i32
    %dma_wait3A_62 = tpu.memref_slice %arg2[%dma_wait3A_60, %dma_wait3A_61] : memref<20000x128xf32, #tpu.memory_space<hbm>> -> memref<128x128xf32, #tpu.memory_space<hbm>>
    tpu.wait_dma2 semaphore(%arg16 : memref<!tpu.dma_semaphore, #tpu.memory_space<semaphore_mem>>) src(%dma_wait3A_62 : memref<128x128xf32, #tpu.memory_space<hbm>>) dst(%arg9 : memref<128x128xf32, #tpu.memory_space<vmem>>)
    %dma_wait3A_63 = arith.constant 0 : i32
    %dma_wait3A_64 = arith.constant 0 : i32
    %dma_wait3A_65 = tpu.memref_slice %arg3[%add3A, %dma_wait3A_63, %dma_wait3A_64] : memref<32x80x128xi32, #tpu.memory_space<hbm>> -> memref<1x1x128xi32, #tpu.memory_space<hbm>>
    %dma_wait3A_66 = tpu.memref_squeeze %dma_wait3A_65 : memref<1x1x128xi32, #tpu.memory_space<hbm>> -> memref<128xi32, #tpu.memory_space<hbm>>
    %dma_wait3A_67 = arith.constant 0 : i32
    %dma_wait3A_68 = tpu.memref_slice %arg3[%add3A, %dma_wait3A_63, %dma_wait3A_67] : memref<32x80x128xi32, #tpu.memory_space<hbm>> -> memref<1x1x128xi32, #tpu.memory_space<hbm>>
    %dma_wait3A_69 = tpu.memref_squeeze %dma_wait3A_68 : memref<1x1x128xi32, #tpu.memory_space<hbm>> -> memref<128xi32, #tpu.memory_space<hbm>>
    tpu.wait_dma2 semaphore(%arg12 : memref<!tpu.dma_semaphore, #tpu.memory_space<semaphore_mem>>) src(%dma_wait3A_69 : memref<128xi32, #tpu.memory_space<hbm>>) dst(%arg6 : memref<128xi32, #tpu.memory_space<vmem>>)
    %dma_wait3A_70 = arith.constant 0 : i32
    %dma_wait3A_71 = arith.constant 0 : i32
    %dma_wait3A_72 = tpu.memref_slice %arg2[%dma_wait3A_70, %dma_wait3A_71] : memref<20000x128xf32, #tpu.memory_space<hbm>> -> memref<128x128xf32, #tpu.memory_space<hbm>>
    %dma_wait3A_73 = arith.constant 0 : i32
    %dma_wait3A_74 = arith.constant 0 : i32
    %dma_wait3A_75 = tpu.memref_slice %arg2[%dma_wait3A_73, %dma_wait3A_74] : memref<20000x128xf32, #tpu.memory_space<hbm>> -> memref<128x128xf32, #tpu.memory_space<hbm>>
    tpu.wait_dma2 semaphore(%arg17 : memref<!tpu.dma_semaphore, #tpu.memory_space<semaphore_mem>>) src(%dma_wait3A_75 : memref<128x128xf32, #tpu.memory_space<hbm>>) dst(%arg10 : memref<128x128xf32, #tpu.memory_space<vmem>>)
    %dma_wait3A_76 = arith.constant 0 : i32
    %dma_wait3A_77 = arith.constant 0 : i32
    %dma_wait3A_78 = tpu.memref_slice %arg3[%add3A, %dma_wait3A_76, %dma_wait3A_77] : memref<32x80x128xi32, #tpu.memory_space<hbm>> -> memref<1x1x128xi32, #tpu.memory_space<hbm>>
    %dma_wait3A_79 = tpu.memref_squeeze %dma_wait3A_78 : memref<1x1x128xi32, #tpu.memory_space<hbm>> -> memref<128xi32, #tpu.memory_space<hbm>>
    %dma_wait3A_80 = arith.constant 0 : i32
    %dma_wait3A_81 = tpu.memref_slice %arg3[%add3A, %dma_wait3A_76, %dma_wait3A_80] : memref<32x80x128xi32, #tpu.memory_space<hbm>> -> memref<1x1x128xi32, #tpu.memory_space<hbm>>
    %dma_wait3A_82 = tpu.memref_squeeze %dma_wait3A_81 : memref<1x1x128xi32, #tpu.memory_space<hbm>> -> memref<128xi32, #tpu.memory_space<hbm>>
    tpu.wait_dma2 semaphore(%arg13 : memref<!tpu.dma_semaphore, #tpu.memory_space<semaphore_mem>>) src(%dma_wait3A_82 : memref<128xi32, #tpu.memory_space<hbm>>) dst(%arg7 : memref<128xi32, #tpu.memory_space<vmem>>)
    %barrier3A_83 = arith.constant 0 : index
    tpu.barrier barrier_id(%barrier3A_83)
    %mul3A_84 = arith.constant 632 : i32
    %mul3A_85 = arith.muli %arg1, %mul3A_84 : i32
    %mul3A_86 = arith.constant 10112 : i32
    %mul3A_87 = arith.muli %arg0, %mul3A_86 : i32
    %mul3A_88 = arith.constant 632 : i32
    %mul3A_89 = arith.muli %arg1, %mul3A_88 : i32
    %add3A_90 = arith.addi %mul3A_87, %mul3A_89 : i32
    "tpu.region"() ({
      %run_scoped3A = tpu.sem_alloc : memref<!tpu.dma_semaphore, #tpu.memory_space<semaphore_mem>>
      %dma_start3A_91 = arith.constant 0 : i32
      %dma_start3A_92 = tpu.memref_slice %arg5[%add3A_90, %dma_start3A_91] : memref<20224x128xf32, #tpu.memory_space<hbm>> -> memref<632x128xf32, #tpu.memory_space<hbm>>
      %dma_start3A_93 = arith.constant 0 : i32
      %dma_start3A_94 = tpu.memref_slice %arg11[%mul3A_85, %dma_start3A_93] : memref<10112x128xf32, #tpu.memory_space<vmem_shared>> -> memref<632x128xf32, #tpu.memory_space<vmem_shared>>
      tpu.enqueue_dma source(%dma_start3A_94 : memref<632x128xf32, #tpu.memory_space<vmem_shared>>) target(%dma_start3A_92 : memref<632x128xf32, #tpu.memory_space<hbm>>) target_semaphore(%run_scoped3A : memref<!tpu.dma_semaphore, #tpu.memory_space<semaphore_mem>>)
      %dma_wait3A_95 = arith.constant 0 : i32
      %dma_wait3A_96 = tpu.memref_slice %arg5[%add3A_90, %dma_wait3A_95] : memref<20224x128xf32, #tpu.memory_space<hbm>> -> memref<632x128xf32, #tpu.memory_space<hbm>>
      %dma_wait3A_97 = arith.constant 0 : i32
      %dma_wait3A_98 = tpu.memref_slice %arg11[%mul3A_85, %dma_wait3A_97] : memref<10112x128xf32, #tpu.memory_space<vmem_shared>> -> memref<632x128xf32, #tpu.memory_space<vmem_shared>>
      tpu.wait_dma2 semaphore(%run_scoped3A : memref<!tpu.dma_semaphore, #tpu.memory_space<semaphore_mem>>) src(%dma_wait3A_98 : memref<632x128xf32, #tpu.memory_space<vmem_shared>>) dst(%dma_wait3A_96 : memref<632x128xf32, #tpu.memory_space<hbm>>)
      tpu.yield
    }) : () -> ()
    return
  }
}

#map = affine_map<(d0, d1) -> (0, 0)>
module attributes {stable_mosaic.version = 14 : i64} {
  func.func @_deg_body(%arg0: i32, %arg1: i32, %arg2: memref<32x5120xi32, #tpu.memory_space<hbm>>, %arg3: memref<32x10112xf32, #tpu.memory_space<hbm>>, %arg4: memref<5120xi32, #tpu.memory_space<vmem>>, %arg5: memref<10112xf32, #tpu.memory_space<vmem>>) attributes {dimension_semantics = [#tpu.dimension_semantics<core_parallel>, #tpu.dimension_semantics<subcore_parallel>], iteration_bounds = array<i64: 2, 16>, scalar_prefetch = 0 : i64, scratch_operands = 2 : i64, tpu.core_type = #tpu.core_type<sc_vector_subcore>, window_params = [{transform_indices = #map}, {transform_indices = #map}]} {
    %mul3A = arith.constant 16 : i32
    %mul3A_0 = arith.muli %arg0, %mul3A : i32
    %add3A = arith.addi %mul3A_0, %arg1 : i32
    %broadcast_in_dim3A = arith.constant 0.000000e+00 : f32
    %broadcast_in_dim3A_1 = vector.broadcast %broadcast_in_dim3A : f32 to vector<16xf32>
    %scan3A = arith.constant 0 : i32
    %scan3A_2 = arith.constant 0 : i32
    %scan3A_3 = arith.constant 632 : i32
    %scan3A_4 = arith.addi %scan3A_2, %scan3A_3 : i32
    %scan3A_5 = arith.constant 1 : i32
    scf.for %scan3A_15 = %scan3A_2 to %scan3A_4 step %scan3A_5  : i32 {
      %mul3A_16 = arith.constant 16 : i32
      %mul3A_17 = arith.muli %scan3A_15, %mul3A_16 : i32
      %swap3A = arith.index_cast %mul3A_17 : i32 to index
      %swap3A_18 = tpu.vector_load %arg5[%swap3A] {strides = array<i32>} : memref<10112xf32, #tpu.memory_space<vmem>>, vector<16xf32>,
      tpu.vector_store %arg5[%swap3A], %broadcast_in_dim3A_1 {strides = array<i32>} : memref<10112xf32, #tpu.memory_space<vmem>>, vector<16xf32>,
    }
    %scan3A_6 = arith.constant 632 : i32
    "tpu.region"() ({
      %run_scoped3A = tpu.sem_alloc : memref<!tpu.dma_semaphore, #tpu.memory_space<semaphore_mem>>
      %dma_start3A = arith.constant 0 : i32
      %dma_start3A_15 = tpu.memref_slice %arg2[%add3A, %dma_start3A] : memref<32x5120xi32, #tpu.memory_space<hbm>> -> memref<1x5120xi32, #tpu.memory_space<hbm>>
      %dma_start3A_16 = tpu.memref_squeeze %dma_start3A_15 : memref<1x5120xi32, #tpu.memory_space<hbm>> -> memref<5120xi32, #tpu.memory_space<hbm>>
      %dma_start3A_17 = arith.constant 0 : i32
      %dma_start3A_18 = tpu.memref_slice %arg2[%add3A, %dma_start3A_17] : memref<32x5120xi32, #tpu.memory_space<hbm>> -> memref<1x5120xi32, #tpu.memory_space<hbm>>
      %dma_start3A_19 = tpu.memref_squeeze %dma_start3A_18 : memref<1x5120xi32, #tpu.memory_space<hbm>> -> memref<5120xi32, #tpu.memory_space<hbm>>
      tpu.enqueue_dma source(%dma_start3A_19 : memref<5120xi32, #tpu.memory_space<hbm>>) target(%arg4 : memref<5120xi32, #tpu.memory_space<vmem>>) target_semaphore(%run_scoped3A : memref<!tpu.dma_semaphore, #tpu.memory_space<semaphore_mem>>)
      %dma_wait3A = arith.constant 0 : i32
      %dma_wait3A_20 = tpu.memref_slice %arg2[%add3A, %dma_wait3A] : memref<32x5120xi32, #tpu.memory_space<hbm>> -> memref<1x5120xi32, #tpu.memory_space<hbm>>
      %dma_wait3A_21 = tpu.memref_squeeze %dma_wait3A_20 : memref<1x5120xi32, #tpu.memory_space<hbm>> -> memref<5120xi32, #tpu.memory_space<hbm>>
      %dma_wait3A_22 = arith.constant 0 : i32
      %dma_wait3A_23 = tpu.memref_slice %arg2[%add3A, %dma_wait3A_22] : memref<32x5120xi32, #tpu.memory_space<hbm>> -> memref<1x5120xi32, #tpu.memory_space<hbm>>
      %dma_wait3A_24 = tpu.memref_squeeze %dma_wait3A_23 : memref<1x5120xi32, #tpu.memory_space<hbm>> -> memref<5120xi32, #tpu.memory_space<hbm>>
      tpu.wait_dma2 semaphore(%run_scoped3A : memref<!tpu.dma_semaphore, #tpu.memory_space<semaphore_mem>>) src(%dma_wait3A_24 : memref<5120xi32, #tpu.memory_space<hbm>>) dst(%arg4 : memref<5120xi32, #tpu.memory_space<vmem>>)
      tpu.yield
    }) : () -> ()
    %broadcast_in_dim3A_7 = arith.constant 1.000000e+00 : f32
    %broadcast_in_dim3A_8 = vector.broadcast %broadcast_in_dim3A_7 : f32 to vector<16xf32>
    %scan3A_9 = arith.constant 0 : i32
    %scan3A_10 = arith.constant 0 : i32
    %scan3A_11 = arith.constant 320 : i32
    %scan3A_12 = arith.addi %scan3A_10, %scan3A_11 : i32
    %scan3A_13 = arith.constant 1 : i32
    scf.for %scan3A_15 = %scan3A_10 to %scan3A_12 step %scan3A_13  : i32 {
      %mul3A_16 = arith.constant 16 : i32
      %mul3A_17 = arith.muli %scan3A_15, %mul3A_16 : i32
      %get3A = arith.index_cast %mul3A_17 : i32 to index
      %get3A_18 = tpu.vector_load %arg4[%get3A] {strides = array<i32>} : memref<5120xi32, #tpu.memory_space<vmem>>, vector<16xi32>,
      tpu.vector_store_idx %arg5[%get3A_18], %broadcast_in_dim3A_8 {add = true} : memref<10112xf32, #tpu.memory_space<vmem>>[vector<16xi32>], vector<16xf32>,
    }
    %scan3A_14 = arith.constant 320 : i32
    "tpu.region"() ({
      %run_scoped3A = tpu.sem_alloc : memref<!tpu.dma_semaphore, #tpu.memory_space<semaphore_mem>>
      %dma_start3A = arith.constant 0 : i32
      %dma_start3A_15 = tpu.memref_slice %arg3[%add3A, %dma_start3A] : memref<32x10112xf32, #tpu.memory_space<hbm>> -> memref<1x10112xf32, #tpu.memory_space<hbm>>
      %dma_start3A_16 = tpu.memref_squeeze %dma_start3A_15 : memref<1x10112xf32, #tpu.memory_space<hbm>> -> memref<10112xf32, #tpu.memory_space<hbm>>
      %dma_start3A_17 = arith.constant 0 : i32
      %dma_start3A_18 = tpu.memref_slice %arg3[%add3A, %dma_start3A_17] : memref<32x10112xf32, #tpu.memory_space<hbm>> -> memref<1x10112xf32, #tpu.memory_space<hbm>>
      %dma_start3A_19 = tpu.memref_squeeze %dma_start3A_18 : memref<1x10112xf32, #tpu.memory_space<hbm>> -> memref<10112xf32, #tpu.memory_space<hbm>>
      tpu.enqueue_dma source(%arg5 : memref<10112xf32, #tpu.memory_space<vmem>>) target(%dma_start3A_19 : memref<10112xf32, #tpu.memory_space<hbm>>) target_semaphore(%run_scoped3A : memref<!tpu.dma_semaphore, #tpu.memory_space<semaphore_mem>>)
      %dma_wait3A = arith.constant 0 : i32
      %dma_wait3A_20 = tpu.memref_slice %arg3[%add3A, %dma_wait3A] : memref<32x10112xf32, #tpu.memory_space<hbm>> -> memref<1x10112xf32, #tpu.memory_space<hbm>>
      %dma_wait3A_21 = tpu.memref_squeeze %dma_wait3A_20 : memref<1x10112xf32, #tpu.memory_space<hbm>> -> memref<10112xf32, #tpu.memory_space<hbm>>
      %dma_wait3A_22 = arith.constant 0 : i32
      %dma_wait3A_23 = tpu.memref_slice %arg3[%add3A, %dma_wait3A_22] : memref<32x10112xf32, #tpu.memory_space<hbm>> -> memref<1x10112xf32, #tpu.memory_space<hbm>>
      %dma_wait3A_24 = tpu.memref_squeeze %dma_wait3A_23 : memref<1x10112xf32, #tpu.memory_space<hbm>> -> memref<10112xf32, #tpu.memory_space<hbm>>
      tpu.wait_dma2 semaphore(%run_scoped3A : memref<!tpu.dma_semaphore, #tpu.memory_space<semaphore_mem>>) src(%arg5 : memref<10112xf32, #tpu.memory_space<vmem>>) dst(%dma_wait3A_24 : memref<10112xf32, #tpu.memory_space<hbm>>)
      tpu.yield
    }) : () -> ()
    return
  }
}

#map = affine_map<(d0, d1) -> (0, 0)>
#map1 = affine_map<(d0, d1) -> (0, 0, 0)>
module attributes {stable_mosaic.version = 14 : i64} {
  func.func @_scat_body(%arg0: i32, %arg1: i32, %arg2: memref<20000x128xf32, #tpu.memory_space<hbm>>, %arg3: memref<32x80x128xi32, #tpu.memory_space<hbm>>, %arg4: memref<16x80x128xi32, #tpu.memory_space<hbm>>, %arg5: memref<20224x128xf32, #tpu.memory_space<hbm>>, %arg6: memref<128xi32, #tpu.memory_space<vmem>>, %arg7: memref<128xi32, #tpu.memory_space<vmem>>, %arg8: memref<80x128xi32, #tpu.memory_space<vmem>>, %arg9: memref<128x128xf32, #tpu.memory_space<vmem>>, %arg10: memref<128x128xf32, #tpu.memory_space<vmem>>, %arg11: memref<10112x128xf32, #tpu.memory_space<vmem_shared>>, %arg12: memref<!tpu.dma_semaphore, #tpu.memory_space<semaphore_mem>>, %arg13: memref<!tpu.dma_semaphore, #tpu.memory_space<semaphore_mem>>, %arg14: memref<!tpu.dma_semaphore, #tpu.memory_space<semaphore_mem>>, %arg15: memref<!tpu.dma_semaphore, #tpu.memory_space<semaphore_mem>>, %arg16: memref<!tpu.dma_semaphore, #tpu.memory_space<semaphore_mem>>, %arg17: memref<!tpu.dma_semaphore, #tpu.memory_space<semaphore_mem>>) attributes {dimension_semantics = [#tpu.dimension_semantics<core_parallel>, #tpu.dimension_semantics<subcore_parallel>], iteration_bounds = array<i64: 2, 16>, scalar_prefetch = 0 : i64, scratch_operands = 12 : i64, tpu.core_type = #tpu.core_type<sc_vector_subcore>, window_params = [{transform_indices = #map}, {transform_indices = #map1}, {transform_indices = #map1}, {transform_indices = #map}]} {
    %mul3A = arith.constant 16 : i32
    %mul3A_0 = arith.muli %arg0, %mul3A : i32
    %add3A = arith.addi %mul3A_0, %arg1 : i32
    %broadcast_in_dim3A = arith.constant 0.000000e+00 : f32
    %broadcast_in_dim3A_1 = vector.broadcast %broadcast_in_dim3A : f32 to vector<16xf32>
    %scan3A = arith.constant 0 : i32
    %scan3A_2 = arith.constant 0 : i32
    %scan3A_3 = arith.constant 128 : i32
    %scan3A_4 = arith.addi %scan3A_2, %scan3A_3 : i32
    %scan3A_5 = arith.constant 1 : i32
    scf.for %scan3A_91 = %scan3A_2 to %scan3A_4 step %scan3A_5  : i32 {
      %swap3A = arith.index_cast %scan3A_91 : i32 to index
      %swap3A_92 = arith.constant 0 : index
      %swap3A_93 = tpu.vector_load %arg9[%swap3A, %swap3A_92] {strides = array<i32>} : memref<128x128xf32, #tpu.memory_space<vmem>>, vector<1x16xf32>,
      %swap3A_94 = vector.shape_cast %swap3A_93 : vector<1x16xf32> to vector<16xf32>
      %swap3A_95 = vector.shape_cast %broadcast_in_dim3A_1 : vector<16xf32> to vector<1x16xf32>
      tpu.vector_store %arg9[%swap3A, %swap3A_92], %swap3A_95 {strides = array<i32>} : memref<128x128xf32, #tpu.memory_space<vmem>>, vector<1x16xf32>,
      %swap3A_96 = arith.index_cast %scan3A_91 : i32 to index
      %swap3A_97 = arith.constant 16 : index
      %swap3A_98 = tpu.vector_load %arg9[%swap3A_96, %swap3A_97] {strides = array<i32>} : memref<128x128xf32, #tpu.memory_space<vmem>>, vector<1x16xf32>,
      %swap3A_99 = vector.shape_cast %swap3A_98 : vector<1x16xf32> to vector<16xf32>
      %swap3A_100 = vector.shape_cast %broadcast_in_dim3A_1 : vector<16xf32> to vector<1x16xf32>
      tpu.vector_store %arg9[%swap3A_96, %swap3A_97], %swap3A_100 {strides = array<i32>} : memref<128x128xf32, #tpu.memory_space<vmem>>, vector<1x16xf32>,
      %swap3A_101 = arith.index_cast %scan3A_91 : i32 to index
      %swap3A_102 = arith.constant 32 : index
      %swap3A_103 = tpu.vector_load %arg9[%swap3A_101, %swap3A_102] {strides = array<i32>} : memref<128x128xf32, #tpu.memory_space<vmem>>, vector<1x16xf32>,
      %swap3A_104 = vector.shape_cast %swap3A_103 : vector<1x16xf32> to vector<16xf32>
      %swap3A_105 = vector.shape_cast %broadcast_in_dim3A_1 : vector<16xf32> to vector<1x16xf32>
      tpu.vector_store %arg9[%swap3A_101, %swap3A_102], %swap3A_105 {strides = array<i32>} : memref<128x128xf32, #tpu.memory_space<vmem>>, vector<1x16xf32>,
      %swap3A_106 = arith.index_cast %scan3A_91 : i32 to index
      %swap3A_107 = arith.constant 48 : index
      %swap3A_108 = tpu.vector_load %arg9[%swap3A_106, %swap3A_107] {strides = array<i32>} : memref<128x128xf32, #tpu.memory_space<vmem>>, vector<1x16xf32>,
      %swap3A_109 = vector.shape_cast %swap3A_108 : vector<1x16xf32> to vector<16xf32>
      %swap3A_110 = vector.shape_cast %broadcast_in_dim3A_1 : vector<16xf32> to vector<1x16xf32>
      tpu.vector_store %arg9[%swap3A_106, %swap3A_107], %swap3A_110 {strides = array<i32>} : memref<128x128xf32, #tpu.memory_space<vmem>>, vector<1x16xf32>,
      %swap3A_111 = arith.index_cast %scan3A_91 : i32 to index
      %swap3A_112 = arith.constant 64 : index
      %swap3A_113 = tpu.vector_load %arg9[%swap3A_111, %swap3A_112] {strides = array<i32>} : memref<128x128xf32, #tpu.memory_space<vmem>>, vector<1x16xf32>,
      %swap3A_114 = vector.shape_cast %swap3A_113 : vector<1x16xf32> to vector<16xf32>
      %swap3A_115 = vector.shape_cast %broadcast_in_dim3A_1 : vector<16xf32> to vector<1x16xf32>
      tpu.vector_store %arg9[%swap3A_111, %swap3A_112], %swap3A_115 {strides = array<i32>} : memref<128x128xf32, #tpu.memory_space<vmem>>, vector<1x16xf32>,
      %swap3A_116 = arith.index_cast %scan3A_91 : i32 to index
      %swap3A_117 = arith.constant 80 : index
      %swap3A_118 = tpu.vector_load %arg9[%swap3A_116, %swap3A_117] {strides = array<i32>} : memref<128x128xf32, #tpu.memory_space<vmem>>, vector<1x16xf32>,
      %swap3A_119 = vector.shape_cast %swap3A_118 : vector<1x16xf32> to vector<16xf32>
      %swap3A_120 = vector.shape_cast %broadcast_in_dim3A_1 : vector<16xf32> to vector<1x16xf32>
      tpu.vector_store %arg9[%swap3A_116, %swap3A_117], %swap3A_120 {strides = array<i32>} : memref<128x128xf32, #tpu.memory_space<vmem>>, vector<1x16xf32>,
      %swap3A_121 = arith.index_cast %scan3A_91 : i32 to index
      %swap3A_122 = arith.constant 96 : index
      %swap3A_123 = tpu.vector_load %arg9[%swap3A_121, %swap3A_122] {strides = array<i32>} : memref<128x128xf32, #tpu.memory_space<vmem>>, vector<1x16xf32>,
      %swap3A_124 = vector.shape_cast %swap3A_123 : vector<1x16xf32> to vector<16xf32>
      %swap3A_125 = vector.shape_cast %broadcast_in_dim3A_1 : vector<16xf32> to vector<1x16xf32>
      tpu.vector_store %arg9[%swap3A_121, %swap3A_122], %swap3A_125 {strides = array<i32>} : memref<128x128xf32, #tpu.memory_space<vmem>>, vector<1x16xf32>,
      %swap3A_126 = arith.index_cast %scan3A_91 : i32 to index
      %swap3A_127 = arith.constant 112 : index
      %swap3A_128 = tpu.vector_load %arg9[%swap3A_126, %swap3A_127] {strides = array<i32>} : memref<128x128xf32, #tpu.memory_space<vmem>>, vector<1x16xf32>,
      %swap3A_129 = vector.shape_cast %swap3A_128 : vector<1x16xf32> to vector<16xf32>
      %swap3A_130 = vector.shape_cast %broadcast_in_dim3A_1 : vector<16xf32> to vector<1x16xf32>
      tpu.vector_store %arg9[%swap3A_126, %swap3A_127], %swap3A_130 {strides = array<i32>} : memref<128x128xf32, #tpu.memory_space<vmem>>, vector<1x16xf32>,
    }
    %scan3A_6 = arith.constant 128 : i32
    %mul3A_7 = arith.constant 632 : i32
    %mul3A_8 = arith.muli %arg1, %mul3A_7 : i32
    %add3A_9 = arith.constant 0 : i32
    %add3A_10 = arith.addi %mul3A_8, %add3A_9 : i32
    "tpu.region"() ({
      %run_scoped3A = tpu.sem_alloc : memref<!tpu.dma_semaphore, #tpu.memory_space<semaphore_mem>>
      %dma_start3A_91 = arith.constant 0 : i32
      %dma_start3A_92 = tpu.memref_slice %arg11[%add3A_10, %dma_start3A_91] : memref<10112x128xf32, #tpu.memory_space<vmem_shared>> -> memref<128x128xf32, #tpu.memory_space<vmem_shared>>
      %dma_start3A_93 = arith.constant 0 : i32
      %dma_start3A_94 = tpu.memref_slice %arg11[%add3A_10, %dma_start3A_93] : memref<10112x128xf32, #tpu.memory_space<vmem_shared>> -> memref<128x128xf32, #tpu.memory_space<vmem_shared>>
      tpu.enqueue_dma source(%arg9 : memref<128x128xf32, #tpu.memory_space<vmem>>) target(%dma_start3A_94 : memref<128x128xf32, #tpu.memory_space<vmem_shared>>) target_semaphore(%run_scoped3A : memref<!tpu.dma_semaphore, #tpu.memory_space<semaphore_mem>>)
      %dma_wait3A_95 = arith.constant 0 : i32
      %dma_wait3A_96 = tpu.memref_slice %arg11[%add3A_10, %dma_wait3A_95] : memref<10112x128xf32, #tpu.memory_space<vmem_shared>> -> memref<128x128xf32, #tpu.memory_space<vmem_shared>>
      %dma_wait3A_97 = arith.constant 0 : i32
      %dma_wait3A_98 = tpu.memref_slice %arg11[%add3A_10, %dma_wait3A_97] : memref<10112x128xf32, #tpu.memory_space<vmem_shared>> -> memref<128x128xf32, #tpu.memory_space<vmem_shared>>
      tpu.wait_dma2 semaphore(%run_scoped3A : memref<!tpu.dma_semaphore, #tpu.memory_space<semaphore_mem>>) src(%arg9 : memref<128x128xf32, #tpu.memory_space<vmem>>) dst(%dma_wait3A_98 : memref<128x128xf32, #tpu.memory_space<vmem_shared>>)
      tpu.yield
    }) : () -> ()
    %mul3A_11 = arith.constant 632 : i32
    %mul3A_12 = arith.muli %arg1, %mul3A_11 : i32
    %add3A_13 = arith.constant 128 : i32
    %add3A_14 = arith.addi %mul3A_12, %add3A_13 : i32
    "tpu.region"() ({
      %run_scoped3A = tpu.sem_alloc : memref<!tpu.dma_semaphore, #tpu.memory_space<semaphore_mem>>
      %dma_start3A_91 = arith.constant 0 : i32
      %dma_start3A_92 = tpu.memref_slice %arg11[%add3A_14, %dma_start3A_91] : memref<10112x128xf32, #tpu.memory_space<vmem_shared>> -> memref<128x128xf32, #tpu.memory_space<vmem_shared>>
      %dma_start3A_93 = arith.constant 0 : i32
      %dma_start3A_94 = tpu.memref_slice %arg11[%add3A_14, %dma_start3A_93] : memref<10112x128xf32, #tpu.memory_space<vmem_shared>> -> memref<128x128xf32, #tpu.memory_space<vmem_shared>>
      tpu.enqueue_dma source(%arg9 : memref<128x128xf32, #tpu.memory_space<vmem>>) target(%dma_start3A_94 : memref<128x128xf32, #tpu.memory_space<vmem_shared>>) target_semaphore(%run_scoped3A : memref<!tpu.dma_semaphore, #tpu.memory_space<semaphore_mem>>)
      %dma_wait3A_95 = arith.constant 0 : i32
      %dma_wait3A_96 = tpu.memref_slice %arg11[%add3A_14, %dma_wait3A_95] : memref<10112x128xf32, #tpu.memory_space<vmem_shared>> -> memref<128x128xf32, #tpu.memory_space<vmem_shared>>
      %dma_wait3A_97 = arith.constant 0 : i32
      %dma_wait3A_98 = tpu.memref_slice %arg11[%add3A_14, %dma_wait3A_97] : memref<10112x128xf32, #tpu.memory_space<vmem_shared>> -> memref<128x128xf32, #tpu.memory_space<vmem_shared>>
      tpu.wait_dma2 semaphore(%run_scoped3A : memref<!tpu.dma_semaphore, #tpu.memory_space<semaphore_mem>>) src(%arg9 : memref<128x128xf32, #tpu.memory_space<vmem>>) dst(%dma_wait3A_98 : memref<128x128xf32, #tpu.memory_space<vmem_shared>>)
      tpu.yield
    }) : () -> ()
    %mul3A_15 = arith.constant 632 : i32
    %mul3A_16 = arith.muli %arg1, %mul3A_15 : i32
    %add3A_17 = arith.constant 256 : i32
    %add3A_18 = arith.addi %mul3A_16, %add3A_17 : i32
    "tpu.region"() ({
      %run_scoped3A = tpu.sem_alloc : memref<!tpu.dma_semaphore, #tpu.memory_space<semaphore_mem>>
      %dma_start3A_91 = arith.constant 0 : i32
      %dma_start3A_92 = tpu.memref_slice %arg11[%add3A_18, %dma_start3A_91] : memref<10112x128xf32, #tpu.memory_space<vmem_shared>> -> memref<128x128xf32, #tpu.memory_space<vmem_shared>>
      %dma_start3A_93 = arith.constant 0 : i32
      %dma_start3A_94 = tpu.memref_slice %arg11[%add3A_18, %dma_start3A_93] : memref<10112x128xf32, #tpu.memory_space<vmem_shared>> -> memref<128x128xf32, #tpu.memory_space<vmem_shared>>
      tpu.enqueue_dma source(%arg9 : memref<128x128xf32, #tpu.memory_space<vmem>>) target(%dma_start3A_94 : memref<128x128xf32, #tpu.memory_space<vmem_shared>>) target_semaphore(%run_scoped3A : memref<!tpu.dma_semaphore, #tpu.memory_space<semaphore_mem>>)
      %dma_wait3A_95 = arith.constant 0 : i32
      %dma_wait3A_96 = tpu.memref_slice %arg11[%add3A_18, %dma_wait3A_95] : memref<10112x128xf32, #tpu.memory_space<vmem_shared>> -> memref<128x128xf32, #tpu.memory_space<vmem_shared>>
      %dma_wait3A_97 = arith.constant 0 : i32
      %dma_wait3A_98 = tpu.memref_slice %arg11[%add3A_18, %dma_wait3A_97] : memref<10112x128xf32, #tpu.memory_space<vmem_shared>> -> memref<128x128xf32, #tpu.memory_space<vmem_shared>>
      tpu.wait_dma2 semaphore(%run_scoped3A : memref<!tpu.dma_semaphore, #tpu.memory_space<semaphore_mem>>) src(%arg9 : memref<128x128xf32, #tpu.memory_space<vmem>>) dst(%dma_wait3A_98 : memref<128x128xf32, #tpu.memory_space<vmem_shared>>)
      tpu.yield
    }) : () -> ()
    %mul3A_19 = arith.constant 632 : i32
    %mul3A_20 = arith.muli %arg1, %mul3A_19 : i32
    %add3A_21 = arith.constant 384 : i32
    %add3A_22 = arith.addi %mul3A_20, %add3A_21 : i32
    "tpu.region"() ({
      %run_scoped3A = tpu.sem_alloc : memref<!tpu.dma_semaphore, #tpu.memory_space<semaphore_mem>>
      %dma_start3A_91 = arith.constant 0 : i32
      %dma_start3A_92 = tpu.memref_slice %arg11[%add3A_22, %dma_start3A_91] : memref<10112x128xf32, #tpu.memory_space<vmem_shared>> -> memref<128x128xf32, #tpu.memory_space<vmem_shared>>
      %dma_start3A_93 = arith.constant 0 : i32
      %dma_start3A_94 = tpu.memref_slice %arg11[%add3A_22, %dma_start3A_93] : memref<10112x128xf32, #tpu.memory_space<vmem_shared>> -> memref<128x128xf32, #tpu.memory_space<vmem_shared>>
      tpu.enqueue_dma source(%arg9 : memref<128x128xf32, #tpu.memory_space<vmem>>) target(%dma_start3A_94 : memref<128x128xf32, #tpu.memory_space<vmem_shared>>) target_semaphore(%run_scoped3A : memref<!tpu.dma_semaphore, #tpu.memory_space<semaphore_mem>>)
      %dma_wait3A_95 = arith.constant 0 : i32
      %dma_wait3A_96 = tpu.memref_slice %arg11[%add3A_22, %dma_wait3A_95] : memref<10112x128xf32, #tpu.memory_space<vmem_shared>> -> memref<128x128xf32, #tpu.memory_space<vmem_shared>>
      %dma_wait3A_97 = arith.constant 0 : i32
      %dma_wait3A_98 = tpu.memref_slice %arg11[%add3A_22, %dma_wait3A_97] : memref<10112x128xf32, #tpu.memory_space<vmem_shared>> -> memref<128x128xf32, #tpu.memory_space<vmem_shared>>
      tpu.wait_dma2 semaphore(%run_scoped3A : memref<!tpu.dma_semaphore, #tpu.memory_space<semaphore_mem>>) src(%arg9 : memref<128x128xf32, #tpu.memory_space<vmem>>) dst(%dma_wait3A_98 : memref<128x128xf32, #tpu.memory_space<vmem_shared>>)
      tpu.yield
    }) : () -> ()
    %mul3A_23 = arith.constant 632 : i32
    %mul3A_24 = arith.muli %arg1, %mul3A_23 : i32
    %add3A_25 = arith.constant 512 : i32
    %add3A_26 = arith.addi %mul3A_24, %add3A_25 : i32
    "tpu.region"() ({
      %run_scoped3A = tpu.sem_alloc : memref<!tpu.dma_semaphore, #tpu.memory_space<semaphore_mem>>
      %dma_start3A_91 = arith.constant 0 : i32
      %dma_start3A_92 = arith.constant 0 : i32
      %dma_start3A_93 = tpu.memref_slice %arg9[%dma_start3A_91, %dma_start3A_92] : memref<128x128xf32, #tpu.memory_space<vmem>> -> memref<120x128xf32, #tpu.memory_space<vmem>>
      %dma_start3A_94 = arith.constant 0 : i32
      %dma_start3A_95 = tpu.memref_slice %arg11[%add3A_26, %dma_start3A_94] : memref<10112x128xf32, #tpu.memory_space<vmem_shared>> -> memref<120x128xf32, #tpu.memory_space<vmem_shared>>
      %dma_start3A_96 = arith.constant 0 : i32
      %dma_start3A_97 = tpu.memref_slice %arg11[%add3A_26, %dma_start3A_96] : memref<10112x128xf32, #tpu.memory_space<vmem_shared>> -> memref<120x128xf32, #tpu.memory_space<vmem_shared>>
      %dma_start3A_98 = arith.constant 0 : i32
      %dma_start3A_99 = arith.constant 0 : i32
      %dma_start3A_100 = tpu.memref_slice %arg9[%dma_start3A_98, %dma_start3A_99] : memref<128x128xf32, #tpu.memory_space<vmem>> -> memref<120x128xf32, #tpu.memory_space<vmem>>
      tpu.enqueue_dma source(%dma_start3A_100 : memref<120x128xf32, #tpu.memory_space<vmem>>) target(%dma_start3A_97 : memref<120x128xf32, #tpu.memory_space<vmem_shared>>) target_semaphore(%run_scoped3A : memref<!tpu.dma_semaphore, #tpu.memory_space<semaphore_mem>>)
      %dma_wait3A_101 = arith.constant 0 : i32
      %dma_wait3A_102 = arith.constant 0 : i32
      %dma_wait3A_103 = tpu.memref_slice %arg9[%dma_wait3A_101, %dma_wait3A_102] : memref<128x128xf32, #tpu.memory_space<vmem>> -> memref<120x128xf32, #tpu.memory_space<vmem>>
      %dma_wait3A_104 = arith.constant 0 : i32
      %dma_wait3A_105 = tpu.memref_slice %arg11[%add3A_26, %dma_wait3A_104] : memref<10112x128xf32, #tpu.memory_space<vmem_shared>> -> memref<120x128xf32, #tpu.memory_space<vmem_shared>>
      %dma_wait3A_106 = arith.constant 0 : i32
      %dma_wait3A_107 = tpu.memref_slice %arg11[%add3A_26, %dma_wait3A_106] : memref<10112x128xf32, #tpu.memory_space<vmem_shared>> -> memref<120x128xf32, #tpu.memory_space<vmem_shared>>
      %dma_wait3A_108 = arith.constant 0 : i32
      %dma_wait3A_109 = arith.constant 0 : i32
      %dma_wait3A_110 = tpu.memref_slice %arg9[%dma_wait3A_108, %dma_wait3A_109] : memref<128x128xf32, #tpu.memory_space<vmem>> -> memref<120x128xf32, #tpu.memory_space<vmem>>
      tpu.wait_dma2 semaphore(%run_scoped3A : memref<!tpu.dma_semaphore, #tpu.memory_space<semaphore_mem>>) src(%dma_wait3A_110 : memref<120x128xf32, #tpu.memory_space<vmem>>) dst(%dma_wait3A_107 : memref<120x128xf32, #tpu.memory_space<vmem_shared>>)
      tpu.yield
    }) : () -> ()
    "tpu.region"() ({
      %run_scoped3A = tpu.sem_alloc : memref<!tpu.dma_semaphore, #tpu.memory_space<semaphore_mem>>
      %dma_start3A_91 = arith.constant 0 : i32
      %dma_start3A_92 = arith.constant 0 : i32
      %dma_start3A_93 = tpu.memref_slice %arg4[%arg1, %dma_start3A_91, %dma_start3A_92] : memref<16x80x128xi32, #tpu.memory_space<hbm>> -> memref<1x80x128xi32, #tpu.memory_space<hbm>>
      %dma_start3A_94 = tpu.memref_squeeze %dma_start3A_93 : memref<1x80x128xi32, #tpu.memory_space<hbm>> -> memref<80x128xi32, #tpu.memory_space<hbm>>
      %dma_start3A_95 = arith.constant 0 : i32
      %dma_start3A_96 = arith.constant 0 : i32
      %dma_start3A_97 = tpu.memref_slice %arg4[%arg1, %dma_start3A_95, %dma_start3A_96] : memref<16x80x128xi32, #tpu.memory_space<hbm>> -> memref<1x80x128xi32, #tpu.memory_space<hbm>>
      %dma_start3A_98 = tpu.memref_squeeze %dma_start3A_97 : memref<1x80x128xi32, #tpu.memory_space<hbm>> -> memref<80x128xi32, #tpu.memory_space<hbm>>
      tpu.enqueue_dma source(%dma_start3A_98 : memref<80x128xi32, #tpu.memory_space<hbm>>) target(%arg8 : memref<80x128xi32, #tpu.memory_space<vmem>>) target_semaphore(%run_scoped3A : memref<!tpu.dma_semaphore, #tpu.memory_space<semaphore_mem>>)
      %dma_wait3A_99 = arith.constant 0 : i32
      %dma_wait3A_100 = arith.constant 0 : i32
      %dma_wait3A_101 = tpu.memref_slice %arg4[%arg1, %dma_wait3A_99, %dma_wait3A_100] : memref<16x80x128xi32, #tpu.memory_space<hbm>> -> memref<1x80x128xi32, #tpu.memory_space<hbm>>
      %dma_wait3A_102 = tpu.memref_squeeze %dma_wait3A_101 : memref<1x80x128xi32, #tpu.memory_space<hbm>> -> memref<80x128xi32, #tpu.memory_space<hbm>>
      %dma_wait3A_103 = arith.constant 0 : i32
      %dma_wait3A_104 = arith.constant 0 : i32
      %dma_wait3A_105 = tpu.memref_slice %arg4[%arg1, %dma_wait3A_103, %dma_wait3A_104] : memref<16x80x128xi32, #tpu.memory_space<hbm>> -> memref<1x80x128xi32, #tpu.memory_space<hbm>>
      %dma_wait3A_106 = tpu.memref_squeeze %dma_wait3A_105 : memref<1x80x128xi32, #tpu.memory_space<hbm>> -> memref<80x128xi32, #tpu.memory_space<hbm>>
      tpu.wait_dma2 semaphore(%run_scoped3A : memref<!tpu.dma_semaphore, #tpu.memory_space<semaphore_mem>>) src(%dma_wait3A_106 : memref<80x128xi32, #tpu.memory_space<hbm>>) dst(%arg8 : memref<80x128xi32, #tpu.memory_space<vmem>>)
      tpu.yield
    }) : () -> ()
    %barrier3A = arith.constant 0 : index
    tpu.barrier barrier_id(%barrier3A)
    %dma_start3A = arith.constant 0 : i32
    %dma_start3A_27 = arith.constant 0 : i32
    %dma_start3A_28 = tpu.memref_slice %arg3[%add3A, %dma_start3A, %dma_start3A_27] : memref<32x80x128xi32, #tpu.memory_space<hbm>> -> memref<1x1x128xi32, #tpu.memory_space<hbm>>
    %dma_start3A_29 = tpu.memref_squeeze %dma_start3A_28 : memref<1x1x128xi32, #tpu.memory_space<hbm>> -> memref<128xi32, #tpu.memory_space<hbm>>
    %dma_start3A_30 = arith.constant 0 : i32
    %dma_start3A_31 = tpu.memref_slice %arg3[%add3A, %dma_start3A, %dma_start3A_30] : memref<32x80x128xi32, #tpu.memory_space<hbm>> -> memref<1x1x128xi32, #tpu.memory_space<hbm>>
    %dma_start3A_32 = tpu.memref_squeeze %dma_start3A_31 : memref<1x1x128xi32, #tpu.memory_space<hbm>> -> memref<128xi32, #tpu.memory_space<hbm>>
    tpu.enqueue_dma source(%dma_start3A_32 : memref<128xi32, #tpu.memory_space<hbm>>) target(%arg6 : memref<128xi32, #tpu.memory_space<vmem>>) target_semaphore(%arg12 : memref<!tpu.dma_semaphore, #tpu.memory_space<semaphore_mem>>)
    %dma_start3A_33 = arith.constant 1 : i32
    %dma_start3A_34 = arith.constant 0 : i32
    %dma_start3A_35 = tpu.memref_slice %arg3[%add3A, %dma_start3A_33, %dma_start3A_34] : memref<32x80x128xi32, #tpu.memory_space<hbm>> -> memref<1x1x128xi32, #tpu.memory_space<hbm>>
    %dma_start3A_36 = tpu.memref_squeeze %dma_start3A_35 : memref<1x1x128xi32, #tpu.memory_space<hbm>> -> memref<128xi32, #tpu.memory_space<hbm>>
    %dma_start3A_37 = arith.constant 0 : i32
    %dma_start3A_38 = tpu.memref_slice %arg3[%add3A, %dma_start3A_33, %dma_start3A_37] : memref<32x80x128xi32, #tpu.memory_space<hbm>> -> memref<1x1x128xi32, #tpu.memory_space<hbm>>
    %dma_start3A_39 = tpu.memref_squeeze %dma_start3A_38 : memref<1x1x128xi32, #tpu.memory_space<hbm>> -> memref<128xi32, #tpu.memory_space<hbm>>
    tpu.enqueue_dma source(%dma_start3A_39 : memref<128xi32, #tpu.memory_space<hbm>>) target(%arg7 : memref<128xi32, #tpu.memory_space<vmem>>) target_semaphore(%arg13 : memref<!tpu.dma_semaphore, #tpu.memory_space<semaphore_mem>>)
    %dma_start3A_40 = arith.constant 0 : i32
    %dma_start3A_41 = arith.constant 0 : i32
    %dma_start3A_42 = tpu.memref_slice %arg2[%dma_start3A_40, %dma_start3A_41] : memref<20000x128xf32, #tpu.memory_space<hbm>> -> memref<128x128xf32, #tpu.memory_space<hbm>>
    %dma_start3A_43 = arith.constant 0 : i32
    %dma_start3A_44 = arith.constant 0 : i32
    %dma_start3A_45 = tpu.memref_slice %arg2[%dma_start3A_43, %dma_start3A_44] : memref<20000x128xf32, #tpu.memory_space<hbm>> -> memref<128x128xf32, #tpu.memory_space<hbm>>
    tpu.enqueue_dma source(%dma_start3A_45 : memref<128x128xf32, #tpu.memory_space<hbm>>) target(%arg9 : memref<128x128xf32, #tpu.memory_space<vmem>>) target_semaphore(%arg16 : memref<!tpu.dma_semaphore, #tpu.memory_space<semaphore_mem>>)
    %dma_start3A_46 = arith.constant 0 : i32
    %dma_start3A_47 = arith.constant 0 : i32
    %dma_start3A_48 = tpu.memref_slice %arg2[%dma_start3A_46, %dma_start3A_47] : memref<20000x128xf32, #tpu.memory_space<hbm>> -> memref<128x128xf32, #tpu.memory_space<hbm>>
    %dma_start3A_49 = arith.constant 0 : i32
    %dma_start3A_50 = arith.constant 0 : i32
    %dma_start3A_51 = tpu.memref_slice %arg2[%dma_start3A_49, %dma_start3A_50] : memref<20000x128xf32, #tpu.memory_space<hbm>> -> memref<128x128xf32, #tpu.memory_space<hbm>>
    tpu.enqueue_dma source(%dma_start3A_51 : memref<128x128xf32, #tpu.memory_space<hbm>>) target(%arg10 : memref<128x128xf32, #tpu.memory_space<vmem>>) target_semaphore(%arg17 : memref<!tpu.dma_semaphore, #tpu.memory_space<semaphore_mem>>)
    %scan3A_52 = arith.constant 0 : i32
    %scan3A_53 = arith.constant 0 : i32
    %scan3A_54 = arith.constant 40 : i32
    %scan3A_55 = arith.addi %scan3A_53, %scan3A_54 : i32
    %scan3A_56 = arith.constant 1 : i32
    scf.for %scan3A_91 = %scan3A_53 to %scan3A_55 step %scan3A_56  : i32 {
      %mul3A_92 = arith.constant 2 : i32
      %mul3A_93 = arith.muli %scan3A_91, %mul3A_92 : i32
      %add3A_94 = arith.constant 0 : i32
      %add3A_95 = arith.addi %mul3A_93, %add3A_94 : i32
      %dma_wait3A_96 = arith.constant 0 : i32
      %dma_wait3A_97 = arith.constant 0 : i32
      %dma_wait3A_98 = tpu.memref_slice %arg3[%add3A, %dma_wait3A_96, %dma_wait3A_97] : memref<32x80x128xi32, #tpu.memory_space<hbm>> -> memref<1x1x128xi32, #tpu.memory_space<hbm>>
      %dma_wait3A_99 = tpu.memref_squeeze %dma_wait3A_98 : memref<1x1x128xi32, #tpu.memory_space<hbm>> -> memref<128xi32, #tpu.memory_space<hbm>>
      %dma_wait3A_100 = arith.constant 0 : i32
      %dma_wait3A_101 = tpu.memref_slice %arg3[%add3A, %dma_wait3A_96, %dma_wait3A_100] : memref<32x80x128xi32, #tpu.memory_space<hbm>> -> memref<1x1x128xi32, #tpu.memory_space<hbm>>
      %dma_wait3A_102 = tpu.memref_squeeze %dma_wait3A_101 : memref<1x1x128xi32, #tpu.memory_space<hbm>> -> memref<128xi32, #tpu.memory_space<hbm>>
      tpu.wait_dma2 semaphore(%arg12 : memref<!tpu.dma_semaphore, #tpu.memory_space<semaphore_mem>>) src(%dma_wait3A_102 : memref<128xi32, #tpu.memory_space<hbm>>) dst(%arg6 : memref<128xi32, #tpu.memory_space<vmem>>)
      %dma_wait3A_103 = arith.constant 0 : i32
      %dma_wait3A_104 = arith.constant 0 : i32
      %dma_wait3A_105 = tpu.memref_slice %arg2[%dma_wait3A_103, %dma_wait3A_104] : memref<20000x128xf32, #tpu.memory_space<hbm>> -> memref<128x128xf32, #tpu.memory_space<hbm>>
      %dma_wait3A_106 = arith.constant 0 : i32
      %dma_wait3A_107 = arith.constant 0 : i32
      %dma_wait3A_108 = tpu.memref_slice %arg2[%dma_wait3A_106, %dma_wait3A_107] : memref<20000x128xf32, #tpu.memory_space<hbm>> -> memref<128x128xf32, #tpu.memory_space<hbm>>
      tpu.wait_dma2 semaphore(%arg16 : memref<!tpu.dma_semaphore, #tpu.memory_space<semaphore_mem>>) src(%dma_wait3A_108 : memref<128x128xf32, #tpu.memory_space<hbm>>) dst(%arg9 : memref<128x128xf32, #tpu.memory_space<vmem>>)
      %dma_start3A_109 = arith.constant 0 : i32
      %dma_start3A_110 = arith.constant 0 : i32
      %dma_start3A_111 = tpu.memref_slice %arg2[%dma_start3A_109, %dma_start3A_110] : memref<20000x128xf32, #tpu.memory_space<hbm>> -> memref<20000x128xf32, #tpu.memory_space<hbm>>
      tpu.enqueue_indirect_dma source(%dma_start3A_111 : memref<20000x128xf32, #tpu.memory_space<hbm>>) target(%arg9 : memref<128x128xf32, #tpu.memory_space<vmem>>) offsets(%arg6 : memref<128xi32, #tpu.memory_space<vmem>>) semaphore(%arg14 : memref<!tpu.dma_semaphore, #tpu.memory_space<semaphore_mem>>)
      %dma_wait3A_112 = arith.constant 0 : i32
      %dma_wait3A_113 = arith.constant 0 : i32
      %dma_wait3A_114 = tpu.memref_slice %arg2[%dma_wait3A_112, %dma_wait3A_113] : memref<20000x128xf32, #tpu.memory_space<hbm>> -> memref<128x128xf32, #tpu.memory_space<hbm>>
      %dma_wait3A_115 = arith.constant 0 : i32
      %dma_wait3A_116 = arith.constant 0 : i32
      %dma_wait3A_117 = tpu.memref_slice %arg2[%dma_wait3A_115, %dma_wait3A_116] : memref<20000x128xf32, #tpu.memory_space<hbm>> -> memref<128x128xf32, #tpu.memory_space<hbm>>
      tpu.wait_dma2 semaphore(%arg14 : memref<!tpu.dma_semaphore, #tpu.memory_space<semaphore_mem>>) src(%dma_wait3A_117 : memref<128x128xf32, #tpu.memory_space<hbm>>) dst(%arg9 : memref<128x128xf32, #tpu.memory_space<vmem>>)
      %dma_start3A_118 = arith.constant 0 : i32
      %dma_start3A_119 = tpu.memref_slice %arg8[%add3A_95, %dma_start3A_118] : memref<80x128xi32, #tpu.memory_space<vmem>> -> memref<1x128xi32, #tpu.memory_space<vmem>>
      %dma_start3A_120 = tpu.memref_squeeze %dma_start3A_119 : memref<1x128xi32, #tpu.memory_space<vmem>> -> memref<128xi32, #tpu.memory_space<vmem>>
      %dma_start3A_121 = arith.constant 0 : i32
      %dma_start3A_122 = arith.constant 0 : i32
      %dma_start3A_123 = tpu.memref_slice %arg11[%dma_start3A_121, %dma_start3A_122] : memref<10112x128xf32, #tpu.memory_space<vmem_shared>> -> memref<10112x128xf32, #tpu.memory_space<vmem_shared>>
      tpu.enqueue_indirect_dma source(%arg9 : memref<128x128xf32, #tpu.memory_space<vmem>>) target(%dma_start3A_123 : memref<10112x128xf32, #tpu.memory_space<vmem_shared>>) offsets(%dma_start3A_120 : memref<128xi32, #tpu.memory_space<vmem>>) semaphore(%arg16 : memref<!tpu.dma_semaphore, #tpu.memory_space<semaphore_mem>>) {add = true}
      %add3A_124 = arith.constant 2 : i32
      %add3A_125 = arith.addi %add3A_95, %add3A_124 : i32
      %lt3A = arith.constant 80 : i32
      %lt3A_126 = arith.cmpi slt, %add3A_125, %lt3A : i32
      %jit3A = arith.constant 0 : i32
      %select_n3A = arith.select %lt3A_126, %add3A_125, %jit3A : i32
      %dma_start3A_127 = arith.constant 0 : i32
      %dma_start3A_128 = tpu.memref_slice %arg3[%add3A, %select_n3A, %dma_start3A_127] : memref<32x80x128xi32, #tpu.memory_space<hbm>> -> memref<1x1x128xi32, #tpu.memory_space<hbm>>
      %dma_start3A_129 = tpu.memref_squeeze %dma_start3A_128 : memref<1x1x128xi32, #tpu.memory_space<hbm>> -> memref<128xi32, #tpu.memory_space<hbm>>
      %dma_start3A_130 = arith.constant 0 : i32
      %dma_start3A_131 = tpu.memref_slice %arg3[%add3A, %select_n3A, %dma_start3A_130] : memref<32x80x128xi32, #tpu.memory_space<hbm>> -> memref<1x1x128xi32, #tpu.memory_space<hbm>>
      %dma_start3A_132 = tpu.memref_squeeze %dma_start3A_131 : memref<1x1x128xi32, #tpu.memory_space<hbm>> -> memref<128xi32, #tpu.memory_space<hbm>>
      tpu.enqueue_dma source(%dma_start3A_132 : memref<128xi32, #tpu.memory_space<hbm>>) target(%arg6 : memref<128xi32, #tpu.memory_space<vmem>>) target_semaphore(%arg12 : memref<!tpu.dma_semaphore, #tpu.memory_space<semaphore_mem>>)
      %add3A_133 = arith.constant 1 : i32
      %add3A_134 = arith.addi %mul3A_93, %add3A_133 : i32
      %dma_wait3A_135 = arith.constant 0 : i32
      %dma_wait3A_136 = arith.constant 0 : i32
      %dma_wait3A_137 = tpu.memref_slice %arg3[%add3A, %dma_wait3A_135, %dma_wait3A_136] : memref<32x80x128xi32, #tpu.memory_space<hbm>> -> memref<1x1x128xi32, #tpu.memory_space<hbm>>
      %dma_wait3A_138 = tpu.memref_squeeze %dma_wait3A_137 : memref<1x1x128xi32, #tpu.memory_space<hbm>> -> memref<128xi32, #tpu.memory_space<hbm>>
      %dma_wait3A_139 = arith.constant 0 : i32
      %dma_wait3A_140 = tpu.memref_slice %arg3[%add3A, %dma_wait3A_135, %dma_wait3A_139] : memref<32x80x128xi32, #tpu.memory_space<hbm>> -> memref<1x1x128xi32, #tpu.memory_space<hbm>>
      %dma_wait3A_141 = tpu.memref_squeeze %dma_wait3A_140 : memref<1x1x128xi32, #tpu.memory_space<hbm>> -> memref<128xi32, #tpu.memory_space<hbm>>
      tpu.wait_dma2 semaphore(%arg13 : memref<!tpu.dma_semaphore, #tpu.memory_space<semaphore_mem>>) src(%dma_wait3A_141 : memref<128xi32, #tpu.memory_space<hbm>>) dst(%arg7 : memref<128xi32, #tpu.memory_space<vmem>>)
      %dma_wait3A_142 = arith.constant 0 : i32
      %dma_wait3A_143 = arith.constant 0 : i32
      %dma_wait3A_144 = tpu.memref_slice %arg2[%dma_wait3A_142, %dma_wait3A_143] : memref<20000x128xf32, #tpu.memory_space<hbm>> -> memref<128x128xf32, #tpu.memory_space<hbm>>
      %dma_wait3A_145 = arith.constant 0 : i32
      %dma_wait3A_146 = arith.constant 0 : i32
      %dma_wait3A_147 = tpu.memref_slice %arg2[%dma_wait3A_145, %dma_wait3A_146] : memref<20000x128xf32, #tpu.memory_space<hbm>> -> memref<128x128xf32, #tpu.memory_space<hbm>>
      tpu.wait_dma2 semaphore(%arg17 : memref<!tpu.dma_semaphore, #tpu.memory_space<semaphore_mem>>) src(%dma_wait3A_147 : memref<128x128xf32, #tpu.memory_space<hbm>>) dst(%arg10 : memref<128x128xf32, #tpu.memory_space<vmem>>)
      %dma_start3A_148 = arith.constant 0 : i32
      %dma_start3A_149 = arith.constant 0 : i32
      %dma_start3A_150 = tpu.memref_slice %arg2[%dma_start3A_148, %dma_start3A_149] : memref<20000x128xf32, #tpu.memory_space<hbm>> -> memref<20000x128xf32, #tpu.memory_space<hbm>>
      tpu.enqueue_indirect_dma source(%dma_start3A_150 : memref<20000x128xf32, #tpu.memory_space<hbm>>) target(%arg10 : memref<128x128xf32, #tpu.memory_space<vmem>>) offsets(%arg7 : memref<128xi32, #tpu.memory_space<vmem>>) semaphore(%arg15 : memref<!tpu.dma_semaphore, #tpu.memory_space<semaphore_mem>>)
      %dma_wait3A_151 = arith.constant 0 : i32
      %dma_wait3A_152 = arith.constant 0 : i32
      %dma_wait3A_153 = tpu.memref_slice %arg2[%dma_wait3A_151, %dma_wait3A_152] : memref<20000x128xf32, #tpu.memory_space<hbm>> -> memref<128x128xf32, #tpu.memory_space<hbm>>
      %dma_wait3A_154 = arith.constant 0 : i32
      %dma_wait3A_155 = arith.constant 0 : i32
      %dma_wait3A_156 = tpu.memref_slice %arg2[%dma_wait3A_154, %dma_wait3A_155] : memref<20000x128xf32, #tpu.memory_space<hbm>> -> memref<128x128xf32, #tpu.memory_space<hbm>>
      tpu.wait_dma2 semaphore(%arg15 : memref<!tpu.dma_semaphore, #tpu.memory_space<semaphore_mem>>) src(%dma_wait3A_156 : memref<128x128xf32, #tpu.memory_space<hbm>>) dst(%arg10 : memref<128x128xf32, #tpu.memory_space<vmem>>)
      %dma_start3A_157 = arith.constant 0 : i32
      %dma_start3A_158 = tpu.memref_slice %arg8[%add3A_134, %dma_start3A_157] : memref<80x128xi32, #tpu.memory_space<vmem>> -> memref<1x128xi32, #tpu.memory_space<vmem>>
      %dma_start3A_159 = tpu.memref_squeeze %dma_start3A_158 : memref<1x128xi32, #tpu.memory_space<vmem>> -> memref<128xi32, #tpu.memory_space<vmem>>
      %dma_start3A_160 = arith.constant 0 : i32
      %dma_start3A_161 = arith.constant 0 : i32
      %dma_start3A_162 = tpu.memref_slice %arg11[%dma_start3A_160, %dma_start3A_161] : memref<10112x128xf32, #tpu.memory_space<vmem_shared>> -> memref<10112x128xf32, #tpu.memory_space<vmem_shared>>
      tpu.enqueue_indirect_dma source(%arg10 : memref<128x128xf32, #tpu.memory_space<vmem>>) target(%dma_start3A_162 : memref<10112x128xf32, #tpu.memory_space<vmem_shared>>) offsets(%dma_start3A_159 : memref<128xi32, #tpu.memory_space<vmem>>) semaphore(%arg17 : memref<!tpu.dma_semaphore, #tpu.memory_space<semaphore_mem>>) {add = true}
      %add3A_163 = arith.constant 2 : i32
      %add3A_164 = arith.addi %add3A_134, %add3A_163 : i32
      %lt3A_165 = arith.constant 80 : i32
      %lt3A_166 = arith.cmpi slt, %add3A_164, %lt3A_165 : i32
      %jit3A_167 = arith.constant 0 : i32
      %select_n3A_168 = arith.select %lt3A_166, %add3A_164, %jit3A_167 : i32
      %dma_start3A_169 = arith.constant 0 : i32
      %dma_start3A_170 = tpu.memref_slice %arg3[%add3A, %select_n3A_168, %dma_start3A_169] : memref<32x80x128xi32, #tpu.memory_space<hbm>> -> memref<1x1x128xi32, #tpu.memory_space<hbm>>
      %dma_start3A_171 = tpu.memref_squeeze %dma_start3A_170 : memref<1x1x128xi32, #tpu.memory_space<hbm>> -> memref<128xi32, #tpu.memory_space<hbm>>
      %dma_start3A_172 = arith.constant 0 : i32
      %dma_start3A_173 = tpu.memref_slice %arg3[%add3A, %select_n3A_168, %dma_start3A_172] : memref<32x80x128xi32, #tpu.memory_space<hbm>> -> memref<1x1x128xi32, #tpu.memory_space<hbm>>
      %dma_start3A_174 = tpu.memref_squeeze %dma_start3A_173 : memref<1x1x128xi32, #tpu.memory_space<hbm>> -> memref<128xi32, #tpu.memory_space<hbm>>
      tpu.enqueue_dma source(%dma_start3A_174 : memref<128xi32, #tpu.memory_space<hbm>>) target(%arg7 : memref<128xi32, #tpu.memory_space<vmem>>) target_semaphore(%arg13 : memref<!tpu.dma_semaphore, #tpu.memory_space<semaphore_mem>>)
    }
    %scan3A_57 = arith.constant 40 : i32
    %dma_wait3A = arith.constant 0 : i32
    %dma_wait3A_58 = arith.constant 0 : i32
    %dma_wait3A_59 = tpu.memref_slice %arg2[%dma_wait3A, %dma_wait3A_58] : memref<20000x128xf32, #tpu.memory_space<hbm>> -> memref<128x128xf32, #tpu.memory_space<hbm>>
    %dma_wait3A_60 = arith.constant 0 : i32
    %dma_wait3A_61 = arith.constant 0 : i32
    %dma_wait3A_62 = tpu.memref_slice %arg2[%dma_wait3A_60, %dma_wait3A_61] : memref<20000x128xf32, #tpu.memory_space<hbm>> -> memref<128x128xf32, #tpu.memory_space<hbm>>
    tpu.wait_dma2 semaphore(%arg16 : memref<!tpu.dma_semaphore, #tpu.memory_space<semaphore_mem>>) src(%dma_wait3A_62 : memref<128x128xf32, #tpu.memory_space<hbm>>) dst(%arg9 : memref<128x128xf32, #tpu.memory_space<vmem>>)
    %dma_wait3A_63 = arith.constant 0 : i32
    %dma_wait3A_64 = arith.constant 0 : i32
    %dma_wait3A_65 = tpu.memref_slice %arg3[%add3A, %dma_wait3A_63, %dma_wait3A_64] : memref<32x80x128xi32, #tpu.memory_space<hbm>> -> memref<1x1x128xi32, #tpu.memory_space<hbm>>
    %dma_wait3A_66 = tpu.memref_squeeze %dma_wait3A_65 : memref<1x1x128xi32, #tpu.memory_space<hbm>> -> memref<128xi32, #tpu.memory_space<hbm>>
    %dma_wait3A_67 = arith.constant 0 : i32
    %dma_wait3A_68 = tpu.memref_slice %arg3[%add3A, %dma_wait3A_63, %dma_wait3A_67] : memref<32x80x128xi32, #tpu.memory_space<hbm>> -> memref<1x1x128xi32, #tpu.memory_space<hbm>>
    %dma_wait3A_69 = tpu.memref_squeeze %dma_wait3A_68 : memref<1x1x128xi32, #tpu.memory_space<hbm>> -> memref<128xi32, #tpu.memory_space<hbm>>
    tpu.wait_dma2 semaphore(%arg12 : memref<!tpu.dma_semaphore, #tpu.memory_space<semaphore_mem>>) src(%dma_wait3A_69 : memref<128xi32, #tpu.memory_space<hbm>>) dst(%arg6 : memref<128xi32, #tpu.memory_space<vmem>>)
    %dma_wait3A_70 = arith.constant 0 : i32
    %dma_wait3A_71 = arith.constant 0 : i32
    %dma_wait3A_72 = tpu.memref_slice %arg2[%dma_wait3A_70, %dma_wait3A_71] : memref<20000x128xf32, #tpu.memory_space<hbm>> -> memref<128x128xf32, #tpu.memory_space<hbm>>
    %dma_wait3A_73 = arith.constant 0 : i32
    %dma_wait3A_74 = arith.constant 0 : i32
    %dma_wait3A_75 = tpu.memref_slice %arg2[%dma_wait3A_73, %dma_wait3A_74] : memref<20000x128xf32, #tpu.memory_space<hbm>> -> memref<128x128xf32, #tpu.memory_space<hbm>>
    tpu.wait_dma2 semaphore(%arg17 : memref<!tpu.dma_semaphore, #tpu.memory_space<semaphore_mem>>) src(%dma_wait3A_75 : memref<128x128xf32, #tpu.memory_space<hbm>>) dst(%arg10 : memref<128x128xf32, #tpu.memory_space<vmem>>)
    %dma_wait3A_76 = arith.constant 0 : i32
    %dma_wait3A_77 = arith.constant 0 : i32
    %dma_wait3A_78 = tpu.memref_slice %arg3[%add3A, %dma_wait3A_76, %dma_wait3A_77] : memref<32x80x128xi32, #tpu.memory_space<hbm>> -> memref<1x1x128xi32, #tpu.memory_space<hbm>>
    %dma_wait3A_79 = tpu.memref_squeeze %dma_wait3A_78 : memref<1x1x128xi32, #tpu.memory_space<hbm>> -> memref<128xi32, #tpu.memory_space<hbm>>
    %dma_wait3A_80 = arith.constant 0 : i32
    %dma_wait3A_81 = tpu.memref_slice %arg3[%add3A, %dma_wait3A_76, %dma_wait3A_80] : memref<32x80x128xi32, #tpu.memory_space<hbm>> -> memref<1x1x128xi32, #tpu.memory_space<hbm>>
    %dma_wait3A_82 = tpu.memref_squeeze %dma_wait3A_81 : memref<1x1x128xi32, #tpu.memory_space<hbm>> -> memref<128xi32, #tpu.memory_space<hbm>>
    tpu.wait_dma2 semaphore(%arg13 : memref<!tpu.dma_semaphore, #tpu.memory_space<semaphore_mem>>) src(%dma_wait3A_82 : memref<128xi32, #tpu.memory_space<hbm>>) dst(%arg7 : memref<128xi32, #tpu.memory_space<vmem>>)
    %barrier3A_83 = arith.constant 0 : index
    tpu.barrier barrier_id(%barrier3A_83)
    %mul3A_84 = arith.constant 632 : i32
    %mul3A_85 = arith.muli %arg1, %mul3A_84 : i32
    %mul3A_86 = arith.constant 10112 : i32
    %mul3A_87 = arith.muli %arg0, %mul3A_86 : i32
    %mul3A_88 = arith.constant 632 : i32
    %mul3A_89 = arith.muli %arg1, %mul3A_88 : i32
    %add3A_90 = arith.addi %mul3A_87, %mul3A_89 : i32
    "tpu.region"() ({
      %run_scoped3A = tpu.sem_alloc : memref<!tpu.dma_semaphore, #tpu.memory_space<semaphore_mem>>
      %dma_start3A_91 = arith.constant 0 : i32
      %dma_start3A_92 = tpu.memref_slice %arg5[%add3A_90, %dma_start3A_91] : memref<20224x128xf32, #tpu.memory_space<hbm>> -> memref<632x128xf32, #tpu.memory_space<hbm>>
      %dma_start3A_93 = arith.constant 0 : i32
      %dma_start3A_94 = tpu.memref_slice %arg11[%mul3A_85, %dma_start3A_93] : memref<10112x128xf32, #tpu.memory_space<vmem_shared>> -> memref<632x128xf32, #tpu.memory_space<vmem_shared>>
      tpu.enqueue_dma source(%dma_start3A_94 : memref<632x128xf32, #tpu.memory_space<vmem_shared>>) target(%dma_start3A_92 : memref<632x128xf32, #tpu.memory_space<hbm>>) target_semaphore(%run_scoped3A : memref<!tpu.dma_semaphore, #tpu.memory_space<semaphore_mem>>)
      %dma_wait3A_95 = arith.constant 0 : i32
      %dma_wait3A_96 = tpu.memref_slice %arg5[%add3A_90, %dma_wait3A_95] : memref<20224x128xf32, #tpu.memory_space<hbm>> -> memref<632x128xf32, #tpu.memory_space<hbm>>
      %dma_wait3A_97 = arith.constant 0 : i32
      %dma_wait3A_98 = tpu.memref_slice %arg11[%mul3A_85, %dma_wait3A_97] : memref<10112x128xf32, #tpu.memory_space<vmem_shared>> -> memref<632x128xf32, #tpu.memory_space<vmem_shared>>
      tpu.wait_dma2 semaphore(%run_scoped3A : memref<!tpu.dma_semaphore, #tpu.memory_space<semaphore_mem>>) src(%dma_wait3A_98 : memref<632x128xf32, #tpu.memory_space<vmem_shared>>) dst(%dma_wait3A_96 : memref<632x128xf32, #tpu.memory_space<hbm>>)
      tpu.yield
    }) : () -> ()
    return
  }
}

module attributes {stable_mosaic.version = 14 : i64} {
  func.func @_mm_body(%arg0: i32, %arg1: memref<1024x256xf32, #tpu.memory_space<vmem>>, %arg2: memref<256x256xf32, #tpu.memory_space<vmem>>, %arg3: memref<32x1024xf32, #tpu.memory_space<vmem>>, %arg4: memref<2x1024x128xf32, #tpu.memory_space<vmem>>) attributes {dimension_semantics = [#tpu.dimension_semantics<arbitrary>], iteration_bounds = array<i64: 10>, scalar_prefetch = 0 : i64, scratch_operands = 0 : i64, tpu.core_type = #tpu.core_type<tc>, window_params = [{transform_indices = @transform_0, window_bounds = array<i64: 1024, 256>}, {pipeline_mode = #tpu.pipeline_mode<synchronous>, transform_indices = @transform_1, window_bounds = array<i64: 256, 256>}, {transform_indices = @transform_2, window_bounds = array<i64: 32, 1024>}, {transform_indices = @transform_3, window_bounds = array<i64: 2, 1024, 128>}]} {
    %get3A = arith.constant 0 : index
    %get3A_0 = arith.constant 0 : index
    %get3A_1 = vector.load %arg3[%get3A, %get3A_0] : memref<32x1024xf32, #tpu.memory_space<vmem>>, vector<32x1024xf32>
    %broadcast_in_dim3A = arith.constant 1.000000e+00 : f32
    %broadcast_in_dim3A_2 = vector.broadcast %broadcast_in_dim3A : f32 to vector<32x1xf32>
    %dot_general3A = arith.constant dense<0.000000e+00> : vector<1024x1xf32>
    %dot_general3A_3 = tpu.matmul %get3A_1, %broadcast_in_dim3A_2, %dot_general3A {dimension_numbers = #tpu.dot_dimension_numbers<[0], [0], [1], [1], [0, 1, 1, 1], [], []>, transpose_lhs_hint = false} : vector<32x1024xf32>, vector<32x1xf32>, vector<1024x1xf32> -> vector<1024x1xf32>
    %add3A = arith.constant 1.000000e+00 : f32
    %add3A_4 = vector.broadcast %add3A : f32 to vector<1024x1xf32>
    %add3A_5 = arith.addf %dot_general3A_3, %add3A_4 : vector<1024x1xf32>
    %rsqrt3A = math.rsqrt %add3A_5 : vector<1024x1xf32>
    %get3A_6 = arith.constant 0 : index
    %get3A_7 = arith.constant 0 : index
    %get3A_8 = vector.load %arg1[%get3A_6, %get3A_7] : memref<1024x256xf32, #tpu.memory_space<vmem>>, vector<1024x256xf32>
    %get3A_9 = arith.constant 0 : index
    %get3A_10 = arith.constant 0 : index
    %get3A_11 = vector.load %arg2[%get3A_9, %get3A_10] : memref<256x256xf32, #tpu.memory_space<vmem>>, vector<256x256xf32>
    %dot_general3A_12 = arith.constant dense<0.000000e+00> : vector<1024x256xf32>
    %dot_general3A_13 = tpu.matmul %get3A_8, %get3A_11, %dot_general3A_12 {dimension_numbers = #tpu.dot_dimension_numbers<[1], [0], [0], [1], [0, 0, 1, 1], [], []>, transpose_lhs_hint = false} : vector<1024x256xf32>, vector<256x256xf32>, vector<1024x256xf32> -> vector<1024x256xf32>
    %mul3A = vector.broadcast %rsqrt3A : vector<1024x1xf32> to vector<1024x256xf32>
    %mul3A_14 = arith.mulf %dot_general3A_13, %mul3A : vector<1024x256xf32>
    %slice3A = vector.extract_strided_slice %mul3A_14 {offsets = [0, 0], sizes = [1024, 128], strides = [1, 1]} : vector<1024x256xf32> to vector<1024x128xf32>
    %swap3A = arith.constant 0 : index
    %swap3A_15 = arith.constant 0 : index
    %swap3A_16 = arith.constant 0 : index
    %swap3A_17 = vector.load %arg4[%swap3A, %swap3A_15, %swap3A_16] : memref<2x1024x128xf32, #tpu.memory_space<vmem>>, vector<1x1024x128xf32>
    %swap3A_18 = vector.shape_cast %swap3A_17 : vector<1x1024x128xf32> to vector<1024x128xf32>
    %swap3A_19 = vector.shape_cast %slice3A : vector<1024x128xf32> to vector<1x1024x128xf32>
    tpu.vector_store %arg4[%swap3A, %swap3A_15, %swap3A_16], %swap3A_19 {strides = array<i32>} : memref<2x1024x128xf32, #tpu.memory_space<vmem>>, vector<1x1024x128xf32>,
    %slice3A_20 = vector.extract_strided_slice %mul3A_14 {offsets = [0, 128], sizes = [1024, 128], strides = [1, 1]} : vector<1024x256xf32> to vector<1024x128xf32>
    %swap3A_21 = arith.constant 1 : index
    %swap3A_22 = arith.constant 0 : index
    %swap3A_23 = arith.constant 0 : index
    %swap3A_24 = vector.load %arg4[%swap3A_21, %swap3A_22, %swap3A_23] : memref<2x1024x128xf32, #tpu.memory_space<vmem>>, vector<1x1024x128xf32>
    %swap3A_25 = vector.shape_cast %swap3A_24 : vector<1x1024x128xf32> to vector<1024x128xf32>
    %swap3A_26 = vector.shape_cast %slice3A_20 : vector<1024x128xf32> to vector<1x1024x128xf32>
    tpu.vector_store %arg4[%swap3A_21, %swap3A_22, %swap3A_23], %swap3A_26 {strides = array<i32>} : memref<2x1024x128xf32, #tpu.memory_space<vmem>>, vector<1x1024x128xf32>,
    return
  }
  func.func @transform_0(%arg0: i32) -> (i32, i32) {
    %c0_i32 = arith.constant 0 : i32
    %c0_i32_0 = arith.constant 0 : i32
    return %arg0, %c0_i32 : i32, i32
  }
  func.func @transform_1(%arg0: i32) -> (i32, i32) {
    %c0_i32 = arith.constant 0 : i32
    %c0_i32_0 = arith.constant 0 : i32
    %c0_i32_1 = arith.constant 0 : i32
    return %c0_i32, %c0_i32_0 : i32, i32
  }
  func.func @transform_2(%arg0: i32) -> (i32, i32) {
    %c0_i32 = arith.constant 0 : i32
    %c0_i32_0 = arith.constant 0 : i32
    return %c0_i32, %arg0 : i32, i32
  }
  func.func @transform_3(%arg0: i32) -> (i32, i32, i32) {
    %c0_i32 = arith.constant 0 : i32
    %c0_i32_0 = arith.constant 0 : i32
    %c0_i32_1 = arith.constant 0 : i32
    return %c0_i32, %arg0, %c0_i32_0 : i32, i32, i32
  }
}

module attributes {stable_mosaic.version = 14 : i64} {
  func.func @_fuse_body(%arg0: i32, %arg1: memref<1024x128xf32, #tpu.memory_space<vmem>>, %arg2: memref<1024x128xf32, #tpu.memory_space<vmem>>, %arg3: memref<2x1024x128xf32, #tpu.memory_space<vmem>>, %arg4: memref<32x1024xf32, #tpu.memory_space<vmem>>, %arg5: memref<1x256xf32, #tpu.memory_space<vmem>>, %arg6: memref<256x256xf32, #tpu.memory_space<vmem>>, %arg7: memref<2x1024x128xf32, #tpu.memory_space<vmem>>) attributes {dimension_semantics = [#tpu.dimension_semantics<arbitrary>], iteration_bounds = array<i64: 10>, scalar_prefetch = 0 : i64, scratch_operands = 0 : i64, tpu.core_type = #tpu.core_type<tc>, window_params = [{transform_indices = @transform_0, window_bounds = array<i64: 1024, 128>}, {transform_indices = @transform_1, window_bounds = array<i64: 1024, 128>}, {transform_indices = @transform_2, window_bounds = array<i64: 2, 1024, 128>}, {transform_indices = @transform_3, window_bounds = array<i64: 32, 1024>}, {pipeline_mode = #tpu.pipeline_mode<synchronous>, transform_indices = @transform_4, window_bounds = array<i64: 1, 256>}, {pipeline_mode = #tpu.pipeline_mode<synchronous>, transform_indices = @transform_5, window_bounds = array<i64: 256, 256>}, {transform_indices = @transform_6, window_bounds = array<i64: 2, 1024, 128>}]} {
    %get3A = arith.constant 0 : index
    %get3A_0 = arith.constant 0 : index
    %get3A_1 = vector.load %arg4[%get3A, %get3A_0] : memref<32x1024xf32, #tpu.memory_space<vmem>>, vector<32x1024xf32>
    %broadcast_in_dim3A = arith.constant 1.000000e+00 : f32
    %broadcast_in_dim3A_2 = vector.broadcast %broadcast_in_dim3A : f32 to vector<32x1xf32>
    %dot_general3A = arith.constant dense<0.000000e+00> : vector<1024x1xf32>
    %dot_general3A_3 = tpu.matmul %get3A_1, %broadcast_in_dim3A_2, %dot_general3A {dimension_numbers = #tpu.dot_dimension_numbers<[0], [0], [1], [1], [0, 1, 1, 1], [], []>, transpose_lhs_hint = false} : vector<32x1024xf32>, vector<32x1xf32>, vector<1024x1xf32> -> vector<1024x1xf32>
    %add3A = arith.constant 1.000000e+00 : f32
    %add3A_4 = vector.broadcast %add3A : f32 to vector<1024x1xf32>
    %add3A_5 = arith.addf %dot_general3A_3, %add3A_4 : vector<1024x1xf32>
    %rsqrt3A = math.rsqrt %add3A_5 : vector<1024x1xf32>
    %get3A_6 = arith.constant 0 : index
    %get3A_7 = arith.constant 0 : index
    %get3A_8 = vector.load %arg1[%get3A_6, %get3A_7] : memref<1024x128xf32, #tpu.memory_space<vmem>>, vector<1024x128xf32>
    %get3A_9 = arith.constant 0 : index
    %get3A_10 = arith.constant 0 : index
    %get3A_11 = arith.constant 0 : index
    %get3A_12 = vector.load %arg3[%get3A_9, %get3A_10, %get3A_11] : memref<2x1024x128xf32, #tpu.memory_space<vmem>>, vector<1x1024x128xf32>
    %get3A_13 = vector.shape_cast %get3A_12 : vector<1x1024x128xf32> to vector<1024x128xf32>
    %add3A_14 = arith.addf %get3A_8, %get3A_13 : vector<1024x128xf32>
    %mul3A = vector.broadcast %rsqrt3A : vector<1024x1xf32> to vector<1024x128xf32>
    %mul3A_15 = arith.mulf %mul3A, %add3A_14 : vector<1024x128xf32>
    %get3A_16 = arith.constant 0 : index
    %get3A_17 = arith.constant 0 : index
    %get3A_18 = vector.load %arg5[%get3A_16, %get3A_17] : memref<1x256xf32, #tpu.memory_space<vmem>>, vector<1x128xf32>
    %add3A_19 = vector.broadcast %get3A_18 : vector<1x128xf32> to vector<1024x128xf32>
    %add3A_20 = arith.addf %mul3A_15, %add3A_19 : vector<1024x128xf32>
    %get3A_21 = arith.constant 0 : index
    %get3A_22 = arith.constant 0 : index
    %get3A_23 = vector.load %arg2[%get3A_21, %get3A_22] : memref<1024x128xf32, #tpu.memory_space<vmem>>, vector<1024x128xf32>
    %get3A_24 = arith.constant 1 : index
    %get3A_25 = arith.constant 0 : index
    %get3A_26 = arith.constant 0 : index
    %get3A_27 = vector.load %arg3[%get3A_24, %get3A_25, %get3A_26] : memref<2x1024x128xf32, #tpu.memory_space<vmem>>, vector<1x1024x128xf32>
    %get3A_28 = vector.shape_cast %get3A_27 : vector<1x1024x128xf32> to vector<1024x128xf32>
    %add3A_29 = arith.addf %get3A_23, %get3A_28 : vector<1024x128xf32>
    %mul3A_30 = vector.broadcast %rsqrt3A : vector<1024x1xf32> to vector<1024x128xf32>
    %mul3A_31 = arith.mulf %mul3A_30, %add3A_29 : vector<1024x128xf32>
    %get3A_32 = arith.constant 0 : index
    %get3A_33 = arith.constant 128 : index
    %get3A_34 = vector.load %arg5[%get3A_32, %get3A_33] : memref<1x256xf32, #tpu.memory_space<vmem>>, vector<1x128xf32>
    %add3A_35 = vector.broadcast %get3A_34 : vector<1x128xf32> to vector<1024x128xf32>
    %add3A_36 = arith.addf %mul3A_31, %add3A_35 : vector<1024x128xf32>
    %max3A = arith.constant 0.000000e+00 : f32
    %max3A_37 = vector.broadcast %max3A : f32 to vector<1024x128xf32>
    %max3A_38 = arith.maximumf %add3A_20, %max3A_37 : vector<1024x128xf32>
    %max3A_39 = arith.constant 0.000000e+00 : f32
    %max3A_40 = vector.broadcast %max3A_39 : f32 to vector<1024x128xf32>
    %max3A_41 = arith.maximumf %add3A_36, %max3A_40 : vector<1024x128xf32>
    %concatenate3A = tpu.concatenate %max3A_38, %max3A_41 in 1 : vector<1024x128xf32>, vector<1024x128xf32> -> vector<1024x256xf32>
    %get3A_42 = arith.constant 0 : index
    %get3A_43 = arith.constant 0 : index
    %get3A_44 = vector.load %arg6[%get3A_42, %get3A_43] : memref<256x256xf32, #tpu.memory_space<vmem>>, vector<256x256xf32>
    %dot_general3A_45 = arith.constant dense<0.000000e+00> : vector<1024x256xf32>
    %dot_general3A_46 = tpu.matmul %concatenate3A, %get3A_44, %dot_general3A_45 {dimension_numbers = #tpu.dot_dimension_numbers<[1], [0], [0], [1], [0, 0, 1, 1], [], []>, transpose_lhs_hint = false} : vector<1024x256xf32>, vector<256x256xf32>, vector<1024x256xf32> -> vector<1024x256xf32>
    %mul3A_47 = vector.broadcast %rsqrt3A : vector<1024x1xf32> to vector<1024x256xf32>
    %mul3A_48 = arith.mulf %dot_general3A_46, %mul3A_47 : vector<1024x256xf32>
    %slice3A = vector.extract_strided_slice %mul3A_48 {offsets = [0, 0], sizes = [1024, 128], strides = [1, 1]} : vector<1024x256xf32> to vector<1024x128xf32>
    %swap3A = arith.constant 0 : index
    %swap3A_49 = arith.constant 0 : index
    %swap3A_50 = arith.constant 0 : index
    %swap3A_51 = vector.load %arg7[%swap3A, %swap3A_49, %swap3A_50] : memref<2x1024x128xf32, #tpu.memory_space<vmem>>, vector<1x1024x128xf32>
    %swap3A_52 = vector.shape_cast %swap3A_51 : vector<1x1024x128xf32> to vector<1024x128xf32>
    %swap3A_53 = vector.shape_cast %slice3A : vector<1024x128xf32> to vector<1x1024x128xf32>
    tpu.vector_store %arg7[%swap3A, %swap3A_49, %swap3A_50], %swap3A_53 {strides = array<i32>} : memref<2x1024x128xf32, #tpu.memory_space<vmem>>, vector<1x1024x128xf32>,
    %slice3A_54 = vector.extract_strided_slice %mul3A_48 {offsets = [0, 128], sizes = [1024, 128], strides = [1, 1]} : vector<1024x256xf32> to vector<1024x128xf32>
    %swap3A_55 = arith.constant 1 : index
    %swap3A_56 = arith.constant 0 : index
    %swap3A_57 = arith.constant 0 : index
    %swap3A_58 = vector.load %arg7[%swap3A_55, %swap3A_56, %swap3A_57] : memref<2x1024x128xf32, #tpu.memory_space<vmem>>, vector<1x1024x128xf32>
    %swap3A_59 = vector.shape_cast %swap3A_58 : vector<1x1024x128xf32> to vector<1024x128xf32>
    %swap3A_60 = vector.shape_cast %slice3A_54 : vector<1024x128xf32> to vector<1x1024x128xf32>
    tpu.vector_store %arg7[%swap3A_55, %swap3A_56, %swap3A_57], %swap3A_60 {strides = array<i32>} : memref<2x1024x128xf32, #tpu.memory_space<vmem>>, vector<1x1024x128xf32>,
    return
  }
  func.func @transform_0(%arg0: i32) -> (i32, i32) {
    %c0_i32 = arith.constant 0 : i32
    %c0_i32_0 = arith.constant 0 : i32
    return %arg0, %c0_i32 : i32, i32
  }
  func.func @transform_1(%arg0: i32) -> (i32, i32) {
    %c0_i32 = arith.constant 0 : i32
    %c0_i32_0 = arith.constant 0 : i32
    return %arg0, %c0_i32 : i32, i32
  }
  func.func @transform_2(%arg0: i32) -> (i32, i32, i32) {
    %c0_i32 = arith.constant 0 : i32
    %c0_i32_0 = arith.constant 0 : i32
    %c0_i32_1 = arith.constant 0 : i32
    return %c0_i32, %arg0, %c0_i32_0 : i32, i32, i32
  }
  func.func @transform_3(%arg0: i32) -> (i32, i32) {
    %c0_i32 = arith.constant 0 : i32
    %c0_i32_0 = arith.constant 0 : i32
    return %c0_i32, %arg0 : i32, i32
  }
  func.func @transform_4(%arg0: i32) -> (i32, i32) {
    %c0_i32 = arith.constant 0 : i32
    %c0_i32_0 = arith.constant 0 : i32
    %c0_i32_1 = arith.constant 0 : i32
    return %c0_i32, %c0_i32_0 : i32, i32
  }
  func.func @transform_5(%arg0: i32) -> (i32, i32) {
    %c0_i32 = arith.constant 0 : i32
    %c0_i32_0 = arith.constant 0 : i32
    %c0_i32_1 = arith.constant 0 : i32
    return %c0_i32, %c0_i32_0 : i32, i32
  }
  func.func @transform_6(%arg0: i32) -> (i32, i32, i32) {
    %c0_i32 = arith.constant 0 : i32
    %c0_i32_0 = arith.constant 0 : i32
    %c0_i32_1 = arith.constant 0 : i32
    return %c0_i32, %arg0, %c0_i32_0 : i32, i32, i32
  }
}

module attributes {stable_mosaic.version = 14 : i64} {
  func.func @_comb_body(%arg0: i32, %arg1: memref<1024x128xf32, #tpu.memory_space<vmem>>, %arg2: memref<1024x128xf32, #tpu.memory_space<vmem>>, %arg3: memref<2x1024x128xf32, #tpu.memory_space<vmem>>, %arg4: memref<32x1024xf32, #tpu.memory_space<vmem>>, %arg5: memref<1x256xf32, #tpu.memory_space<vmem>>, %arg6: memref<1024x256xf32, #tpu.memory_space<vmem>>) attributes {dimension_semantics = [#tpu.dimension_semantics<arbitrary>], iteration_bounds = array<i64: 10>, scalar_prefetch = 0 : i64, scratch_operands = 0 : i64, tpu.core_type = #tpu.core_type<tc>, window_params = [{transform_indices = @transform_0, window_bounds = array<i64: 1024, 128>}, {transform_indices = @transform_1, window_bounds = array<i64: 1024, 128>}, {transform_indices = @transform_2, window_bounds = array<i64: 2, 1024, 128>}, {transform_indices = @transform_3, window_bounds = array<i64: 32, 1024>}, {pipeline_mode = #tpu.pipeline_mode<synchronous>, transform_indices = @transform_4, window_bounds = array<i64: 1, 256>}, {transform_indices = @transform_5, window_bounds = array<i64: 1024, 256>}]} {
    %get3A = arith.constant 0 : index
    %get3A_0 = arith.constant 0 : index
    %get3A_1 = vector.load %arg4[%get3A, %get3A_0] : memref<32x1024xf32, #tpu.memory_space<vmem>>, vector<32x1024xf32>
    %broadcast_in_dim3A = arith.constant 1.000000e+00 : f32
    %broadcast_in_dim3A_2 = vector.broadcast %broadcast_in_dim3A : f32 to vector<32x1xf32>
    %dot_general3A = arith.constant dense<0.000000e+00> : vector<1024x1xf32>
    %dot_general3A_3 = tpu.matmul %get3A_1, %broadcast_in_dim3A_2, %dot_general3A {dimension_numbers = #tpu.dot_dimension_numbers<[0], [0], [1], [1], [0, 1, 1, 1], [], []>, transpose_lhs_hint = false} : vector<32x1024xf32>, vector<32x1xf32>, vector<1024x1xf32> -> vector<1024x1xf32>
    %add3A = arith.constant 1.000000e+00 : f32
    %add3A_4 = vector.broadcast %add3A : f32 to vector<1024x1xf32>
    %add3A_5 = arith.addf %dot_general3A_3, %add3A_4 : vector<1024x1xf32>
    %rsqrt3A = math.rsqrt %add3A_5 : vector<1024x1xf32>
    %get3A_6 = arith.constant 0 : index
    %get3A_7 = arith.constant 0 : index
    %get3A_8 = vector.load %arg1[%get3A_6, %get3A_7] : memref<1024x128xf32, #tpu.memory_space<vmem>>, vector<1024x128xf32>
    %get3A_9 = arith.constant 0 : index
    %get3A_10 = arith.constant 0 : index
    %get3A_11 = arith.constant 0 : index
    %get3A_12 = vector.load %arg3[%get3A_9, %get3A_10, %get3A_11] : memref<2x1024x128xf32, #tpu.memory_space<vmem>>, vector<1x1024x128xf32>
    %get3A_13 = vector.shape_cast %get3A_12 : vector<1x1024x128xf32> to vector<1024x128xf32>
    %add3A_14 = arith.addf %get3A_8, %get3A_13 : vector<1024x128xf32>
    %mul3A = vector.broadcast %rsqrt3A : vector<1024x1xf32> to vector<1024x128xf32>
    %mul3A_15 = arith.mulf %mul3A, %add3A_14 : vector<1024x128xf32>
    %get3A_16 = arith.constant 0 : index
    %get3A_17 = arith.constant 0 : index
    %get3A_18 = vector.load %arg5[%get3A_16, %get3A_17] : memref<1x256xf32, #tpu.memory_space<vmem>>, vector<1x128xf32>
    %add3A_19 = vector.broadcast %get3A_18 : vector<1x128xf32> to vector<1024x128xf32>
    %add3A_20 = arith.addf %mul3A_15, %add3A_19 : vector<1024x128xf32>
    %get3A_21 = arith.constant 0 : index
    %get3A_22 = arith.constant 0 : index
    %get3A_23 = vector.load %arg2[%get3A_21, %get3A_22] : memref<1024x128xf32, #tpu.memory_space<vmem>>, vector<1024x128xf32>
    %get3A_24 = arith.constant 1 : index
    %get3A_25 = arith.constant 0 : index
    %get3A_26 = arith.constant 0 : index
    %get3A_27 = vector.load %arg3[%get3A_24, %get3A_25, %get3A_26] : memref<2x1024x128xf32, #tpu.memory_space<vmem>>, vector<1x1024x128xf32>
    %get3A_28 = vector.shape_cast %get3A_27 : vector<1x1024x128xf32> to vector<1024x128xf32>
    %add3A_29 = arith.addf %get3A_23, %get3A_28 : vector<1024x128xf32>
    %mul3A_30 = vector.broadcast %rsqrt3A : vector<1024x1xf32> to vector<1024x128xf32>
    %mul3A_31 = arith.mulf %mul3A_30, %add3A_29 : vector<1024x128xf32>
    %get3A_32 = arith.constant 0 : index
    %get3A_33 = arith.constant 128 : index
    %get3A_34 = vector.load %arg5[%get3A_32, %get3A_33] : memref<1x256xf32, #tpu.memory_space<vmem>>, vector<1x128xf32>
    %add3A_35 = vector.broadcast %get3A_34 : vector<1x128xf32> to vector<1024x128xf32>
    %add3A_36 = arith.addf %mul3A_31, %add3A_35 : vector<1024x128xf32>
    %max3A = arith.constant 0.000000e+00 : f32
    %max3A_37 = vector.broadcast %max3A : f32 to vector<1024x128xf32>
    %max3A_38 = arith.maximumf %add3A_20, %max3A_37 : vector<1024x128xf32>
    %swap3A = arith.constant 0 : index
    %swap3A_39 = arith.constant 0 : index
    %swap3A_40 = vector.load %arg6[%swap3A, %swap3A_39] : memref<1024x256xf32, #tpu.memory_space<vmem>>, vector<1024x128xf32>
    tpu.vector_store %arg6[%swap3A, %swap3A_39], %max3A_38 {strides = array<i32>} : memref<1024x256xf32, #tpu.memory_space<vmem>>, vector<1024x128xf32>,
    %max3A_41 = arith.constant 0.000000e+00 : f32
    %max3A_42 = vector.broadcast %max3A_41 : f32 to vector<1024x128xf32>
    %max3A_43 = arith.maximumf %add3A_36, %max3A_42 : vector<1024x128xf32>
    %swap3A_44 = arith.constant 0 : index
    %swap3A_45 = arith.constant 128 : index
    %swap3A_46 = vector.load %arg6[%swap3A_44, %swap3A_45] : memref<1024x256xf32, #tpu.memory_space<vmem>>, vector<1024x128xf32>
    tpu.vector_store %arg6[%swap3A_44, %swap3A_45], %max3A_43 {strides = array<i32>} : memref<1024x256xf32, #tpu.memory_space<vmem>>, vector<1024x128xf32>,
    return
  }
  func.func @transform_0(%arg0: i32) -> (i32, i32) {
    %c0_i32 = arith.constant 0 : i32
    %c0_i32_0 = arith.constant 0 : i32
    return %arg0, %c0_i32 : i32, i32
  }
  func.func @transform_1(%arg0: i32) -> (i32, i32) {
    %c0_i32 = arith.constant 0 : i32
    %c0_i32_0 = arith.constant 0 : i32
    return %arg0, %c0_i32 : i32, i32
  }
  func.func @transform_2(%arg0: i32) -> (i32, i32, i32) {
    %c0_i32 = arith.constant 0 : i32
    %c0_i32_0 = arith.constant 0 : i32
    %c0_i32_1 = arith.constant 0 : i32
    return %c0_i32, %arg0, %c0_i32_0 : i32, i32, i32
  }
  func.func @transform_3(%arg0: i32) -> (i32, i32) {
    %c0_i32 = arith.constant 0 : i32
    %c0_i32_0 = arith.constant 0 : i32
    return %c0_i32, %arg0 : i32, i32
  }
  func.func @transform_4(%arg0: i32) -> (i32, i32) {
    %c0_i32 = arith.constant 0 : i32
    %c0_i32_0 = arith.constant 0 : i32
    %c0_i32_1 = arith.constant 0 : i32
    return %c0_i32, %c0_i32_0 : i32, i32
  }
  func.func @transform_5(%arg0: i32) -> (i32, i32) {
    %c0_i32 = arith.constant 0 : i32
    %c0_i32_0 = arith.constant 0 : i32
    return %arg0, %c0_i32 : i32, i32
  }
}

</mosaic_0001>

<sc_bundles>
// kernel: kernel.10.cloned.1.call-start
scs
__scs_entry_jumppad:
0x0: {  	(pc) =	sbr.rel $0x88, $3  }
0x1: {  	(tag) =	ssettag $0x0;
	lr =	simm.s32 $0x1  }
0x2: {  	[smem:$0x3F99] =	sst lr;
	_ =	strace $0xD0000000  }
0x3: {  	_ = 	snop  }
0x4: {  	_ = 	snop  }
0x5: {  	_ = 	snop  }
0x6: {  	_ = 	snop  }
0x7: {  	_ = 	snop  }
__scs_overlays_trampoline_lowered:
0x8: {  	[smem:$0x3FA8] =	sst s0  }
0x9: {  	[smem:$0x3FA9] =	sst s1  }
0xa: {  	[smem:$0x3FAA] =	sst s2  }
0xb: {  	[smem:$0x3FAB] =	sst s3  }
0xc: {  	[smem:$0x3FAC] =	sst s4  }
0xd: {  	[smem:$0x3FAD] =	sst s5  }
0xe: {  	[smem:$0x3FAE] =	sst s6  }
0xf: {  	[smem:$0x3FAF] =	sst s7  }
0x10: {  	[smem:$0x3FB0] =	sst s8  }
0x11: {  	[smem:$0x3FB1] =	sst s9;
	s0 =	simm.s32 @!p0 $0x0  }
0x12: {  	s1 =	sld [smem:$0x3F97];
	s0 =	simm.s32 @p0 $0x1  }
0x13: {  	[smem:$0x3FB2] =	sst s0;
	s0 =	simm.s32 @!p1 $0x0  }
0x14: {  	s2 =	sld [smem:$0x3F96];
	s0 =	simm.s32 @p1 $0x1  }
0x15: {  	[smem:$0x3FB3] =	sst s0;
	s0 =	simm.s32 @!p2 $0x0  }
0x16: {  	s3 =	sld [smem:$0x3FDB];
	s0 =	simm.s32 @p2 $0x1  }
0x17: {  	s4 =	simm.s32 $0x1BF5;
	[smem:$0x3FB5] =	sst s0  }
0x18: {  	s0 =	sld [smem:$0x3F98];
	_ =	swait.ge [sflag:s4], $0x0  }
0x19: {  	s7 =	sld [smem:$0x3F99]  }
0x1a: {  	s8 =	sadd.s32 $0xFFFFE003, lr  }
0x1b: {  	s9 =	sadd.s32 $0xFFFFFEF7, lr;
	s5 =	simm.s32 $0xFFFFFFFF;
	p2 =	slt.u32 s8, $0xFFFFF086  }
0x1c: {  	p1 =	slt.u32 s9, $0xF7A;
	s5 =	simm.s32 @!p2 $0x0  }
0x1d: {  	s5 =	simm.s32 @p1 $0x1;
	p0 =	seq.s32 s7, s2  }
0x1e: {  	s7 =	smul.u32 @!p0 $0xF7A, s2;
	p2 =	seq.s32 @!p0 s5, $0x0  }
0x1f: {  	s9 =	smul.u32 $0xF7A, s1;
	s8 =	simm.s32 @!p0 $0x1BF5;
	p2 =	por !p2, p0  }
0x20: {  	[sflag:s8] =	ssyncset.s32 @!p0 $0xFFFFF086;
	s6 =	sadd.s32 @!p0 s3, s7;
	s7 =	simm.s32 @!p0 $0x108  }
0x21: {  	s3 =	sadd.s32 s3, s9;
	s6 =	sadd.s32 @!p0 $0x88, s6;
	s7 =	simm.s32 @p2 $0x1082  }
0x22: {  	[simem:s7], [sflag:s8] =	dma.local @!p0 [hbm:s6], $0xF7A  }
0x23: {  	s9 =	sor.u32 $0xD0000000, s2;
	s6 =	simm.s32 $0x108;
	_ =	swait.ge @!p0 [sflag:s8], $0x0  }
0x24: {  	s3 =	sadd.s32 $0x88, s3;
	s6 =	simm.s32 @!p1 $0x1082;
	[sflag:s4] =	ssyncset.s32 $0xFFFFF086  }
0x25: {  	[simem:s6], [sflag:s4] =	dma.local [hbm:s3], $0xF7A  }
0x26: {  	[smem:$0x3F99] =	sst s1;
	(tag) =	ssettag s2;
	_ =	strace s9  }
0x27: {  	s1 =	sld [smem:$0x3FA9]  }
0x28: {  	s2 =	sld [smem:$0x3FAA]  }
0x29: {  	s4 =	sld [smem:$0x3FAC]  }
0x2a: {  	p0 =	seq.s32 s5, $0x0;
	s5 =	sld [smem:$0x3FAD]  }
0x2b: {  	s6 =	sld [smem:$0x3FAE]  }
0x2c: {  	s7 =	sld [smem:$0x3FAF]  }
0x2d: {  	s3 =	simm.s32 $0x108;
	s8 =	sld [smem:$0x3FB0]  }
0x2e: {  	s3 =	simm.s32 @!p0 $0x1082;
	s9 =	sld [smem:$0x3FB1]  }
0x2f: {  	lr =	sadd.s32 s0, s3;
	s0 =	sld [smem:$0x3FA8]  }
0x30: {  	s3 =	sld [smem:$0x3FAB]  }
0x31: {  	[smem:$0x3FB4] =	sst s10  }
0x32: {  	s10 =	sld [smem:$0x3FB2];
	_ =	sdelay $0x3  }
0x33: {  	p0 =	seq.s32 s10, $0x1;
	s10 =	sld [smem:$0x3FB4];
	_ =	sdelay $0x3  }
0x34: {  	[smem:$0x3FB4] =	sst s10  }
0x35: {  	s10 =	sld [smem:$0x3FB3];
	_ =	sdelay $0x3  }
0x36: {  	p1 =	seq.s32 s10, $0x1;
	s10 =	sld [smem:$0x3FB4];
	_ =	sdelay $0x3  }
0x37: {  	[smem:$0x3FB4] =	sst s10  }
0x38: {  	s10 =	sld [smem:$0x3FB5]  }
0x39: {  	_ = 	snop;
	(pc) =	sbr.ind lr, $3  }
0x3a: {  	_ = 	snop  }
0x3b: {  	_ = 	snop  }
0x3c: {  	p2 =	seq.s32 s10, $0x1;
	s10 =	sld [smem:$0x3FB4]  }
0x3d: {  	_ =	shalt  }
0x3e: {  	_ =	shalt  }
0x3f: {  	_ =	shalt  }
0x40: {  	_ =	shalt  }
0x41: {  	_ =	shalt  }
0x42: {  	_ =	shalt  }
0x43: {  	_ =	shalt  }
0x44: {  	_ =	shalt  }
0x45: {  	_ =	shalt  }
0x46: {  	_ =	shalt  }
0x47: {  	_ =	shalt  }
0x48: {  	_ =	shalt  }
0x49: {  	_ =	shalt  }
0x4a: {  	_ =	shalt  }
0x4b: {  	_ =	shalt  }
0x4c: {  	_ =	shalt  }
0x4d: {  	_ =	shalt  }
0x4e: {  	_ =	shalt  }
0x4f: {  	_ =	shalt  }
0x50: {  	_ =	shalt  }
0x51: {  	_ =	shalt  }
0x52: {  	_ =	shalt  }
0x53: {  	_ =	shalt  }
0x54: {  	_ =	shalt  }
0x55: {  	_ =	shalt  }
0x56: {  	_ =	shalt  }
0x57: {  	_ =	shalt  }
0x58: {  	_ =	shalt  }
0x59: {  	_ =	shalt  }
0x5a: {  	_ =	shalt  }
0x5b: {  	_ =	shalt  }
0x5c: {  	_ =	shalt  }
0x5d: {  	_ =	shalt  }
0x5e: {  	_ =	shalt  }
0x5f: {  	_ =	shalt  }
0x60: {  	_ =	shalt  }
0x61: {  	_ =	shalt  }
0x62: {  	_ =	shalt  }
0x63: {  	_ =	shalt  }
0x64: {  	_ =	shalt  }
0x65: {  	_ =	shalt  }
0x66: {  	_ =	shalt  }
0x67: {  	_ =	shalt  }
0x68: {  	_ =	shalt  }
0x69: {  	_ =	shalt  }
0x6a: {  	_ =	shalt  }
0x6b: {  	_ =	shalt  }
0x6c: {  	_ =	shalt  }
0x6d: {  	_ =	shalt  }
0x6e: {  	_ =	shalt  }
0x6f: {  	_ =	shalt  }
0x70: {  	_ =	shalt  }
0x71: {  	_ =	shalt  }
0x72: {  	_ =	shalt  }
0x73: {  	_ =	shalt  }
0x74: {  	_ =	shalt  }
0x75: {  	_ =	shalt  }
0x76: {  	_ =	shalt  }
0x77: {  	_ =	shalt  }
0x78: {  	_ =	shalt  }
0x79: {  	_ =	shalt  }
0x7a: {  	_ =	shalt  }
0x7b: {  	_ =	shalt  }
0x7c: {  	_ =	shalt  }
0x7d: {  	_ =	shalt  }
0x7e: {  	_ =	shalt  }
0x7f: {  	_ =	shalt  }
0x80: {  	_ =	shalt  }
0x81: {  	_ =	shalt  }
0x82: {  	_ =	shalt  }
0x83: {  	_ =	shalt  }
0x84: {  	_ =	shalt  }
0x85: {  	_ =	shalt  }
0x86: {  	_ =	shalt  }
0x87: {  	_ =	shalt  }
.Lfunc_end0:
.L_simem_size_0:
called_computation_lowered:
.L_overlay_start_0:
0x88: {  	s2 =	sld [smem:$0x3FD9]  }
0x89: {  	s3 =	sld [smem:$0x3FFE];
	_ =	sdelay $0x1  }
0x8a: {  	s1 =	srdreg.scid  }
0x8b: {  	s0 =	sand.u32 $0x1, s1  }
0x8c: {  	s17 =	sshll.u32 s0, $0xA;
	s2 =	sadd.s32 s3, s2  }
0x8d: {  	s2 =	sadd.s32 s2, s17  }
0x8e: {  	[smem:$0x3FC0] =	sst s2  }
0x8f: {  	_ = 	snop  }
0x90: {  	s2 =	sld [smem:$0x3FD0];
	(tm) =	ssettm $0x1  }
0x91: {  	s18 =	sld [smem:$0x3FFB];
	_ =	sdelay $0x3  }
0x92: {  	_ =	strace s18  }
0x93: {  	s3 =	sld [smem:$0x3FFC];
	_ =	sdelay $0x3  }
0x94: {  	_ =	strace s3  }
0x95: {  	s3 =	sld [smem:$0x3FFD];
	_ =	sdelay $0x3  }
0x96: {  	_ =	strace s3  }
0x97: {  	_ =	strace $0x8FFFFFFF  }
0x98: {  	s19 =	sld [smem:$0x3FDB];
	_ =	sdelay $0x1  }
0x99: {  	s4 =	simm.s32 $_scs_section_size  }
0x9a: {  	s5 =	simm.s32 $_size__tile_overlayer_lowered;
	s6 =	simm.s32 $_tile_overlayer_lowered  }
0x9b: {  	s22 =	simm.s32 $0x1BFF;
	s21 =	sshll.u32 s6, $0x1;
	s3 =	sadd.s32 s4, s19  }
0x9c: {  	s7 =	simm.s32 $0x0;
	s20 =	sshll.u32 s5, $0x1;
	s5 =	sadd.s32 s21, s3  }
0x9d: {  	[timem:s7], [sflag:s22] =	dma.local [hbm:s5], s20  }
0x9e: {  	_ =	swait.ge [sflag:s22], s20  }
0x9f: {  	s4 =	ssub.s32 $0x0, s20;
	[sflag:s22] =	ssyncset.done $0x0  }
0xa0: {  	[sflag:s22] =	ssyncadd.s32 s4;
	_ =	sdelay $0x1  }
0xa1: {  	s23 =	simm.s32 $0x1B8B  }
0xa2: {  	_ =	swait.ge [sflag:s23], $0x1  }
0xa3: {  	[sflag:s23] =	ssyncset.done $0x0  }
0xa4: {  	s25 =	simm.s32 $0x1B8E;
	s24 =	sld [smem:$0x3FFE];
	[sflag:s23] =	ssyncadd.s32 $0xFFFFFFFF  }
0xa5: {  	s26 =	simm.s32 $execute0_lowered;
	[smem:$0x3FD2] =	sst s25  }
0xa6: {  	s5 =	sshll.u32 s26, $0x1;
	_ =	strace $0x80000046;
	[dreg:$0x1] =	wrdreg $0xFFFFFFFF  }
0xa7: {  	s28 =	simm.s32 $_size_execute0_lowered;
	s3 =	sadd.s32 s3, s5;
	[dreg:$0x0] =	wrdreg $0x0  }
0xa8: {  	s5 =	sshll.u32 s28, $0x1;
	[dreg:$0x2] =	wrdreg s3  }
0xa9: {  	[dreg:$0x3] =	wrdreg s5  }
0xaa: {  	[dreg:$0x4] =	wrdreg $0xC0  }
0xab: {  	_ =	task [dreg:s7], $0x5FFFF  }
0xac: {  	[dreg:$0x1] =	wrdreg $0xFFFFFFFF  }
0xad: {  	[dreg:$0x0] =	wrdreg $0x60  }
0xae: {  	[dreg:$0x2] =	wrdreg s24  }
0xaf: {  	[dreg:$0x3] =	wrdreg s2  }
0xb0: {  	[dreg:$0x4] =	wrdreg $0x9  }
0xb1: {  	_ =	task.clear_ibuf [dreg:s7], $0x5FFFF;
	_ =	strace $0x90000046  }
0xb2: {  	s29 =	simm.s32 $0x9;
	_ =	strace $0x80000048  }
0xb3: {  	_ =	swait.ge [sflag:s29], $0x1  }
0xb4: {  	[sflag:s29] =	ssyncadd.s32 $0xFFFFFFFF  }
0xb5: {  	_ =	strace $0x90000048  }
0xb6: {  	_ =	sfence  }
0xb7: {  	s30 =	sld [smem:$0x0];
	_ =	sdelay $0x2  }
0xb8: {  	s31 =	sshll.u32 s1, $0xD;
	s1 =	sshrl.u32 s1, $0x2  }
0xb9: {  	s3 =	sand.u32 $0x4000, s31;
	s1 =	sadd.s32 s1, s30  }
0xba: {  	s0 =	sor.u32 s3, s0;
	s1 =	sshll.u32 s1, $0x11  }
0xbb: {  	s0 =	sor.u32 s1, s0  }
0xbc: {  	s0 =	sadd.s32 $0x8F2B, s0  }
0xbd: {  	[sflag:s0] =	ssyncadd.remote.s32 $0x1  }
0xbe: {  	_ =	sfence.sel $0xFFFF  }
0xbf: {  	[dreg:$0x0] =	wrdreg $0xFFFFFFFF;
	(pc) =	sbr.abs _section_cstart, $3  }
0xc0: {  	[dreg:$0x1] =	wrdreg $0xFFFFFFFF  }
0xc1: {  	_ =	task.clear_ibuf [dreg:s7], $0x2FFFF;
	_ =	strace $0x9FFFFFFF  }
0xc2: {  	(tm) =	ssettm $0x7FFFFFFF  }
0xc3: {  	_ =	shalt  }
tec
execute0_lowered:
.L_overlay_start_1:
0x0: {  	(tag) =	ssettag $0x1  }
0x1: {  	s0 =	srdreg.scid  }
0x2: {  	s3 =	sand.u32 $0x1, s0  }
0x3: {  	s4 =	rddreg [dreg:$0x0];
	s0 =	stileid.u32;
	s1 =	sshll.u32 s3, $0x4  }
0x4: {  	s6 =	rddreg [dreg:$0x1];
	s1 =	sor.u32 s0, s1  }
0x5: {  	s2 =	simm.s32 $0x0;
	s9 =	simm.s32 $0x1400;
	s5 =	sshrl.u32 s1, $0x3  }
0x6: {  	[smem:$0x7FF] =	sst s2;
	s7 =	sshll.u32 s0, $0x7;
	s8 =	smul.u32 $0xA000, s5  }
0x7: {  	s3 =	ssub.s32 $0x2, s3;
	s7 =	sand.u32 $0x380, s7;
	s5 =	smul.u32 $0x13C00, s5  }
0x8: {  	s29 =	sshrl.u32 s3, $0x1;
	s1 =	rddreg [dreg:$0x2];
	_ =	strace $0x80000047  }
0x9: {  	s30 =	ssub.s32 s3, s29;
	s8 =	sor.u32 s7, s8;
	s5 =	sor.u32 s7, s5  }
0xa: {  	s7 =	simm.s32 $0x400;
	s8 =	sshrl.u32 s8, $0x3;
	s31 =	sshrl.u32 s5, $0x3  }
0xb: {  	s5 =	smax.u32 s30, $0x1;
	s4 =	sadd.s32 s8, s4;
	s8 =	simm.s32 $0x1  }
0xc: {  	v0 =	vimm.f32 $0.0e+00;
	v1 =	vimm.f32 $1.000000000e+00;
	s3 =	sadd.s32 $0x7A00, s4;
	s4 =	sadd.s32 s6, s31;
	s6 =	simm.s32 $0x80  }
.LBB2_1:
0xd: {  	s10 =	simm.s32 $0x40;
	s11 =	simm.s32 $0x0  }
.LBB2_2:
0xe: {  	p0 =	sne.s32 s10, $0x9DC0;
	[tilespmem:s11+$0x1400] =	vst v0;
	s11 =	smov.u32 s10;
	s10 =	sadd.s32 $0x40, s10  }
.Ltmp0:
0xf: {  	(pc) =	sbr.rel @p0 .LBB2_2-.Ltmp0, $2  }
0x10: {  	_ =	sdelay $0x2  }
0x11: {  	s11 =	sshra.s32 s11, $0x2  }
0x12: {  	[tilespmem:s11+$0x1400] =	vst v0;
	s10 =	simm.s32 $0x0  }
0x13: {  	[tilespmem:s10], [sflag:$0x1] =	stream.strided.gather [hbm4b:s3+s6], $0x1400, s7, s6, $0x38;
	[tilespmem:$0x3B80] =	vst v63  }
0x14: {  	_ =	swait.ge [sflag:s8], $0x1400  }
0x15: {  	[sflag:s8] =	ssyncset.done $0x0  }
0x16: {  	s11 =	simm.s32 $0x0;
	s10 =	simm.s32 $0x40;
	[sflag:s8] =	ssyncadd.s32 $0xFFFFEC00  }
.LBB2_4:
0x17: {  	p0 =	sne.s32 s10, $0x4FC0;
	v2 =	vld [tilespmem:s11+$0x0];
	_ =	sdelay $0x3  }
.Ltmp1:
0x18: {  	(pc) =	sbr.rel @p0 .LBB2_4-.Ltmp1, $2  }
0x19: {  	_ =	sdelay $0x2  }
0x1a: {  	s11 =	sshra.s32 s10, $0x2;
	s10 =	sadd.s32 $0x40, s10;
	[tilespmem:v2+s9+$0x0] =	vst.idx.add.f32.msk $0xffff, v1  }
0x1b: {  	v2 =	vld [tilespmem:s11+$0x0];
	_ =	sdelay $0x5  }
0x1c: {  	s2 =	sadd.s32 $0x1, s2  }
0x1d: {  	p0 =	sne.s32 s2, s5  }
.Ltmp2:
0x1e: {  	[tilespmem:v2+s9+$0x0] =	vst.idx.add.f32.msk $0xffff, v1;
	(pc) =	sbr.rel @p0 .LBB2_1-.Ltmp2, $4  }
0x1f: {  	[hbm4b:s4+s6] =	stream.strided.scatter [tilespmem:s9], [sflag:$0x1], $0x2780, s7, s6, $0x38;
	[tilespmem:$0x3B80] =	vst v63  }
0x20: {  	_ =	swait.ge [sflag:s8], $0x2780  }
0x21: {  	[sflag:s8] =	ssyncset.done $0x0  }
0x22: {  	[sflag:s8] =	ssyncadd.s32 $0xFFFFD880  }
0x23: {  	_ =	sfence.sel $0x180000  }
0x24: {  	[bflag:$0x0] =	sbarrier.arrive $0xFFFF  }
0x25: {  	p0 =	sne.s32 s0, $0x0;
	_ =	strace $0x90000047  }
0x26: {  	s0 =	sadd.s32 @!p0 $0x100000, s1;
	[bflag:$0x2] =	sbarrier.arrive $0xFFFF  }
0x27: {  	[sflag:s0] =	ssyncadd.tile.s32 @!p0 $0x1;
	_ =	shalt  }
.Lfunc_end2:
_tile_overlayer_lowered:
.L_overlay_start_2:
0x28: {  	(tag) =	ssettag $0x2  }
0x29: {  	s0 =	rddreg [dreg:$0x0];
	s2 =	stileid.u32  }
0x2a: {  	s1 =	rddreg [dreg:$0x1];
	p0 =	sne.s32 s2, $0x0  }
0x2b: {  	s3 =	rddreg [dreg:$0x2];
	[bflag:$0x3] =	sbarrier.arrive $0xFFFF;
	s2 =	simm.s32 @!p0 $0x1C01  }
0x2c: {  	[timem:s3], [sflag:s2] =	dma.local @!p0 [hbm:s0], s1  }
0x2d: {  	s0 =	simm.s32 @!p0 $0x1  }
0x2e: {  	_ =	swait.ge @!p0 [sflag:s0], s1  }
0x2f: {  	s1 =	ssub.s32 @!p0 $0x0, s1;
	[sflag:s0] =	ssyncset.done @!p0 $0x0  }
0x30: {  	[sflag:s0] =	ssyncadd.s32 @!p0 s1  }
0x31: {  	[bflag:$0x3] =	sbarrier.arrive $0xFFFF  }
0x32: {  	_ =	shalt  }

// kernel: kernel.13.cloned.1.call-start
scs
__scs_entry_jumppad:
0x0: {  	(pc) =	sbr.rel $0x88, $3  }
0x1: {  	(tag) =	ssettag $0x0;
	lr =	simm.s32 $0x1  }
0x2: {  	[smem:$0x3F99] =	sst lr;
	_ =	strace $0xD0000000  }
0x3: {  	_ = 	snop  }
0x4: {  	_ = 	snop  }
0x5: {  	_ = 	snop  }
0x6: {  	_ = 	snop  }
0x7: {  	_ = 	snop  }
__scs_overlays_trampoline_lowered:
0x8: {  	[smem:$0x3FA8] =	sst s0  }
0x9: {  	[smem:$0x3FA9] =	sst s1  }
0xa: {  	[smem:$0x3FAA] =	sst s2  }
0xb: {  	[smem:$0x3FAB] =	sst s3  }
0xc: {  	[smem:$0x3FAC] =	sst s4  }
0xd: {  	[smem:$0x3FAD] =	sst s5  }
0xe: {  	[smem:$0x3FAE] =	sst s6  }
0xf: {  	[smem:$0x3FAF] =	sst s7  }
0x10: {  	[smem:$0x3FB0] =	sst s8  }
0x11: {  	[smem:$0x3FB1] =	sst s9;
	s0 =	simm.s32 @!p0 $0x0  }
0x12: {  	s1 =	sld [smem:$0x3F97];
	s0 =	simm.s32 @p0 $0x1  }
0x13: {  	[smem:$0x3FB2] =	sst s0;
	s0 =	simm.s32 @!p1 $0x0  }
0x14: {  	s2 =	sld [smem:$0x3F96];
	s0 =	simm.s32 @p1 $0x1  }
0x15: {  	[smem:$0x3FB3] =	sst s0;
	s0 =	simm.s32 @!p2 $0x0  }
0x16: {  	s3 =	sld [smem:$0x3FDB];
	s0 =	simm.s32 @p2 $0x1  }
0x17: {  	s4 =	simm.s32 $0x1BF5;
	[smem:$0x3FB5] =	sst s0  }
0x18: {  	s0 =	sld [smem:$0x3F98];
	_ =	swait.ge [sflag:s4], $0x0  }
0x19: {  	s7 =	sld [smem:$0x3F99]  }
0x1a: {  	s8 =	sadd.s32 $0xFFFFE003, lr  }
0x1b: {  	s9 =	sadd.s32 $0xFFFFFEF7, lr;
	s5 =	simm.s32 $0xFFFFFFFF;
	p2 =	slt.u32 s8, $0xFFFFF086  }
0x1c: {  	p1 =	slt.u32 s9, $0xF7A;
	s5 =	simm.s32 @!p2 $0x0  }
0x1d: {  	s5 =	simm.s32 @p1 $0x1;
	p0 =	seq.s32 s7, s2  }
0x1e: {  	s7 =	smul.u32 @!p0 $0xF7A, s2;
	p2 =	seq.s32 @!p0 s5, $0x0  }
0x1f: {  	s9 =	smul.u32 $0xF7A, s1;
	s8 =	simm.s32 @!p0 $0x1BF5;
	p2 =	por !p2, p0  }
0x20: {  	[sflag:s8] =	ssyncset.s32 @!p0 $0xFFFFF086;
	s6 =	sadd.s32 @!p0 s3, s7;
	s7 =	simm.s32 @!p0 $0x108  }
0x21: {  	s3 =	sadd.s32 s3, s9;
	s6 =	sadd.s32 @!p0 $0x88, s6;
	s7 =	simm.s32 @p2 $0x1082  }
0x22: {  	[simem:s7], [sflag:s8] =	dma.local @!p0 [hbm:s6], $0xF7A  }
0x23: {  	s9 =	sor.u32 $0xD0000000, s2;
	s6 =	simm.s32 $0x108;
	_ =	swait.ge @!p0 [sflag:s8], $0x0  }
0x24: {  	s3 =	sadd.s32 $0x88, s3;
	s6 =	simm.s32 @!p1 $0x1082;
	[sflag:s4] =	ssyncset.s32 $0xFFFFF086  }
0x25: {  	[simem:s6], [sflag:s4] =	dma.local [hbm:s3], $0xF7A  }
0x26: {  	[smem:$0x3F99] =	sst s1;
	(tag) =	ssettag s2;
	_ =	strace s9  }
0x27: {  	s1 =	sld [smem:$0x3FA9]  }
0x28: {  	s2 =	sld [smem:$0x3FAA]  }
0x29: {  	s4 =	sld [smem:$0x3FAC]  }
0x2a: {  	p0 =	seq.s32 s5, $0x0;
	s5 =	sld [smem:$0x3FAD]  }
0x2b: {  	s6 =	sld [smem:$0x3FAE]  }
0x2c: {  	s7 =	sld [smem:$0x3FAF]  }
0x2d: {  	s3 =	simm.s32 $0x108;
	s8 =	sld [smem:$0x3FB0]  }
0x2e: {  	s3 =	simm.s32 @!p0 $0x1082;
	s9 =	sld [smem:$0x3FB1]  }
0x2f: {  	lr =	sadd.s32 s0, s3;
	s0 =	sld [smem:$0x3FA8]  }
0x30: {  	s3 =	sld [smem:$0x3FAB]  }
0x31: {  	[smem:$0x3FB4] =	sst s10  }
0x32: {  	s10 =	sld [smem:$0x3FB2];
	_ =	sdelay $0x3  }
0x33: {  	p0 =	seq.s32 s10, $0x1;
	s10 =	sld [smem:$0x3FB4];
	_ =	sdelay $0x3  }
0x34: {  	[smem:$0x3FB4] =	sst s10  }
0x35: {  	s10 =	sld [smem:$0x3FB3];
	_ =	sdelay $0x3  }
0x36: {  	p1 =	seq.s32 s10, $0x1;
	s10 =	sld [smem:$0x3FB4];
	_ =	sdelay $0x3  }
0x37: {  	[smem:$0x3FB4] =	sst s10  }
0x38: {  	s10 =	sld [smem:$0x3FB5]  }
0x39: {  	_ = 	snop;
	(pc) =	sbr.ind lr, $3  }
0x3a: {  	_ = 	snop  }
0x3b: {  	_ = 	snop  }
0x3c: {  	p2 =	seq.s32 s10, $0x1;
	s10 =	sld [smem:$0x3FB4]  }
0x3d: {  	_ =	shalt  }
0x3e: {  	_ =	shalt  }
0x3f: {  	_ =	shalt  }
0x40: {  	_ =	shalt  }
0x41: {  	_ =	shalt  }
0x42: {  	_ =	shalt  }
0x43: {  	_ =	shalt  }
0x44: {  	_ =	shalt  }
0x45: {  	_ =	shalt  }
0x46: {  	_ =	shalt  }
0x47: {  	_ =	shalt  }
0x48: {  	_ =	shalt  }
0x49: {  	_ =	shalt  }
0x4a: {  	_ =	shalt  }
0x4b: {  	_ =	shalt  }
0x4c: {  	_ =	shalt  }
0x4d: {  	_ =	shalt  }
0x4e: {  	_ =	shalt  }
0x4f: {  	_ =	shalt  }
0x50: {  	_ =	shalt  }
0x51: {  	_ =	shalt  }
0x52: {  	_ =	shalt  }
0x53: {  	_ =	shalt  }
0x54: {  	_ =	shalt  }
0x55: {  	_ =	shalt  }
0x56: {  	_ =	shalt  }
0x57: {  	_ =	shalt  }
0x58: {  	_ =	shalt  }
0x59: {  	_ =	shalt  }
0x5a: {  	_ =	shalt  }
0x5b: {  	_ =	shalt  }
0x5c: {  	_ =	shalt  }
0x5d: {  	_ =	shalt  }
0x5e: {  	_ =	shalt  }
0x5f: {  	_ =	shalt  }
0x60: {  	_ =	shalt  }
0x61: {  	_ =	shalt  }
0x62: {  	_ =	shalt  }
0x63: {  	_ =	shalt  }
0x64: {  	_ =	shalt  }
0x65: {  	_ =	shalt  }
0x66: {  	_ =	shalt  }
0x67: {  	_ =	shalt  }
0x68: {  	_ =	shalt  }
0x69: {  	_ =	shalt  }
0x6a: {  	_ =	shalt  }
0x6b: {  	_ =	shalt  }
0x6c: {  	_ =	shalt  }
0x6d: {  	_ =	shalt  }
0x6e: {  	_ =	shalt  }
0x6f: {  	_ =	shalt  }
0x70: {  	_ =	shalt  }
0x71: {  	_ =	shalt  }
0x72: {  	_ =	shalt  }
0x73: {  	_ =	shalt  }
0x74: {  	_ =	shalt  }
0x75: {  	_ =	shalt  }
0x76: {  	_ =	shalt  }
0x77: {  	_ =	shalt  }
0x78: {  	_ =	shalt  }
0x79: {  	_ =	shalt  }
0x7a: {  	_ =	shalt  }
0x7b: {  	_ =	shalt  }
0x7c: {  	_ =	shalt  }
0x7d: {  	_ =	shalt  }
0x7e: {  	_ =	shalt  }
0x7f: {  	_ =	shalt  }
0x80: {  	_ =	shalt  }
0x81: {  	_ =	shalt  }
0x82: {  	_ =	shalt  }
0x83: {  	_ =	shalt  }
0x84: {  	_ =	shalt  }
0x85: {  	_ =	shalt  }
0x86: {  	_ =	shalt  }
0x87: {  	_ =	shalt  }
.Lfunc_end0:
.L_simem_size_0:
called_computation.1_lowered:
.L_overlay_start_0:
0x88: {  	s2 =	sld [smem:$0x3FD9]  }
0x89: {  	s3 =	sld [smem:$0x3FFE];
	_ =	sdelay $0x1  }
0x8a: {  	s1 =	srdreg.scid  }
0x8b: {  	s0 =	sand.u32 $0x1, s1  }
0x8c: {  	s17 =	sshll.u32 s0, $0xA;
	s2 =	sadd.s32 s3, s2  }
0x8d: {  	s2 =	sadd.s32 s2, s17  }
0x8e: {  	[smem:$0x3FC0] =	sst s2  }
0x8f: {  	_ = 	snop  }
0x90: {  	s2 =	sld [smem:$0x3FD0];
	(tm) =	ssettm $0x1  }
0x91: {  	s18 =	sld [smem:$0x3FFB];
	_ =	sdelay $0x3  }
0x92: {  	_ =	strace s18  }
0x93: {  	s3 =	sld [smem:$0x3FFC];
	_ =	sdelay $0x3  }
0x94: {  	_ =	strace s3  }
0x95: {  	s3 =	sld [smem:$0x3FFD];
	_ =	sdelay $0x3  }
0x96: {  	_ =	strace s3  }
0x97: {  	_ =	strace $0x8FFFFFFF  }
0x98: {  	s19 =	sld [smem:$0x3FDB];
	_ =	sdelay $0x1  }
0x99: {  	s4 =	simm.s32 $_scs_section_size  }
0x9a: {  	s5 =	simm.s32 $_size__tile_overlayer_lowered;
	s6 =	simm.s32 $_tile_overlayer_lowered  }
0x9b: {  	s22 =	simm.s32 $0x1BFF;
	s21 =	sshll.u32 s6, $0x1;
	s3 =	sadd.s32 s4, s19  }
0x9c: {  	s7 =	simm.s32 $0x0;
	s20 =	sshll.u32 s5, $0x1;
	s5 =	sadd.s32 s21, s3  }
0x9d: {  	[timem:s7], [sflag:s22] =	dma.local [hbm:s5], s20  }
0x9e: {  	_ =	swait.ge [sflag:s22], s20  }
0x9f: {  	s4 =	ssub.s32 $0x0, s20;
	[sflag:s22] =	ssyncset.done $0x0  }
0xa0: {  	[sflag:s22] =	ssyncadd.s32 s4;
	_ =	sdelay $0x1  }
0xa1: {  	s23 =	simm.s32 $0x1B8B  }
0xa2: {  	_ =	swait.ge [sflag:s23], $0x1  }
0xa3: {  	[sflag:s23] =	ssyncset.done $0x0  }
0xa4: {  	s25 =	simm.s32 $0x1B8E;
	s24 =	sld [smem:$0x3FFE];
	[sflag:s23] =	ssyncadd.s32 $0xFFFFFFFF  }
0xa5: {  	s26 =	simm.s32 $execute0_lowered;
	[smem:$0x3FD2] =	sst s25  }
0xa6: {  	s5 =	sshll.u32 s26, $0x1;
	_ =	strace $0x80000049;
	[dreg:$0x1] =	wrdreg $0xFFFFFFFF  }
0xa7: {  	s28 =	simm.s32 $_size_execute0_lowered;
	s3 =	sadd.s32 s3, s5;
	[dreg:$0x0] =	wrdreg $0x0  }
0xa8: {  	s5 =	sshll.u32 s28, $0x1;
	[dreg:$0x2] =	wrdreg s3  }
0xa9: {  	[dreg:$0x3] =	wrdreg s5  }
0xaa: {  	[dreg:$0x4] =	wrdreg $0xC0  }
0xab: {  	_ =	task [dreg:s7], $0x5FFFF  }
0xac: {  	[dreg:$0x1] =	wrdreg $0xFFFFFFFF  }
0xad: {  	[dreg:$0x0] =	wrdreg $0x60  }
0xae: {  	[dreg:$0x2] =	wrdreg s2  }
0xaf: {  	[dreg:$0x3] =	wrdreg s24  }
0xb0: {  	[dreg:$0x4] =	wrdreg $0xA9000  }
0xb1: {  	[dreg:$0x5] =	wrdreg $0x9  }
0xb2: {  	_ =	task.clear_ibuf [dreg:s7], $0x6FFFF;
	_ =	strace $0x90000049  }
0xb3: {  	s29 =	simm.s32 $0x9;
	_ =	strace $0x8000004B  }
0xb4: {  	_ =	swait.ge [sflag:s29], $0x1  }
0xb5: {  	[sflag:s29] =	ssyncadd.s32 $0xFFFFFFFF  }
0xb6: {  	_ =	strace $0x9000004B  }
0xb7: {  	_ =	sfence  }
0xb8: {  	s30 =	sld [smem:$0x0];
	_ =	sdelay $0x2  }
0xb9: {  	s31 =	sshll.u32 s1, $0xD;
	s1 =	sshrl.u32 s1, $0x2  }
0xba: {  	s3 =	sand.u32 $0x4000, s31;
	s1 =	sadd.s32 s1, s30  }
0xbb: {  	s0 =	sor.u32 s3, s0;
	s1 =	sshll.u32 s1, $0x11  }
0xbc: {  	s0 =	sor.u32 s1, s0  }
0xbd: {  	s0 =	sadd.s32 $0x8F2B, s0  }
0xbe: {  	[sflag:s0] =	ssyncadd.remote.s32 $0x1  }
0xbf: {  	_ =	sfence.sel $0xFFFF  }
0xc0: {  	[dreg:$0x0] =	wrdreg $0xFFFFFFFF;
	(pc) =	sbr.abs _section_cstart, $3  }
0xc1: {  	[dreg:$0x1] =	wrdreg $0xFFFFFFFF  }
0xc2: {  	_ =	task.clear_ibuf [dreg:s7], $0x2FFFF;
	_ =	strace $0x9FFFFFFF  }
0xc3: {  	(tm) =	ssettm $0x7FFFFFFF  }
tec
execute0_lowered:
.L_overlay_start_1:
0x0: {  	(tag) =	ssettag $0x1  }
0x1: {  	s2 =	rddreg [dreg:$0x0]  }
0x2: {  	s0 =	rddreg [dreg:$0x1]  }
0x3: {  	s3 =	rddreg [dreg:$0x2];
	s11 =	stileid.u32;
	s4 =	simm.s32 $0x0  }
0x4: {  	s5 =	srdreg.scid;
	s17 =	simm.s32 $0x2900;
	s18 =	simm.s32 $0x7  }
0x5: {  	s20 =	simm.s32 $0x80;
	s21 =	simm.s32 $0x6900;
	s22 =	simm.s32 $0x1  }
0x6: {  	s23 =	simm.s32 $0x5;
	s24 =	simm.s32 $0x3;
	s1 =	smul.u32 $0x500, s11  }
0x7: {  	s28 =	simm.s32 $0x4;
	s31 =	simm.s32 $0x0;
	s7 =	smul.u32 $0x2780, s11  }
0x8: {  	[smem:$0x7FF] =	sst s4;
	s6 =	sand.u32 $0x1, s5;
	s10 =	smul.u32 $0x4F000, s11  }
0x9: {  	s5 =	sadd.s32 $0xCA00, s0;
	_ =	strace $0x8000004A;
	s8 =	smul.u32 $0x27800, s6  }
0xa: {  	s9 =	sshll.u32 s6, $0x4;
	s25 =	ssub.s32 $0x2, s6;
	s1 =	sadd.s32 s1, s0  }
0xb: {  	s26 =	sor.u32 s11, s9;
	s29 =	sshrl.u32 s25, $0x1;
	s10 =	sshrl.u32 s10, $0x2  }
0xc: {  	s7 =	sadd.s32 s7, s8;
	s6 =	smul.u32 $0x2800, s26;
	s16 =	ssub.s32 s25, s29  }
0xd: {  	s13 =	sadd.s32 $0x2A00, s1;
	s25 =	simm.s32 $0x2;
	s26 =	simm.s32 $0x6  }
0xe: {  	s0 =	sadd.s32 s7, s0;
	s7 =	sadd.s32 s10, s3;
	s16 =	smax.u32 s16, $0x1  }
0xf: {  	s30 =	sadd.s32 $0x4000, s7;
	s9 =	sadd.s32 $0x8000, s7;
	s12 =	sshrl.u32 s6, $0x3  }
0x10: {  	s10 =	sadd.s32 $0xC000, s7;
	s11 =	sadd.s32 $0x10000, s7;
	s12 =	sadd.s32 s5, s12  }
0x11: {  	v0 =	vimm.f32 $0.0e+00;
	s15 =	sadd.s32 $0x16A00, s0;
	[dreg:$0x4] =	wrdreg s30;
	s14 =	sadd.s32 $0x10, s12  }
.LBB2_1:
0x12: {  	s0 =	simm.s32 $0x0;
	s19 =	simm.s32 $0x200  }
.LBB2_2:
0x13: {  	p0 =	sne.s32 s19, $0xFE00;
	[tilespmem:s0+$0x2970] =	vst v0  }
0x14: {  	[tilespmem:s0+$0x2900] =	vst v0  }
0x15: {  	[tilespmem:s0+$0x2910] =	vst v0  }
.Ltmp0:
0x16: {  	[tilespmem:s0+$0x2920] =	vst v0;
	(pc) =	sbr.rel @p0 .LBB2_2-.Ltmp0, $4  }
0x17: {  	[tilespmem:s0+$0x2930] =	vst v0  }
0x18: {  	[tilespmem:s0+$0x2940] =	vst v0  }
0x19: {  	[tilespmem:s0+$0x2950] =	vst v0  }
0x1a: {  	[tilespmem:s0+$0x2960] =	vst v0;
	s0 =	sshra.s32 s19, $0x2;
	s19 =	sadd.s32 $0x200, s19  }
0x1b: {  	[tilespmem:s0+$0x2970] =	vst v0  }
0x1c: {  	[tilespmem:s0+$0x2900] =	vst v0  }
0x1d: {  	[tilespmem:s0+$0x2910] =	vst v0  }
0x1e: {  	[tilespmem:s0+$0x2920] =	vst v0  }
0x1f: {  	[tilespmem:s0+$0x2930] =	vst v0  }
0x20: {  	[tilespmem:s0+$0x2940] =	vst v0  }
0x21: {  	[tilespmem:s0+$0x2950] =	vst v0  }
0x22: {  	[tilespmem:s0+$0x2960] =	vst v0  }
0x23: {  	[spmem:s7] =	stream.linear.scatter [tilespmem:s17], [sflag:$0x7], $0x4000, $0x38;
	[tilespmem:$0x1E500] =	vst v63  }
0x24: {  	_ =	swait.ge [sflag:s18], $0x4000  }
0x25: {  	[sflag:s18] =	ssyncset.done $0x0  }
0x26: {  	s1 =	rddreg [dreg:$0x4];
	[sflag:s18] =	ssyncadd.s32 $0xFFFFC000  }
0x27: {  	[spmem:s1] =	stream.linear.scatter [tilespmem:s17], [sflag:$0x7], $0x4000, $0x38;
	[tilespmem:$0x1E500] =	vst v63  }
0x28: {  	_ =	swait.ge [sflag:s18], $0x4000  }
0x29: {  	[sflag:s18] =	ssyncset.done $0x0  }
0x2a: {  	[sflag:s18] =	ssyncadd.s32 $0xFFFFC000  }
0x2b: {  	[spmem:s9] =	stream.linear.scatter [tilespmem:s17], [sflag:$0x7], $0x4000, $0x38;
	[tilespmem:$0x1E500] =	vst v63  }
0x2c: {  	_ =	swait.ge [sflag:s18], $0x4000  }
0x2d: {  	[sflag:s18] =	ssyncset.done $0x0  }
0x2e: {  	[sflag:s18] =	ssyncadd.s32 $0xFFFFC000  }
0x2f: {  	[spmem:s10] =	stream.linear.scatter [tilespmem:s17], [sflag:$0x7], $0x4000, $0x38;
	[tilespmem:$0x1E500] =	vst v63  }
0x30: {  	_ =	swait.ge [sflag:s18], $0x4000  }
0x31: {  	[sflag:s18] =	ssyncset.done $0x0  }
0x32: {  	[sflag:s18] =	ssyncadd.s32 $0xFFFFC000  }
0x33: {  	[spmem:s11] =	stream.linear.scatter [tilespmem:s17], [sflag:$0x7], $0x3C00, $0x38;
	[tilespmem:$0x1E500] =	vst v63  }
0x34: {  	_ =	swait.ge [sflag:s18], $0x3C00  }
0x35: {  	[sflag:s18] =	ssyncset.done $0x0  }
0x36: {  	s8 =	simm.s32 $0x100;
	[sflag:s18] =	ssyncadd.s32 $0xFFFFC400  }
0x37: {  	[tilespmem:s8], [sflag:$0x7] =	stream.linear.gather [hbm4b:s13+s4], $0x2800, $0x38;
	[tilespmem:$0x1E500] =	vst v63  }
0x38: {  	_ =	swait.ge [sflag:s18], $0x2800  }
0x39: {  	[sflag:s18] =	ssyncset.done $0x0  }
0x3a: {  	[sflag:s18] =	ssyncadd.s32 $0xFFFFD800  }
0x3b: {  	[bflag:$0x0] =	sbarrier.arrive $0xFFFF  }
0x3c: {  	[tilespmem:s4], [sflag:$0x1] =	stream.linear.gather [hbm4b:s12+s4], $0x80, $0x38;
	[tilespmem:$0x1E500] =	vst v63  }
0x3d: {  	_ = 	snop  }
0x3e: {  	[tilespmem:s20], [sflag:$0x2] =	stream.linear.gather [hbm4b:s14+s4], $0x80, $0x38;
	[tilespmem:$0x1E500] =	vst v63  }
0x3f: {  	_ = 	snop  }
0x40: {  	[tilespmem:s17], [sflag:$0x5] =	stream.linear.gather [hbm4b:s2+s4], $0x4000, $0x38;
	[tilespmem:$0x1E500] =	vst v63  }
0x41: {  	_ = 	snop  }
0x42: {  	[tilespmem:s21], [sflag:$0x6] =	stream.linear.gather [hbm4b:s2+s4], $0x4000, $0x38;
	[tilespmem:$0x1E500] =	vst v63  }
0x43: {  	_ =	swait.ge [sflag:s22], $0x80  }
0x44: {  	[sflag:s22] =	ssyncset.done $0x0  }
0x45: {  	[sflag:s22] =	ssyncadd.s32 $0xFFFFFF80  }
0x46: {  	_ =	swait.ge [sflag:s23], $0x4000  }
0x47: {  	s19 =	simm.s32 $0x100;
	[sflag:s23] =	ssyncset.done $0x0  }
0x48: {  	s1 =	sand.u32 $0x7C00, s19;
	[sflag:s23] =	ssyncadd.s32 $0xFFFFC000  }
0x49: {  	[tilespmem:s17], [sflag:$0x3] =	stream.indirect.gather [hbm4b:s2+s20], $0x80, s4, s20, $0xb8;
	[tilespmem:$0x1E500] =	vst v63  }
0x4a: {  	s0 =	sand.u32 $0x300, s19;
	s1 =	sadd.s32 s6, s1;
	_ =	swait.ge [sflag:s24], $0x4000  }
0x4b: {  	s0 =	sor.u32 s0, s1;
	[sflag:s24] =	ssyncset.done $0x0  }
0x4c: {  	s19 =	simm.s32 $0x100;
	s0 =	sshrl.u32 s0, $0x3;
	[sflag:s24] =	ssyncadd.s32 $0xFFFFC000  }
0x4d: {  	[spmem:s3] =	stream.indirect.scatter.add.f32 [tilespmem:s17], [sflag:$0x5], $0x80, s19, s20, $0xb8;
	[tilespmem:$0x1E500] =	vst v63  }
0x4e: {  	s0 =	sadd.s32 s5, s0  }
0x4f: {  	[tilespmem:s4], [sflag:$0x1] =	stream.linear.gather [hbm4b:s0+s4], $0x80, $0x38;
	[tilespmem:$0x1E500] =	vst v63  }
0x50: {  	_ =	swait.ge [sflag:s25], $0x80  }
0x51: {  	[sflag:s25] =	ssyncset.done $0x0  }
0x52: {  	[sflag:s25] =	ssyncadd.s32 $0xFFFFFF80  }
0x53: {  	_ =	swait.ge [sflag:s26], $0x4000  }
0x54: {  	s0 =	simm.s32 $0x180;
	[sflag:s26] =	ssyncset.done $0x0  }
0x55: {  	s29 =	sand.u32 $0x7C00, s0;
	[sflag:s26] =	ssyncadd.s32 $0xFFFFC000  }
0x56: {  	[tilespmem:s21], [sflag:$0x4] =	stream.indirect.gather [hbm4b:s2+s20], $0x80, s20, s20, $0xb8;
	[tilespmem:$0x1E500] =	vst v63  }
0x57: {  	s30 =	sand.u32 $0x380, s0;
	s1 =	sadd.s32 s6, s29;
	_ =	swait.ge [sflag:s28], $0x4000  }
0x58: {  	s1 =	sor.u32 s30, s1;
	[sflag:s28] =	ssyncset.done $0x0  }
0x59: {  	s19 =	simm.s32 $0x280;
	s1 =	sshrl.u32 s1, $0x3;
	[sflag:s28] =	ssyncadd.s32 $0xFFFFC000  }
0x5a: {  	[spmem:s3] =	stream.indirect.scatter.add.f32 [tilespmem:s21], [sflag:$0x6], $0x80, s0, s20, $0xb8;
	[tilespmem:$0x1E500] =	vst v63  }
.LBB2_4:
0x5b: {  	p0 =	sne.s32 s19, $0x2780;
	s1 =	sadd.s32 s5, s1;
	s0 =	sadd.s32 $0x100, s0  }
0x5c: {  	[tilespmem:s20], [sflag:$0x2] =	stream.linear.gather [hbm4b:s1+s4], $0x80, $0x38;
	[tilespmem:$0x1E500] =	vst v63  }
0x5d: {  	s1 =	smov.u32 s19;
	s19 =	sadd.s32 $0x100, s19;
	_ =	swait.ge [sflag:s22], $0x80  }
0x5e: {  	[sflag:s22] =	ssyncset.done $0x0  }
0x5f: {  	[sflag:s22] =	ssyncadd.s32 $0xFFFFFF80  }
0x60: {  	_ =	swait.ge [sflag:s23], $0x4000  }
0x61: {  	[sflag:s23] =	ssyncset.done $0x0  }
0x62: {  	s29 =	sadd.s32 $0xFFFFFF80, s1;
	[sflag:s23] =	ssyncadd.s32 $0xFFFFC000  }
0x63: {  	[tilespmem:s17], [sflag:$0x3] =	stream.indirect.gather [hbm4b:s2+s20], $0x80, s4, s20, $0xb8;
	[tilespmem:$0x1E500] =	vst v63  }
0x64: {  	s30 =	sand.u32 $0x7C00, s29;
	_ =	swait.ge [sflag:s24], $0x4000  }
0x65: {  	s29 =	sand.u32 $0x300, s29;
	s30 =	sadd.s32 s6, s30;
	[sflag:s24] =	ssyncset.done $0x0  }
0x66: {  	s8 =	sadd.s32 $0xFFFFFF80, s0;
	s29 =	sor.u32 s29, s30;
	[sflag:s24] =	ssyncadd.s32 $0xFFFFC000  }
0x67: {  	[spmem:s3] =	stream.indirect.scatter.add.f32 [tilespmem:s17], [sflag:$0x5], $0x80, s8, s20, $0xb8;
	[tilespmem:$0x1E500] =	vst v63  }
0x68: {  	s8 =	sshrl.u32 s29, $0x3  }
0x69: {  	s8 =	sadd.s32 s5, s8  }
0x6a: {  	[tilespmem:s4], [sflag:$0x1] =	stream.linear.gather [hbm4b:s8+s4], $0x80, $0x38;
	[tilespmem:$0x1E500] =	vst v63  }
0x6b: {  	_ =	swait.ge [sflag:s25], $0x80  }
0x6c: {  	[sflag:s25] =	ssyncset.done $0x0  }
0x6d: {  	[sflag:s25] =	ssyncadd.s32 $0xFFFFFF80  }
0x6e: {  	_ =	swait.ge [sflag:s26], $0x4000  }
0x6f: {  	[sflag:s26] =	ssyncset.done $0x0  }
0x70: {  	s8 =	sand.u32 $0x7C00, s1;
	[sflag:s26] =	ssyncadd.s32 $0xFFFFC000  }
0x71: {  	[tilespmem:s21], [sflag:$0x4] =	stream.indirect.gather [hbm4b:s2+s20], $0x80, s20, s20, $0xb8;
	[tilespmem:$0x1E500] =	vst v63  }
.Ltmp1:
0x72: {  	_ = 	snop;
	(pc) =	sbr.rel @p0 .LBB2_4-.Ltmp1, $4  }
0x73: {  	s1 =	sand.u32 $0x380, s1;
	s8 =	sadd.s32 s6, s8;
	_ =	swait.ge [sflag:s28], $0x4000  }
0x74: {  	s1 =	sor.u32 s1, s8;
	[sflag:s28] =	ssyncset.done $0x0  }
0x75: {  	s1 =	sshrl.u32 s1, $0x3;
	[sflag:s28] =	ssyncadd.s32 $0xFFFFC000  }
0x76: {  	[spmem:s3] =	stream.indirect.scatter.add.f32 [tilespmem:s21], [sflag:$0x6], $0x80, s0, s20, $0xb8;
	[tilespmem:$0x1E500] =	vst v63  }
0x77: {  	s0 =	sadd.s32 s5, s1  }
0x78: {  	[tilespmem:s20], [sflag:$0x2] =	stream.linear.gather [hbm4b:s0+s4], $0x80, $0x38;
	[tilespmem:$0x1E500] =	vst v63  }
0x79: {  	_ =	swait.ge [sflag:s22], $0x80  }
0x7a: {  	[sflag:s22] =	ssyncset.done $0x0  }
0x7b: {  	[sflag:s22] =	ssyncadd.s32 $0xFFFFFF80  }
0x7c: {  	_ =	swait.ge [sflag:s23], $0x4000  }
0x7d: {  	[sflag:s23] =	ssyncset.done $0x0  }
0x7e: {  	[sflag:s23] =	ssyncadd.s32 $0xFFFFC000  }
0x7f: {  	[tilespmem:s17], [sflag:$0x3] =	stream.indirect.gather [hbm4b:s2+s20], $0x80, s4, s20, $0xb8;
	[tilespmem:$0x1E500] =	vst v63  }
0x80: {  	_ =	swait.ge [sflag:s24], $0x4000  }
0x81: {  	[sflag:s24] =	ssyncset.done $0x0  }
0x82: {  	s8 =	simm.s32 $0x2800;
	[sflag:s24] =	ssyncadd.s32 $0xFFFFC000  }
0x83: {  	[spmem:s3] =	stream.indirect.scatter.add.f32 [tilespmem:s17], [sflag:$0x5], $0x80, s8, s20, $0xb8;
	[tilespmem:$0x1E500] =	vst v63  }
0x84: {  	_ = 	snop  }
0x85: {  	[tilespmem:s4], [sflag:$0x1] =	stream.linear.gather [hbm4b:s12+s4], $0x80, $0x38;
	[tilespmem:$0x1E500] =	vst v63  }
0x86: {  	_ =	swait.ge [sflag:s25], $0x80  }
0x87: {  	[sflag:s25] =	ssyncset.done $0x0  }
0x88: {  	[sflag:s25] =	ssyncadd.s32 $0xFFFFFF80  }
0x89: {  	_ =	swait.ge [sflag:s26], $0x4000  }
0x8a: {  	[sflag:s26] =	ssyncset.done $0x0  }
0x8b: {  	[sflag:s26] =	ssyncadd.s32 $0xFFFFC000  }
0x8c: {  	[tilespmem:s21], [sflag:$0x4] =	stream.indirect.gather [hbm4b:s2+s20], $0x80, s20, s20, $0xb8;
	[tilespmem:$0x1E500] =	vst v63  }
0x8d: {  	_ =	swait.ge [sflag:s28], $0x4000  }
0x8e: {  	[sflag:s28] =	ssyncset.done $0x0  }
0x8f: {  	s19 =	simm.s32 $0x2880;
	[sflag:s28] =	ssyncadd.s32 $0xFFFFC000  }
0x90: {  	[spmem:s3] =	stream.indirect.scatter.add.f32 [tilespmem:s21], [sflag:$0x6], $0x80, s19, s20, $0xb8;
	[tilespmem:$0x1E500] =	vst v63  }
0x91: {  	_ = 	snop  }
0x92: {  	[tilespmem:s20], [sflag:$0x2] =	stream.linear.gather [hbm4b:s12+s4], $0x80, $0x38;
	[tilespmem:$0x1E500] =	vst v63  }
0x93: {  	_ =	swait.ge [sflag:s23], $0x4000  }
0x94: {  	[sflag:s23] =	ssyncset.done $0x0  }
0x95: {  	[sflag:s23] =	ssyncadd.s32 $0xFFFFC000  }
0x96: {  	_ =	swait.ge [sflag:s22], $0x80  }
0x97: {  	[sflag:s22] =	ssyncset.done $0x0  }
0x98: {  	[sflag:s22] =	ssyncadd.s32 $0xFFFFFF80  }
0x99: {  	_ =	swait.ge [sflag:s26], $0x4000  }
0x9a: {  	[sflag:s26] =	ssyncset.done $0x0  }
0x9b: {  	[sflag:s26] =	ssyncadd.s32 $0xFFFFC000  }
0x9c: {  	s29 =	stileid.u32;
	_ =	swait.ge [sflag:s25], $0x80  }
0x9d: {  	s30 =	sshrl.u32 s7, $0x3;
	s31 =	sadd.s32 $0x1, s31;
	[sflag:s25] =	ssyncset.done $0x0  }
0x9e: {  	s0 =	sshll.u32 s29, $0x6;
	p0 =	sne.s32 s31, s16;
	[sflag:s25] =	ssyncadd.s32 $0xFFFFFF80  }
.Ltmp2:
0x9f: {  	s0 =	sor.u32 $0x1C07, s0;
	[bflag:$0x0] =	sbarrier.arrive $0xFFFF;
	(pc) =	sbr.rel @p0 .LBB2_1-.Ltmp2, $4  }
0xa0: {  	[hbm:s15], [sflag:s0] =	dma.local [spmem:s30], $0x2780  }
0xa1: {  	_ =	swait.ge [sflag:s18], $0x2780  }
0xa2: {  	[sflag:s18] =	ssyncset.done $0x0  }
0xa3: {  	[sflag:s18] =	ssyncadd.s32 $0xFFFFD880  }
0xa4: {  	_ =	sfence.sel $0x180000  }
0xa5: {  	[bflag:$0x0] =	sbarrier.arrive $0xFFFF  }
0xa6: {  	_ =	strace $0x9000004A  }
0xa7: {  	s0 =	stileid.u32;
	[bflag:$0x2] =	sbarrier.arrive $0xFFFF  }
0xa8: {  	p0 =	sne.s32 s0, $0x0;
	s0 =	rddreg [dreg:$0x3]  }
0xa9: {  	s0 =	sadd.s32 @!p0 $0x100000, s0  }
0xaa: {  	[sflag:s0] =	ssyncadd.tile.s32 @!p0 $0x1;
	_ =	shalt  }
.Lfunc_end2:
_tile_overlayer_lowered:
.L_overlay_start_2:
0xab: {  	(tag) =	ssettag $0x2  }
0xac: {  	s0 =	rddreg [dreg:$0x0];
	s2 =	stileid.u32  }
0xad: {  	s1 =	rddreg [dreg:$0x1];
	p0 =	sne.s32 s2, $0x0  }
0xae: {  	s3 =	rddreg [dreg:$0x2];
	[bflag:$0x3] =	sbarrier.arrive $0xFFFF;
	s2 =	simm.s32 @!p0 $0x1C07  }
0xaf: {  	[timem:s3], [sflag:s2] =	dma.local @!p0 [hbm:s0], s1  }
0xb0: {  	s0 =	simm.s32 @!p0 $0x7  }
0xb1: {  	_ =	swait.ge @!p0 [sflag:s0], s1  }
0xb2: {  	s1 =	ssub.s32 @!p0 $0x0, s1;
	[sflag:s0] =	ssyncset.done @!p0 $0x0  }
0xb3: {  	[sflag:s0] =	ssyncadd.s32 @!p0 s1  }
0xb4: {  	[bflag:$0x3] =	sbarrier.arrive $0xFFFF  }
0xb5: {  	_ =	shalt  }

// kernel: kernel.16.cloned.1.call-start
scs
__scs_entry_jumppad:
0x0: {  	(pc) =	sbr.rel $0x88, $3  }
0x1: {  	(tag) =	ssettag $0x0;
	lr =	simm.s32 $0x1  }
0x2: {  	[smem:$0x3F99] =	sst lr;
	_ =	strace $0xD0000000  }
0x3: {  	_ = 	snop  }
0x4: {  	_ = 	snop  }
0x5: {  	_ = 	snop  }
0x6: {  	_ = 	snop  }
0x7: {  	_ = 	snop  }
__scs_overlays_trampoline_lowered:
0x8: {  	[smem:$0x3FA8] =	sst s0  }
0x9: {  	[smem:$0x3FA9] =	sst s1  }
0xa: {  	[smem:$0x3FAA] =	sst s2  }
0xb: {  	[smem:$0x3FAB] =	sst s3  }
0xc: {  	[smem:$0x3FAC] =	sst s4  }
0xd: {  	[smem:$0x3FAD] =	sst s5  }
0xe: {  	[smem:$0x3FAE] =	sst s6  }
0xf: {  	[smem:$0x3FAF] =	sst s7  }
0x10: {  	[smem:$0x3FB0] =	sst s8  }
0x11: {  	[smem:$0x3FB1] =	sst s9;
	s0 =	simm.s32 @!p0 $0x0  }
0x12: {  	s1 =	sld [smem:$0x3F97];
	s0 =	simm.s32 @p0 $0x1  }
0x13: {  	[smem:$0x3FB2] =	sst s0;
	s0 =	simm.s32 @!p1 $0x0  }
0x14: {  	s2 =	sld [smem:$0x3F96];
	s0 =	simm.s32 @p1 $0x1  }
0x15: {  	[smem:$0x3FB3] =	sst s0;
	s0 =	simm.s32 @!p2 $0x0  }
0x16: {  	s3 =	sld [smem:$0x3FDB];
	s0 =	simm.s32 @p2 $0x1  }
0x17: {  	s4 =	simm.s32 $0x1BF5;
	[smem:$0x3FB5] =	sst s0  }
0x18: {  	s0 =	sld [smem:$0x3F98];
	_ =	swait.ge [sflag:s4], $0x0  }
0x19: {  	s7 =	sld [smem:$0x3F99]  }
0x1a: {  	s8 =	sadd.s32 $0xFFFFE003, lr  }
0x1b: {  	s9 =	sadd.s32 $0xFFFFFEF7, lr;
	s5 =	simm.s32 $0xFFFFFFFF;
	p2 =	slt.u32 s8, $0xFFFFF086  }
0x1c: {  	p1 =	slt.u32 s9, $0xF7A;
	s5 =	simm.s32 @!p2 $0x0  }
0x1d: {  	s5 =	simm.s32 @p1 $0x1;
	p0 =	seq.s32 s7, s2  }
0x1e: {  	s7 =	smul.u32 @!p0 $0xF7A, s2;
	p2 =	seq.s32 @!p0 s5, $0x0  }
0x1f: {  	s9 =	smul.u32 $0xF7A, s1;
	s8 =	simm.s32 @!p0 $0x1BF5;
	p2 =	por !p2, p0  }
0x20: {  	[sflag:s8] =	ssyncset.s32 @!p0 $0xFFFFF086;
	s6 =	sadd.s32 @!p0 s3, s7;
	s7 =	simm.s32 @!p0 $0x108  }
0x21: {  	s3 =	sadd.s32 s3, s9;
	s6 =	sadd.s32 @!p0 $0x88, s6;
	s7 =	simm.s32 @p2 $0x1082  }
0x22: {  	[simem:s7], [sflag:s8] =	dma.local @!p0 [hbm:s6], $0xF7A  }
0x23: {  	s9 =	sor.u32 $0xD0000000, s2;
	s6 =	simm.s32 $0x108;
	_ =	swait.ge @!p0 [sflag:s8], $0x0  }
0x24: {  	s3 =	sadd.s32 $0x88, s3;
	s6 =	simm.s32 @!p1 $0x1082;
	[sflag:s4] =	ssyncset.s32 $0xFFFFF086  }
0x25: {  	[simem:s6], [sflag:s4] =	dma.local [hbm:s3], $0xF7A  }
0x26: {  	[smem:$0x3F99] =	sst s1;
	(tag) =	ssettag s2;
	_ =	strace s9  }
0x27: {  	s1 =	sld [smem:$0x3FA9]  }
0x28: {  	s2 =	sld [smem:$0x3FAA]  }
0x29: {  	s4 =	sld [smem:$0x3FAC]  }
0x2a: {  	p0 =	seq.s32 s5, $0x0;
	s5 =	sld [smem:$0x3FAD]  }
0x2b: {  	s6 =	sld [smem:$0x3FAE]  }
0x2c: {  	s7 =	sld [smem:$0x3FAF]  }
0x2d: {  	s3 =	simm.s32 $0x108;
	s8 =	sld [smem:$0x3FB0]  }
0x2e: {  	s3 =	simm.s32 @!p0 $0x1082;
	s9 =	sld [smem:$0x3FB1]  }
0x2f: {  	lr =	sadd.s32 s0, s3;
	s0 =	sld [smem:$0x3FA8]  }
0x30: {  	s3 =	sld [smem:$0x3FAB]  }
0x31: {  	[smem:$0x3FB4] =	sst s10  }
0x32: {  	s10 =	sld [smem:$0x3FB2];
	_ =	sdelay $0x3  }
0x33: {  	p0 =	seq.s32 s10, $0x1;
	s10 =	sld [smem:$0x3FB4];
	_ =	sdelay $0x3  }
0x34: {  	[smem:$0x3FB4] =	sst s10  }
0x35: {  	s10 =	sld [smem:$0x3FB3];
	_ =	sdelay $0x3  }
0x36: {  	p1 =	seq.s32 s10, $0x1;
	s10 =	sld [smem:$0x3FB4];
	_ =	sdelay $0x3  }
0x37: {  	[smem:$0x3FB4] =	sst s10  }
0x38: {  	s10 =	sld [smem:$0x3FB5]  }
0x39: {  	_ = 	snop;
	(pc) =	sbr.ind lr, $3  }
0x3a: {  	_ = 	snop  }
0x3b: {  	_ = 	snop  }
0x3c: {  	p2 =	seq.s32 s10, $0x1;
	s10 =	sld [smem:$0x3FB4]  }
0x3d: {  	_ =	shalt  }
0x3e: {  	_ =	shalt  }
0x3f: {  	_ =	shalt  }
0x40: {  	_ =	shalt  }
0x41: {  	_ =	shalt  }
0x42: {  	_ =	shalt  }
0x43: {  	_ =	shalt  }
0x44: {  	_ =	shalt  }
0x45: {  	_ =	shalt  }
0x46: {  	_ =	shalt  }
0x47: {  	_ =	shalt  }
0x48: {  	_ =	shalt  }
0x49: {  	_ =	shalt  }
0x4a: {  	_ =	shalt  }
0x4b: {  	_ =	shalt  }
0x4c: {  	_ =	shalt  }
0x4d: {  	_ =	shalt  }
0x4e: {  	_ =	shalt  }
0x4f: {  	_ =	shalt  }
0x50: {  	_ =	shalt  }
0x51: {  	_ =	shalt  }
0x52: {  	_ =	shalt  }
0x53: {  	_ =	shalt  }
0x54: {  	_ =	shalt  }
0x55: {  	_ =	shalt  }
0x56: {  	_ =	shalt  }
0x57: {  	_ =	shalt  }
0x58: {  	_ =	shalt  }
0x59: {  	_ =	shalt  }
0x5a: {  	_ =	shalt  }
0x5b: {  	_ =	shalt  }
0x5c: {  	_ =	shalt  }
0x5d: {  	_ =	shalt  }
0x5e: {  	_ =	shalt  }
0x5f: {  	_ =	shalt  }
0x60: {  	_ =	shalt  }
0x61: {  	_ =	shalt  }
0x62: {  	_ =	shalt  }
0x63: {  	_ =	shalt  }
0x64: {  	_ =	shalt  }
0x65: {  	_ =	shalt  }
0x66: {  	_ =	shalt  }
0x67: {  	_ =	shalt  }
0x68: {  	_ =	shalt  }
0x69: {  	_ =	shalt  }
0x6a: {  	_ =	shalt  }
0x6b: {  	_ =	shalt  }
0x6c: {  	_ =	shalt  }
0x6d: {  	_ =	shalt  }
0x6e: {  	_ =	shalt  }
0x6f: {  	_ =	shalt  }
0x70: {  	_ =	shalt  }
0x71: {  	_ =	shalt  }
0x72: {  	_ =	shalt  }
0x73: {  	_ =	shalt  }
0x74: {  	_ =	shalt  }
0x75: {  	_ =	shalt  }
0x76: {  	_ =	shalt  }
0x77: {  	_ =	shalt  }
0x78: {  	_ =	shalt  }
0x79: {  	_ =	shalt  }
0x7a: {  	_ =	shalt  }
0x7b: {  	_ =	shalt  }
0x7c: {  	_ =	shalt  }
0x7d: {  	_ =	shalt  }
0x7e: {  	_ =	shalt  }
0x7f: {  	_ =	shalt  }
0x80: {  	_ =	shalt  }
0x81: {  	_ =	shalt  }
0x82: {  	_ =	shalt  }
0x83: {  	_ =	shalt  }
0x84: {  	_ =	shalt  }
0x85: {  	_ =	shalt  }
0x86: {  	_ =	shalt  }
0x87: {  	_ =	shalt  }
.Lfunc_end0:
.L_simem_size_0:
called_computation.2_lowered:
.L_overlay_start_0:
0x88: {  	s2 =	sld [smem:$0x3FD9]  }
0x89: {  	s3 =	sld [smem:$0x3FFE];
	_ =	sdelay $0x1  }
0x8a: {  	s1 =	srdreg.scid  }
0x8b: {  	s0 =	sand.u32 $0x1, s1  }
0x8c: {  	s17 =	sshll.u32 s0, $0xA;
	s2 =	sadd.s32 s3, s2  }
0x8d: {  	s2 =	sadd.s32 s2, s17  }
0x8e: {  	[smem:$0x3FC0] =	sst s2  }
0x8f: {  	_ = 	snop  }
0x90: {  	s2 =	sld [smem:$0x3FD0];
	(tm) =	ssettm $0x1  }
0x91: {  	s18 =	sld [smem:$0x3FFB];
	_ =	sdelay $0x3  }
0x92: {  	_ =	strace s18  }
0x93: {  	s3 =	sld [smem:$0x3FFC];
	_ =	sdelay $0x3  }
0x94: {  	_ =	strace s3  }
0x95: {  	s3 =	sld [smem:$0x3FFD];
	_ =	sdelay $0x3  }
0x96: {  	_ =	strace s3  }
0x97: {  	_ =	strace $0x8FFFFFFF  }
0x98: {  	s19 =	sld [smem:$0x3FDB];
	_ =	sdelay $0x1  }
0x99: {  	s4 =	simm.s32 $_scs_section_size  }
0x9a: {  	s5 =	simm.s32 $_size__tile_overlayer_lowered;
	s6 =	simm.s32 $_tile_overlayer_lowered  }
0x9b: {  	s22 =	simm.s32 $0x1BFF;
	s21 =	sshll.u32 s6, $0x1;
	s3 =	sadd.s32 s4, s19  }
0x9c: {  	s7 =	simm.s32 $0x0;
	s20 =	sshll.u32 s5, $0x1;
	s5 =	sadd.s32 s21, s3  }
0x9d: {  	[timem:s7], [sflag:s22] =	dma.local [hbm:s5], s20  }
0x9e: {  	_ =	swait.ge [sflag:s22], s20  }
0x9f: {  	s4 =	ssub.s32 $0x0, s20;
	[sflag:s22] =	ssyncset.done $0x0  }
0xa0: {  	[sflag:s22] =	ssyncadd.s32 s4;
	_ =	sdelay $0x1  }
0xa1: {  	s23 =	simm.s32 $0x1B8B  }
0xa2: {  	_ =	swait.ge [sflag:s23], $0x1  }
0xa3: {  	[sflag:s23] =	ssyncset.done $0x0  }
0xa4: {  	s25 =	simm.s32 $0x1B8E;
	s24 =	sld [smem:$0x3FFE];
	[sflag:s23] =	ssyncadd.s32 $0xFFFFFFFF  }
0xa5: {  	s26 =	simm.s32 $execute0_lowered;
	[smem:$0x3FD2] =	sst s25  }
0xa6: {  	s5 =	sshll.u32 s26, $0x1;
	_ =	strace $0x8000004C;
	[dreg:$0x1] =	wrdreg $0xFFFFFFFF  }
0xa7: {  	s28 =	simm.s32 $_size_execute0_lowered;
	s3 =	sadd.s32 s3, s5;
	[dreg:$0x0] =	wrdreg $0x0  }
0xa8: {  	s5 =	sshll.u32 s28, $0x1;
	[dreg:$0x2] =	wrdreg s3  }
0xa9: {  	[dreg:$0x3] =	wrdreg s5  }
0xaa: {  	[dreg:$0x4] =	wrdreg $0xC0  }
0xab: {  	_ =	task [dreg:s7], $0x5FFFF  }
0xac: {  	[dreg:$0x1] =	wrdreg $0xFFFFFFFF  }
0xad: {  	[dreg:$0x0] =	wrdreg $0x60  }
0xae: {  	[dreg:$0x2] =	wrdreg s2  }
0xaf: {  	[dreg:$0x3] =	wrdreg s24  }
0xb0: {  	[dreg:$0x4] =	wrdreg $0xA9000  }
0xb1: {  	[dreg:$0x5] =	wrdreg $0x9  }
0xb2: {  	_ =	task.clear_ibuf [dreg:s7], $0x6FFFF;
	_ =	strace $0x9000004C  }
0xb3: {  	s29 =	simm.s32 $0x9;
	_ =	strace $0x8000004E  }
0xb4: {  	_ =	swait.ge [sflag:s29], $0x1  }
0xb5: {  	[sflag:s29] =	ssyncadd.s32 $0xFFFFFFFF  }
0xb6: {  	_ =	strace $0x9000004E  }
0xb7: {  	_ =	sfence  }
0xb8: {  	s30 =	sld [smem:$0x0];
	_ =	sdelay $0x2  }
0xb9: {  	s31 =	sshll.u32 s1, $0xD;
	s1 =	sshrl.u32 s1, $0x2  }
0xba: {  	s3 =	sand.u32 $0x4000, s31;
	s1 =	sadd.s32 s1, s30  }
0xbb: {  	s0 =	sor.u32 s3, s0;
	s1 =	sshll.u32 s1, $0x11  }
0xbc: {  	s0 =	sor.u32 s1, s0  }
0xbd: {  	s0 =	sadd.s32 $0x8F2B, s0  }
0xbe: {  	[sflag:s0] =	ssyncadd.remote.s32 $0x1  }
0xbf: {  	_ =	sfence.sel $0xFFFF  }
0xc0: {  	[dreg:$0x0] =	wrdreg $0xFFFFFFFF;
	(pc) =	sbr.abs _section_cstart, $3  }
0xc1: {  	[dreg:$0x1] =	wrdreg $0xFFFFFFFF  }
0xc2: {  	_ =	task.clear_ibuf [dreg:s7], $0x2FFFF;
	_ =	strace $0x9FFFFFFF  }
0xc3: {  	(tm) =	ssettm $0x7FFFFFFF  }
tec
execute0_lowered:
.L_overlay_start_1:
0x0: {  	(tag) =	ssettag $0x1  }
0x1: {  	s2 =	rddreg [dreg:$0x0]  }
0x2: {  	s0 =	rddreg [dreg:$0x1]  }
0x3: {  	s3 =	rddreg [dreg:$0x2];
	s11 =	stileid.u32;
	s4 =	simm.s32 $0x0  }
0x4: {  	s5 =	srdreg.scid;
	s17 =	simm.s32 $0x2900;
	s18 =	simm.s32 $0x7  }
0x5: {  	s20 =	simm.s32 $0x80;
	s21 =	simm.s32 $0x6900;
	s22 =	simm.s32 $0x1  }
0x6: {  	s23 =	simm.s32 $0x5;
	s24 =	simm.s32 $0x3;
	s1 =	smul.u32 $0x500, s11  }
0x7: {  	s28 =	simm.s32 $0x4;
	s31 =	simm.s32 $0x0;
	s7 =	smul.u32 $0x2780, s11  }
0x8: {  	[smem:$0x7FF] =	sst s4;
	s6 =	sand.u32 $0x1, s5;
	s10 =	smul.u32 $0x4F000, s11  }
0x9: {  	s5 =	sadd.s32 $0xCA00, s0;
	_ =	strace $0x8000004D;
	s8 =	smul.u32 $0x27800, s6  }
0xa: {  	s9 =	sshll.u32 s6, $0x4;
	s25 =	ssub.s32 $0x2, s6;
	s1 =	sadd.s32 s1, s0  }
0xb: {  	s26 =	sor.u32 s11, s9;
	s29 =	sshrl.u32 s25, $0x1;
	s10 =	sshrl.u32 s10, $0x2  }
0xc: {  	s7 =	sadd.s32 s7, s8;
	s6 =	smul.u32 $0x2800, s26;
	s16 =	ssub.s32 s25, s29  }
0xd: {  	s13 =	sadd.s32 $0x2A00, s1;
	s25 =	simm.s32 $0x2;
	s26 =	simm.s32 $0x6  }
0xe: {  	s0 =	sadd.s32 s7, s0;
	s7 =	sadd.s32 s10, s3;
	s16 =	smax.u32 s16, $0x1  }
0xf: {  	s30 =	sadd.s32 $0x4000, s7;
	s9 =	sadd.s32 $0x8000, s7;
	s12 =	sshrl.u32 s6, $0x3  }
0x10: {  	s10 =	sadd.s32 $0xC000, s7;
	s11 =	sadd.s32 $0x10000, s7;
	s12 =	sadd.s32 s5, s12  }
0x11: {  	v0 =	vimm.f32 $0.0e+00;
	s15 =	sadd.s32 $0x16A00, s0;
	[dreg:$0x4] =	wrdreg s30;
	s14 =	sadd.s32 $0x10, s12  }
.LBB2_1:
0x12: {  	s0 =	simm.s32 $0x0;
	s19 =	simm.s32 $0x200  }
.LBB2_2:
0x13: {  	p0 =	sne.s32 s19, $0xFE00;
	[tilespmem:s0+$0x2970] =	vst v0  }
0x14: {  	[tilespmem:s0+$0x2900] =	vst v0  }
0x15: {  	[tilespmem:s0+$0x2910] =	vst v0  }
.Ltmp0:
0x16: {  	[tilespmem:s0+$0x2920] =	vst v0;
	(pc) =	sbr.rel @p0 .LBB2_2-.Ltmp0, $4  }
0x17: {  	[tilespmem:s0+$0x2930] =	vst v0  }
0x18: {  	[tilespmem:s0+$0x2940] =	vst v0  }
0x19: {  	[tilespmem:s0+$0x2950] =	vst v0  }
0x1a: {  	[tilespmem:s0+$0x2960] =	vst v0;
	s0 =	sshra.s32 s19, $0x2;
	s19 =	sadd.s32 $0x200, s19  }
0x1b: {  	[tilespmem:s0+$0x2970] =	vst v0  }
0x1c: {  	[tilespmem:s0+$0x2900] =	vst v0  }
0x1d: {  	[tilespmem:s0+$0x2910] =	vst v0  }
0x1e: {  	[tilespmem:s0+$0x2920] =	vst v0  }
0x1f: {  	[tilespmem:s0+$0x2930] =	vst v0  }
0x20: {  	[tilespmem:s0+$0x2940] =	vst v0  }
0x21: {  	[tilespmem:s0+$0x2950] =	vst v0  }
0x22: {  	[tilespmem:s0+$0x2960] =	vst v0  }
0x23: {  	[spmem:s7] =	stream.linear.scatter [tilespmem:s17], [sflag:$0x7], $0x4000, $0x38;
	[tilespmem:$0x1E500] =	vst v63  }
0x24: {  	_ =	swait.ge [sflag:s18], $0x4000  }
0x25: {  	[sflag:s18] =	ssyncset.done $0x0  }
0x26: {  	s1 =	rddreg [dreg:$0x4];
	[sflag:s18] =	ssyncadd.s32 $0xFFFFC000  }
0x27: {  	[spmem:s1] =	stream.linear.scatter [tilespmem:s17], [sflag:$0x7], $0x4000, $0x38;
	[tilespmem:$0x1E500] =	vst v63  }
0x28: {  	_ =	swait.ge [sflag:s18], $0x4000  }
0x29: {  	[sflag:s18] =	ssyncset.done $0x0  }
0x2a: {  	[sflag:s18] =	ssyncadd.s32 $0xFFFFC000  }
0x2b: {  	[spmem:s9] =	stream.linear.scatter [tilespmem:s17], [sflag:$0x7], $0x4000, $0x38;
	[tilespmem:$0x1E500] =	vst v63  }
0x2c: {  	_ =	swait.ge [sflag:s18], $0x4000  }
0x2d: {  	[sflag:s18] =	ssyncset.done $0x0  }
0x2e: {  	[sflag:s18] =	ssyncadd.s32 $0xFFFFC000  }
0x2f: {  	[spmem:s10] =	stream.linear.scatter [tilespmem:s17], [sflag:$0x7], $0x4000, $0x38;
	[tilespmem:$0x1E500] =	vst v63  }
0x30: {  	_ =	swait.ge [sflag:s18], $0x4000  }
0x31: {  	[sflag:s18] =	ssyncset.done $0x0  }
0x32: {  	[sflag:s18] =	ssyncadd.s32 $0xFFFFC000  }
0x33: {  	[spmem:s11] =	stream.linear.scatter [tilespmem:s17], [sflag:$0x7], $0x3C00, $0x38;
	[tilespmem:$0x1E500] =	vst v63  }
0x34: {  	_ =	swait.ge [sflag:s18], $0x3C00  }
0x35: {  	[sflag:s18] =	ssyncset.done $0x0  }
0x36: {  	s8 =	simm.s32 $0x100;
	[sflag:s18] =	ssyncadd.s32 $0xFFFFC400  }
0x37: {  	[tilespmem:s8], [sflag:$0x7] =	stream.linear.gather [hbm4b:s13+s4], $0x2800, $0x38;
	[tilespmem:$0x1E500] =	vst v63  }
0x38: {  	_ =	swait.ge [sflag:s18], $0x2800  }
0x39: {  	[sflag:s18] =	ssyncset.done $0x0  }
0x3a: {  	[sflag:s18] =	ssyncadd.s32 $0xFFFFD800  }
0x3b: {  	[bflag:$0x0] =	sbarrier.arrive $0xFFFF  }
0x3c: {  	[tilespmem:s4], [sflag:$0x1] =	stream.linear.gather [hbm4b:s12+s4], $0x80, $0x38;
	[tilespmem:$0x1E500] =	vst v63  }
0x3d: {  	_ = 	snop  }
0x3e: {  	[tilespmem:s20], [sflag:$0x2] =	stream.linear.gather [hbm4b:s14+s4], $0x80, $0x38;
	[tilespmem:$0x1E500] =	vst v63  }
0x3f: {  	_ = 	snop  }
0x40: {  	[tilespmem:s17], [sflag:$0x5] =	stream.linear.gather [hbm4b:s2+s4], $0x4000, $0x38;
	[tilespmem:$0x1E500] =	vst v63  }
0x41: {  	_ = 	snop  }
0x42: {  	[tilespmem:s21], [sflag:$0x6] =	stream.linear.gather [hbm4b:s2+s4], $0x4000, $0x38;
	[tilespmem:$0x1E500] =	vst v63  }
0x43: {  	_ =	swait.ge [sflag:s22], $0x80  }
0x44: {  	[sflag:s22] =	ssyncset.done $0x0  }
0x45: {  	[sflag:s22] =	ssyncadd.s32 $0xFFFFFF80  }
0x46: {  	_ =	swait.ge [sflag:s23], $0x4000  }
0x47: {  	s19 =	simm.s32 $0x100;
	[sflag:s23] =	ssyncset.done $0x0  }
0x48: {  	s1 =	sand.u32 $0x7C00, s19;
	[sflag:s23] =	ssyncadd.s32 $0xFFFFC000  }
0x49: {  	[tilespmem:s17], [sflag:$0x3] =	stream.indirect.gather [hbm4b:s2+s20], $0x80, s4, s20, $0xb8;
	[tilespmem:$0x1E500] =	vst v63  }
0x4a: {  	s0 =	sand.u32 $0x300, s19;
	s1 =	sadd.s32 s6, s1;
	_ =	swait.ge [sflag:s24], $0x4000  }
0x4b: {  	s0 =	sor.u32 s0, s1;
	[sflag:s24] =	ssyncset.done $0x0  }
0x4c: {  	s19 =	simm.s32 $0x100;
	s0 =	sshrl.u32 s0, $0x3;
	[sflag:s24] =	ssyncadd.s32 $0xFFFFC000  }
0x4d: {  	[spmem:s3] =	stream.indirect.scatter.add.f32 [tilespmem:s17], [sflag:$0x5], $0x80, s19, s20, $0xb8;
	[tilespmem:$0x1E500] =	vst v63  }
0x4e: {  	s0 =	sadd.s32 s5, s0  }
0x4f: {  	[tilespmem:s4], [sflag:$0x1] =	stream.linear.gather [hbm4b:s0+s4], $0x80, $0x38;
	[tilespmem:$0x1E500] =	vst v63  }
0x50: {  	_ =	swait.ge [sflag:s25], $0x80  }
0x51: {  	[sflag:s25] =	ssyncset.done $0x0  }
0x52: {  	[sflag:s25] =	ssyncadd.s32 $0xFFFFFF80  }
0x53: {  	_ =	swait.ge [sflag:s26], $0x4000  }
0x54: {  	s0 =	simm.s32 $0x180;
	[sflag:s26] =	ssyncset.done $0x0  }
0x55: {  	s29 =	sand.u32 $0x7C00, s0;
	[sflag:s26] =	ssyncadd.s32 $0xFFFFC000  }
0x56: {  	[tilespmem:s21], [sflag:$0x4] =	stream.indirect.gather [hbm4b:s2+s20], $0x80, s20, s20, $0xb8;
	[tilespmem:$0x1E500] =	vst v63  }
0x57: {  	s30 =	sand.u32 $0x380, s0;
	s1 =	sadd.s32 s6, s29;
	_ =	swait.ge [sflag:s28], $0x4000  }
0x58: {  	s1 =	sor.u32 s30, s1;
	[sflag:s28] =	ssyncset.done $0x0  }
0x59: {  	s19 =	simm.s32 $0x280;
	s1 =	sshrl.u32 s1, $0x3;
	[sflag:s28] =	ssyncadd.s32 $0xFFFFC000  }
0x5a: {  	[spmem:s3] =	stream.indirect.scatter.add.f32 [tilespmem:s21], [sflag:$0x6], $0x80, s0, s20, $0xb8;
	[tilespmem:$0x1E500] =	vst v63  }
.LBB2_4:
0x5b: {  	p0 =	sne.s32 s19, $0x2780;
	s1 =	sadd.s32 s5, s1;
	s0 =	sadd.s32 $0x100, s0  }
0x5c: {  	[tilespmem:s20], [sflag:$0x2] =	stream.linear.gather [hbm4b:s1+s4], $0x80, $0x38;
	[tilespmem:$0x1E500] =	vst v63  }
0x5d: {  	s1 =	smov.u32 s19;
	s19 =	sadd.s32 $0x100, s19;
	_ =	swait.ge [sflag:s22], $0x80  }
0x5e: {  	[sflag:s22] =	ssyncset.done $0x0  }
0x5f: {  	[sflag:s22] =	ssyncadd.s32 $0xFFFFFF80  }
0x60: {  	_ =	swait.ge [sflag:s23], $0x4000  }
0x61: {  	[sflag:s23] =	ssyncset.done $0x0  }
0x62: {  	s29 =	sadd.s32 $0xFFFFFF80, s1;
	[sflag:s23] =	ssyncadd.s32 $0xFFFFC000  }
0x63: {  	[tilespmem:s17], [sflag:$0x3] =	stream.indirect.gather [hbm4b:s2+s20], $0x80, s4, s20, $0xb8;
	[tilespmem:$0x1E500] =	vst v63  }
0x64: {  	s30 =	sand.u32 $0x7C00, s29;
	_ =	swait.ge [sflag:s24], $0x4000  }
0x65: {  	s29 =	sand.u32 $0x300, s29;
	s30 =	sadd.s32 s6, s30;
	[sflag:s24] =	ssyncset.done $0x0  }
0x66: {  	s8 =	sadd.s32 $0xFFFFFF80, s0;
	s29 =	sor.u32 s29, s30;
	[sflag:s24] =	ssyncadd.s32 $0xFFFFC000  }
0x67: {  	[spmem:s3] =	stream.indirect.scatter.add.f32 [tilespmem:s17], [sflag:$0x5], $0x80, s8, s20, $0xb8;
	[tilespmem:$0x1E500] =	vst v63  }
0x68: {  	s8 =	sshrl.u32 s29, $0x3  }
0x69: {  	s8 =	sadd.s32 s5, s8  }
0x6a: {  	[tilespmem:s4], [sflag:$0x1] =	stream.linear.gather [hbm4b:s8+s4], $0x80, $0x38;
	[tilespmem:$0x1E500] =	vst v63  }
0x6b: {  	_ =	swait.ge [sflag:s25], $0x80  }
0x6c: {  	[sflag:s25] =	ssyncset.done $0x0  }
0x6d: {  	[sflag:s25] =	ssyncadd.s32 $0xFFFFFF80  }
0x6e: {  	_ =	swait.ge [sflag:s26], $0x4000  }
0x6f: {  	[sflag:s26] =	ssyncset.done $0x0  }
0x70: {  	s8 =	sand.u32 $0x7C00, s1;
	[sflag:s26] =	ssyncadd.s32 $0xFFFFC000  }
0x71: {  	[tilespmem:s21], [sflag:$0x4] =	stream.indirect.gather [hbm4b:s2+s20], $0x80, s20, s20, $0xb8;
	[tilespmem:$0x1E500] =	vst v63  }
.Ltmp1:
0x72: {  	_ = 	snop;
	(pc) =	sbr.rel @p0 .LBB2_4-.Ltmp1, $4  }
0x73: {  	s1 =	sand.u32 $0x380, s1;
	s8 =	sadd.s32 s6, s8;
	_ =	swait.ge [sflag:s28], $0x4000  }
0x74: {  	s1 =	sor.u32 s1, s8;
	[sflag:s28] =	ssyncset.done $0x0  }
0x75: {  	s1 =	sshrl.u32 s1, $0x3;
	[sflag:s28] =	ssyncadd.s32 $0xFFFFC000  }
0x76: {  	[spmem:s3] =	stream.indirect.scatter.add.f32 [tilespmem:s21], [sflag:$0x6], $0x80, s0, s20, $0xb8;
	[tilespmem:$0x1E500] =	vst v63  }
0x77: {  	s0 =	sadd.s32 s5, s1  }
0x78: {  	[tilespmem:s20], [sflag:$0x2] =	stream.linear.gather [hbm4b:s0+s4], $0x80, $0x38;
	[tilespmem:$0x1E500] =	vst v63  }
0x79: {  	_ =	swait.ge [sflag:s22], $0x80  }
0x7a: {  	[sflag:s22] =	ssyncset.done $0x0  }
0x7b: {  	[sflag:s22] =	ssyncadd.s32 $0xFFFFFF80  }
0x7c: {  	_ =	swait.ge [sflag:s23], $0x4000  }
0x7d: {  	[sflag:s23] =	ssyncset.done $0x0  }
0x7e: {  	[sflag:s23] =	ssyncadd.s32 $0xFFFFC000  }
0x7f: {  	[tilespmem:s17], [sflag:$0x3] =	stream.indirect.gather [hbm4b:s2+s20], $0x80, s4, s20, $0xb8;
	[tilespmem:$0x1E500] =	vst v63  }
0x80: {  	_ =	swait.ge [sflag:s24], $0x4000  }
0x81: {  	[sflag:s24] =	ssyncset.done $0x0  }
0x82: {  	s8 =	simm.s32 $0x2800;
	[sflag:s24] =	ssyncadd.s32 $0xFFFFC000  }
0x83: {  	[spmem:s3] =	stream.indirect.scatter.add.f32 [tilespmem:s17], [sflag:$0x5], $0x80, s8, s20, $0xb8;
	[tilespmem:$0x1E500] =	vst v63  }
0x84: {  	_ = 	snop  }
0x85: {  	[tilespmem:s4], [sflag:$0x1] =	stream.linear.gather [hbm4b:s12+s4], $0x80, $0x38;
	[tilespmem:$0x1E500] =	vst v63  }
0x86: {  	_ =	swait.ge [sflag:s25], $0x80  }
0x87: {  	[sflag:s25] =	ssyncset.done $0x0  }
0x88: {  	[sflag:s25] =	ssyncadd.s32 $0xFFFFFF80  }
0x89: {  	_ =	swait.ge [sflag:s26], $0x4000  }
0x8a: {  	[sflag:s26] =	ssyncset.done $0x0  }
0x8b: {  	[sflag:s26] =	ssyncadd.s32 $0xFFFFC000  }
0x8c: {  	[tilespmem:s21], [sflag:$0x4] =	stream.indirect.gather [hbm4b:s2+s20], $0x80, s20, s20, $0xb8;
	[tilespmem:$0x1E500] =	vst v63  }
0x8d: {  	_ =	swait.ge [sflag:s28], $0x4000  }
0x8e: {  	[sflag:s28] =	ssyncset.done $0x0  }
0x8f: {  	s19 =	simm.s32 $0x2880;
	[sflag:s28] =	ssyncadd.s32 $0xFFFFC000  }
0x90: {  	[spmem:s3] =	stream.indirect.scatter.add.f32 [tilespmem:s21], [sflag:$0x6], $0x80, s19, s20, $0xb8;
	[tilespmem:$0x1E500] =	vst v63  }
0x91: {  	_ = 	snop  }
0x92: {  	[tilespmem:s20], [sflag:$0x2] =	stream.linear.gather [hbm4b:s12+s4], $0x80, $0x38;
	[tilespmem:$0x1E500] =	vst v63  }
0x93: {  	_ =	swait.ge [sflag:s23], $0x4000  }
0x94: {  	[sflag:s23] =	ssyncset.done $0x0  }
0x95: {  	[sflag:s23] =	ssyncadd.s32 $0xFFFFC000  }
0x96: {  	_ =	swait.ge [sflag:s22], $0x80  }
0x97: {  	[sflag:s22] =	ssyncset.done $0x0  }
0x98: {  	[sflag:s22] =	ssyncadd.s32 $0xFFFFFF80  }
0x99: {  	_ =	swait.ge [sflag:s26], $0x4000  }
0x9a: {  	[sflag:s26] =	ssyncset.done $0x0  }
0x9b: {  	[sflag:s26] =	ssyncadd.s32 $0xFFFFC000  }
0x9c: {  	s29 =	stileid.u32;
	_ =	swait.ge [sflag:s25], $0x80  }
0x9d: {  	s30 =	sshrl.u32 s7, $0x3;
	s31 =	sadd.s32 $0x1, s31;
	[sflag:s25] =	ssyncset.done $0x0  }
0x9e: {  	s0 =	sshll.u32 s29, $0x6;
	p0 =	sne.s32 s31, s16;
	[sflag:s25] =	ssyncadd.s32 $0xFFFFFF80  }
.Ltmp2:
0x9f: {  	s0 =	sor.u32 $0x1C07, s0;
	[bflag:$0x0] =	sbarrier.arrive $0xFFFF;
	(pc) =	sbr.rel @p0 .LBB2_1-.Ltmp2, $4  }
0xa0: {  	[hbm:s15], [sflag:s0] =	dma.local [spmem:s30], $0x2780  }
0xa1: {  	_ =	swait.ge [sflag:s18], $0x2780  }
0xa2: {  	[sflag:s18] =	ssyncset.done $0x0  }
0xa3: {  	[sflag:s18] =	ssyncadd.s32 $0xFFFFD880  }
0xa4: {  	_ =	sfence.sel $0x180000  }
0xa5: {  	[bflag:$0x0] =	sbarrier.arrive $0xFFFF  }
0xa6: {  	_ =	strace $0x9000004D  }
0xa7: {  	s0 =	stileid.u32;
	[bflag:$0x2] =	sbarrier.arrive $0xFFFF  }
0xa8: {  	p0 =	sne.s32 s0, $0x0;
	s0 =	rddreg [dreg:$0x3]  }
0xa9: {  	s0 =	sadd.s32 @!p0 $0x100000, s0  }
0xaa: {  	[sflag:s0] =	ssyncadd.tile.s32 @!p0 $0x1;
	_ =	shalt  }
.Lfunc_end2:
_tile_overlayer_lowered:
.L_overlay_start_2:
0xab: {  	(tag) =	ssettag $0x2  }
0xac: {  	s0 =	rddreg [dreg:$0x0];
	s2 =	stileid.u32  }
0xad: {  	s1 =	rddreg [dreg:$0x1];
	p0 =	sne.s32 s2, $0x0  }
0xae: {  	s3 =	rddreg [dreg:$0x2];
	[bflag:$0x3] =	sbarrier.arrive $0xFFFF;
	s2 =	simm.s32 @!p0 $0x1C07  }
0xaf: {  	[timem:s3], [sflag:s2] =	dma.local @!p0 [hbm:s0], s1  }
0xb0: {  	s0 =	simm.s32 @!p0 $0x7  }
0xb1: {  	_ =	swait.ge @!p0 [sflag:s0], s1  }
0xb2: {  	s1 =	ssub.s32 @!p0 $0x0, s1;
	[sflag:s0] =	ssyncset.done @!p0 $0x0  }
0xb3: {  	[sflag:s0] =	ssyncadd.s32 @!p0 s1  }
0xb4: {  	[bflag:$0x3] =	sbarrier.arrive $0xFFFF  }
0xb5: {  	_ =	shalt  }

// kernel: kernel.19.cloned.1.call-start
scs
__scs_entry_jumppad:
0x0: {  	(pc) =	sbr.rel $0x88, $3  }
0x1: {  	(tag) =	ssettag $0x0;
	lr =	simm.s32 $0x1  }
0x2: {  	[smem:$0x3F99] =	sst lr;
	_ =	strace $0xD0000000  }
0x3: {  	_ = 	snop  }
0x4: {  	_ = 	snop  }
0x5: {  	_ = 	snop  }
0x6: {  	_ = 	snop  }
0x7: {  	_ = 	snop  }
__scs_overlays_trampoline_lowered:
0x8: {  	[smem:$0x3FA8] =	sst s0  }
0x9: {  	[smem:$0x3FA9] =	sst s1  }
0xa: {  	[smem:$0x3FAA] =	sst s2  }
0xb: {  	[smem:$0x3FAB] =	sst s3  }
0xc: {  	[smem:$0x3FAC] =	sst s4  }
0xd: {  	[smem:$0x3FAD] =	sst s5  }
0xe: {  	[smem:$0x3FAE] =	sst s6  }
0xf: {  	[smem:$0x3FAF] =	sst s7  }
0x10: {  	[smem:$0x3FB0] =	sst s8  }
0x11: {  	[smem:$0x3FB1] =	sst s9;
	s0 =	simm.s32 @!p0 $0x0  }
0x12: {  	s1 =	sld [smem:$0x3F97];
	s0 =	simm.s32 @p0 $0x1  }
0x13: {  	[smem:$0x3FB2] =	sst s0;
	s0 =	simm.s32 @!p1 $0x0  }
0x14: {  	s2 =	sld [smem:$0x3F96];
	s0 =	simm.s32 @p1 $0x1  }
0x15: {  	[smem:$0x3FB3] =	sst s0;
	s0 =	simm.s32 @!p2 $0x0  }
0x16: {  	s3 =	sld [smem:$0x3FDB];
	s0 =	simm.s32 @p2 $0x1  }
0x17: {  	s4 =	simm.s32 $0x1BF5;
	[smem:$0x3FB5] =	sst s0  }
0x18: {  	s0 =	sld [smem:$0x3F98];
	_ =	swait.ge [sflag:s4], $0x0  }
0x19: {  	s7 =	sld [smem:$0x3F99]  }
0x1a: {  	s8 =	sadd.s32 $0xFFFFE003, lr  }
0x1b: {  	s9 =	sadd.s32 $0xFFFFFEF7, lr;
	s5 =	simm.s32 $0xFFFFFFFF;
	p2 =	slt.u32 s8, $0xFFFFF086  }
0x1c: {  	p1 =	slt.u32 s9, $0xF7A;
	s5 =	simm.s32 @!p2 $0x0  }
0x1d: {  	s5 =	simm.s32 @p1 $0x1;
	p0 =	seq.s32 s7, s2  }
0x1e: {  	s7 =	smul.u32 @!p0 $0xF7A, s2;
	p2 =	seq.s32 @!p0 s5, $0x0  }
0x1f: {  	s9 =	smul.u32 $0xF7A, s1;
	s8 =	simm.s32 @!p0 $0x1BF5;
	p2 =	por !p2, p0  }
0x20: {  	[sflag:s8] =	ssyncset.s32 @!p0 $0xFFFFF086;
	s6 =	sadd.s32 @!p0 s3, s7;
	s7 =	simm.s32 @!p0 $0x108  }
0x21: {  	s3 =	sadd.s32 s3, s9;
	s6 =	sadd.s32 @!p0 $0x88, s6;
	s7 =	simm.s32 @p2 $0x1082  }
0x22: {  	[simem:s7], [sflag:s8] =	dma.local @!p0 [hbm:s6], $0xF7A  }
0x23: {  	s9 =	sor.u32 $0xD0000000, s2;
	s6 =	simm.s32 $0x108;
	_ =	swait.ge @!p0 [sflag:s8], $0x0  }
0x24: {  	s3 =	sadd.s32 $0x88, s3;
	s6 =	simm.s32 @!p1 $0x1082;
	[sflag:s4] =	ssyncset.s32 $0xFFFFF086  }
0x25: {  	[simem:s6], [sflag:s4] =	dma.local [hbm:s3], $0xF7A  }
0x26: {  	[smem:$0x3F99] =	sst s1;
	(tag) =	ssettag s2;
	_ =	strace s9  }
0x27: {  	s1 =	sld [smem:$0x3FA9]  }
0x28: {  	s2 =	sld [smem:$0x3FAA]  }
0x29: {  	s4 =	sld [smem:$0x3FAC]  }
0x2a: {  	p0 =	seq.s32 s5, $0x0;
	s5 =	sld [smem:$0x3FAD]  }
0x2b: {  	s6 =	sld [smem:$0x3FAE]  }
0x2c: {  	s7 =	sld [smem:$0x3FAF]  }
0x2d: {  	s3 =	simm.s32 $0x108;
	s8 =	sld [smem:$0x3FB0]  }
0x2e: {  	s3 =	simm.s32 @!p0 $0x1082;
	s9 =	sld [smem:$0x3FB1]  }
0x2f: {  	lr =	sadd.s32 s0, s3;
	s0 =	sld [smem:$0x3FA8]  }
0x30: {  	s3 =	sld [smem:$0x3FAB]  }
0x31: {  	[smem:$0x3FB4] =	sst s10  }
0x32: {  	s10 =	sld [smem:$0x3FB2];
	_ =	sdelay $0x3  }
0x33: {  	p0 =	seq.s32 s10, $0x1;
	s10 =	sld [smem:$0x3FB4];
	_ =	sdelay $0x3  }
0x34: {  	[smem:$0x3FB4] =	sst s10  }
0x35: {  	s10 =	sld [smem:$0x3FB3];
	_ =	sdelay $0x3  }
0x36: {  	p1 =	seq.s32 s10, $0x1;
	s10 =	sld [smem:$0x3FB4];
	_ =	sdelay $0x3  }
0x37: {  	[smem:$0x3FB4] =	sst s10  }
0x38: {  	s10 =	sld [smem:$0x3FB5]  }
0x39: {  	_ = 	snop;
	(pc) =	sbr.ind lr, $3  }
0x3a: {  	_ = 	snop  }
0x3b: {  	_ = 	snop  }
0x3c: {  	p2 =	seq.s32 s10, $0x1;
	s10 =	sld [smem:$0x3FB4]  }
0x3d: {  	_ =	shalt  }
0x3e: {  	_ =	shalt  }
0x3f: {  	_ =	shalt  }
0x40: {  	_ =	shalt  }
0x41: {  	_ =	shalt  }
0x42: {  	_ =	shalt  }
0x43: {  	_ =	shalt  }
0x44: {  	_ =	shalt  }
0x45: {  	_ =	shalt  }
0x46: {  	_ =	shalt  }
0x47: {  	_ =	shalt  }
0x48: {  	_ =	shalt  }
0x49: {  	_ =	shalt  }
0x4a: {  	_ =	shalt  }
0x4b: {  	_ =	shalt  }
0x4c: {  	_ =	shalt  }
0x4d: {  	_ =	shalt  }
0x4e: {  	_ =	shalt  }
0x4f: {  	_ =	shalt  }
0x50: {  	_ =	shalt  }
0x51: {  	_ =	shalt  }
0x52: {  	_ =	shalt  }
0x53: {  	_ =	shalt  }
0x54: {  	_ =	shalt  }
0x55: {  	_ =	shalt  }
0x56: {  	_ =	shalt  }
0x57: {  	_ =	shalt  }
0x58: {  	_ =	shalt  }
0x59: {  	_ =	shalt  }
0x5a: {  	_ =	shalt  }
0x5b: {  	_ =	shalt  }
0x5c: {  	_ =	shalt  }
0x5d: {  	_ =	shalt  }
0x5e: {  	_ =	shalt  }
0x5f: {  	_ =	shalt  }
0x60: {  	_ =	shalt  }
0x61: {  	_ =	shalt  }
0x62: {  	_ =	shalt  }
0x63: {  	_ =	shalt  }
0x64: {  	_ =	shalt  }
0x65: {  	_ =	shalt  }
0x66: {  	_ =	shalt  }
0x67: {  	_ =	shalt  }
0x68: {  	_ =	shalt  }
0x69: {  	_ =	shalt  }
0x6a: {  	_ =	shalt  }
0x6b: {  	_ =	shalt  }
0x6c: {  	_ =	shalt  }
0x6d: {  	_ =	shalt  }
0x6e: {  	_ =	shalt  }
0x6f: {  	_ =	shalt  }
0x70: {  	_ =	shalt  }
0x71: {  	_ =	shalt  }
0x72: {  	_ =	shalt  }
0x73: {  	_ =	shalt  }
0x74: {  	_ =	shalt  }
0x75: {  	_ =	shalt  }
0x76: {  	_ =	shalt  }
0x77: {  	_ =	shalt  }
0x78: {  	_ =	shalt  }
0x79: {  	_ =	shalt  }
0x7a: {  	_ =	shalt  }
0x7b: {  	_ =	shalt  }
0x7c: {  	_ =	shalt  }
0x7d: {  	_ =	shalt  }
0x7e: {  	_ =	shalt  }
0x7f: {  	_ =	shalt  }
0x80: {  	_ =	shalt  }
0x81: {  	_ =	shalt  }
0x82: {  	_ =	shalt  }
0x83: {  	_ =	shalt  }
0x84: {  	_ =	shalt  }
0x85: {  	_ =	shalt  }
0x86: {  	_ =	shalt  }
0x87: {  	_ =	shalt  }
.Lfunc_end0:
.L_simem_size_0:
called_computation.3_lowered:
.L_overlay_start_0:
0x88: {  	s2 =	sld [smem:$0x3FD9]  }
0x89: {  	s3 =	sld [smem:$0x3FFE];
	_ =	sdelay $0x1  }
0x8a: {  	s1 =	srdreg.scid  }
0x8b: {  	s0 =	sand.u32 $0x1, s1  }
0x8c: {  	s17 =	sshll.u32 s0, $0xA;
	s2 =	sadd.s32 s3, s2  }
0x8d: {  	s2 =	sadd.s32 s2, s17  }
0x8e: {  	[smem:$0x3FC0] =	sst s2  }
0x8f: {  	_ = 	snop  }
0x90: {  	s2 =	sld [smem:$0x3FD0];
	(tm) =	ssettm $0x1  }
0x91: {  	s18 =	sld [smem:$0x3FFB];
	_ =	sdelay $0x3  }
0x92: {  	_ =	strace s18  }
0x93: {  	s3 =	sld [smem:$0x3FFC];
	_ =	sdelay $0x3  }
0x94: {  	_ =	strace s3  }
0x95: {  	s3 =	sld [smem:$0x3FFD];
	_ =	sdelay $0x3  }
0x96: {  	_ =	strace s3  }
0x97: {  	_ =	strace $0x8FFFFFFF  }
0x98: {  	s19 =	sld [smem:$0x3FDB];
	_ =	sdelay $0x1  }
0x99: {  	s4 =	simm.s32 $_scs_section_size  }
0x9a: {  	s5 =	simm.s32 $_size__tile_overlayer_lowered;
	s6 =	simm.s32 $_tile_overlayer_lowered  }
0x9b: {  	s22 =	simm.s32 $0x1BFF;
	s21 =	sshll.u32 s6, $0x1;
	s3 =	sadd.s32 s4, s19  }
0x9c: {  	s7 =	simm.s32 $0x0;
	s20 =	sshll.u32 s5, $0x1;
	s5 =	sadd.s32 s21, s3  }
0x9d: {  	[timem:s7], [sflag:s22] =	dma.local [hbm:s5], s20  }
0x9e: {  	_ =	swait.ge [sflag:s22], s20  }
0x9f: {  	s4 =	ssub.s32 $0x0, s20;
	[sflag:s22] =	ssyncset.done $0x0  }
0xa0: {  	[sflag:s22] =	ssyncadd.s32 s4;
	_ =	sdelay $0x1  }
0xa1: {  	s23 =	simm.s32 $0x1B8B  }
0xa2: {  	_ =	swait.ge [sflag:s23], $0x1  }
0xa3: {  	[sflag:s23] =	ssyncset.done $0x0  }
0xa4: {  	s25 =	simm.s32 $0x1B8E;
	s24 =	sld [smem:$0x3FFE];
	[sflag:s23] =	ssyncadd.s32 $0xFFFFFFFF  }
0xa5: {  	s26 =	simm.s32 $execute0_lowered;
	[smem:$0x3FD2] =	sst s25  }
0xa6: {  	s5 =	sshll.u32 s26, $0x1;
	_ =	strace $0x8000004F;
	[dreg:$0x1] =	wrdreg $0xFFFFFFFF  }
0xa7: {  	s28 =	simm.s32 $_size_execute0_lowered;
	s3 =	sadd.s32 s3, s5;
	[dreg:$0x0] =	wrdreg $0x0  }
0xa8: {  	s5 =	sshll.u32 s28, $0x1;
	[dreg:$0x2] =	wrdreg s3  }
0xa9: {  	[dreg:$0x3] =	wrdreg s5  }
0xaa: {  	[dreg:$0x4] =	wrdreg $0xC0  }
0xab: {  	_ =	task [dreg:s7], $0x5FFFF  }
0xac: {  	[dreg:$0x1] =	wrdreg $0xFFFFFFFF  }
0xad: {  	[dreg:$0x0] =	wrdreg $0x60  }
0xae: {  	[dreg:$0x2] =	wrdreg s2  }
0xaf: {  	[dreg:$0x3] =	wrdreg s24  }
0xb0: {  	[dreg:$0x4] =	wrdreg $0xA9000  }
0xb1: {  	[dreg:$0x5] =	wrdreg $0x9  }
0xb2: {  	_ =	task.clear_ibuf [dreg:s7], $0x6FFFF;
	_ =	strace $0x9000004F  }
0xb3: {  	s29 =	simm.s32 $0x9;
	_ =	strace $0x80000051  }
0xb4: {  	_ =	swait.ge [sflag:s29], $0x1  }
0xb5: {  	[sflag:s29] =	ssyncadd.s32 $0xFFFFFFFF  }
0xb6: {  	_ =	strace $0x90000051  }
0xb7: {  	_ =	sfence  }
0xb8: {  	s30 =	sld [smem:$0x0];
	_ =	sdelay $0x2  }
0xb9: {  	s31 =	sshll.u32 s1, $0xD;
	s1 =	sshrl.u32 s1, $0x2  }
0xba: {  	s3 =	sand.u32 $0x4000, s31;
	s1 =	sadd.s32 s1, s30  }
0xbb: {  	s0 =	sor.u32 s3, s0;
	s1 =	sshll.u32 s1, $0x11  }
0xbc: {  	s0 =	sor.u32 s1, s0  }
0xbd: {  	s0 =	sadd.s32 $0x8F2B, s0  }
0xbe: {  	[sflag:s0] =	ssyncadd.remote.s32 $0x1  }
0xbf: {  	_ =	sfence.sel $0xFFFF  }
0xc0: {  	[dreg:$0x0] =	wrdreg $0xFFFFFFFF;
	(pc) =	sbr.abs _section_cstart, $3  }
0xc1: {  	[dreg:$0x1] =	wrdreg $0xFFFFFFFF  }
0xc2: {  	_ =	task.clear_ibuf [dreg:s7], $0x2FFFF;
	_ =	strace $0x9FFFFFFF  }
0xc3: {  	(tm) =	ssettm $0x7FFFFFFF  }
tec
execute0_lowered:
.L_overlay_start_1:
0x0: {  	(tag) =	ssettag $0x1  }
0x1: {  	s2 =	rddreg [dreg:$0x0]  }
0x2: {  	s0 =	rddreg [dreg:$0x1]  }
0x3: {  	s3 =	rddreg [dreg:$0x2];
	s11 =	stileid.u32;
	s4 =	simm.s32 $0x0  }
0x4: {  	s5 =	srdreg.scid;
	s17 =	simm.s32 $0x2900;
	s18 =	simm.s32 $0x7  }
0x5: {  	s20 =	simm.s32 $0x80;
	s21 =	simm.s32 $0x6900;
	s22 =	simm.s32 $0x1  }
0x6: {  	s23 =	simm.s32 $0x5;
	s24 =	simm.s32 $0x3;
	s1 =	smul.u32 $0x500, s11  }
0x7: {  	s28 =	simm.s32 $0x4;
	s31 =	simm.s32 $0x0;
	s7 =	smul.u32 $0x2780, s11  }
0x8: {  	[smem:$0x7FF] =	sst s4;
	s6 =	sand.u32 $0x1, s5;
	s10 =	smul.u32 $0x4F000, s11  }
0x9: {  	s5 =	sadd.s32 $0xCA00, s0;
	_ =	strace $0x80000050;
	s8 =	smul.u32 $0x27800, s6  }
0xa: {  	s9 =	sshll.u32 s6, $0x4;
	s25 =	ssub.s32 $0x2, s6;
	s1 =	sadd.s32 s1, s0  }
0xb: {  	s26 =	sor.u32 s11, s9;
	s29 =	sshrl.u32 s25, $0x1;
	s10 =	sshrl.u32 s10, $0x2  }
0xc: {  	s7 =	sadd.s32 s7, s8;
	s6 =	smul.u32 $0x2800, s26;
	s16 =	ssub.s32 s25, s29  }
0xd: {  	s13 =	sadd.s32 $0x2A00, s1;
	s25 =	simm.s32 $0x2;
	s26 =	simm.s32 $0x6  }
0xe: {  	s0 =	sadd.s32 s7, s0;
	s7 =	sadd.s32 s10, s3;
	s16 =	smax.u32 s16, $0x1  }
0xf: {  	s30 =	sadd.s32 $0x4000, s7;
	s9 =	sadd.s32 $0x8000, s7;
	s12 =	sshrl.u32 s6, $0x3  }
0x10: {  	s10 =	sadd.s32 $0xC000, s7;
	s11 =	sadd.s32 $0x10000, s7;
	s12 =	sadd.s32 s5, s12  }
0x11: {  	v0 =	vimm.f32 $0.0e+00;
	s15 =	sadd.s32 $0x16A00, s0;
	[dreg:$0x4] =	wrdreg s30;
	s14 =	sadd.s32 $0x10, s12  }
.LBB2_1:
0x12: {  	s0 =	simm.s32 $0x0;
	s19 =	simm.s32 $0x200  }
.LBB2_2:
0x13: {  	p0 =	sne.s32 s19, $0xFE00;
	[tilespmem:s0+$0x2970] =	vst v0  }
0x14: {  	[tilespmem:s0+$0x2900] =	vst v0  }
0x15: {  	[tilespmem:s0+$0x2910] =	vst v0  }
.Ltmp0:
0x16: {  	[tilespmem:s0+$0x2920] =	vst v0;
	(pc) =	sbr.rel @p0 .LBB2_2-.Ltmp0, $4  }
0x17: {  	[tilespmem:s0+$0x2930] =	vst v0  }
0x18: {  	[tilespmem:s0+$0x2940] =	vst v0  }
0x19: {  	[tilespmem:s0+$0x2950] =	vst v0  }
0x1a: {  	[tilespmem:s0+$0x2960] =	vst v0;
	s0 =	sshra.s32 s19, $0x2;
	s19 =	sadd.s32 $0x200, s19  }
0x1b: {  	[tilespmem:s0+$0x2970] =	vst v0  }
0x1c: {  	[tilespmem:s0+$0x2900] =	vst v0  }
0x1d: {  	[tilespmem:s0+$0x2910] =	vst v0  }
0x1e: {  	[tilespmem:s0+$0x2920] =	vst v0  }
0x1f: {  	[tilespmem:s0+$0x2930] =	vst v0  }
0x20: {  	[tilespmem:s0+$0x2940] =	vst v0  }
0x21: {  	[tilespmem:s0+$0x2950] =	vst v0  }
0x22: {  	[tilespmem:s0+$0x2960] =	vst v0  }
0x23: {  	[spmem:s7] =	stream.linear.scatter [tilespmem:s17], [sflag:$0x7], $0x4000, $0x38;
	[tilespmem:$0x1E500] =	vst v63  }
0x24: {  	_ =	swait.ge [sflag:s18], $0x4000  }
0x25: {  	[sflag:s18] =	ssyncset.done $0x0  }
0x26: {  	s1 =	rddreg [dreg:$0x4];
	[sflag:s18] =	ssyncadd.s32 $0xFFFFC000  }
0x27: {  	[spmem:s1] =	stream.linear.scatter [tilespmem:s17], [sflag:$0x7], $0x4000, $0x38;
	[tilespmem:$0x1E500] =	vst v63  }
0x28: {  	_ =	swait.ge [sflag:s18], $0x4000  }
0x29: {  	[sflag:s18] =	ssyncset.done $0x0  }
0x2a: {  	[sflag:s18] =	ssyncadd.s32 $0xFFFFC000  }
0x2b: {  	[spmem:s9] =	stream.linear.scatter [tilespmem:s17], [sflag:$0x7], $0x4000, $0x38;
	[tilespmem:$0x1E500] =	vst v63  }
0x2c: {  	_ =	swait.ge [sflag:s18], $0x4000  }
0x2d: {  	[sflag:s18] =	ssyncset.done $0x0  }
0x2e: {  	[sflag:s18] =	ssyncadd.s32 $0xFFFFC000  }
0x2f: {  	[spmem:s10] =	stream.linear.scatter [tilespmem:s17], [sflag:$0x7], $0x4000, $0x38;
	[tilespmem:$0x1E500] =	vst v63  }
0x30: {  	_ =	swait.ge [sflag:s18], $0x4000  }
0x31: {  	[sflag:s18] =	ssyncset.done $0x0  }
0x32: {  	[sflag:s18] =	ssyncadd.s32 $0xFFFFC000  }
0x33: {  	[spmem:s11] =	stream.linear.scatter [tilespmem:s17], [sflag:$0x7], $0x3C00, $0x38;
	[tilespmem:$0x1E500] =	vst v63  }
0x34: {  	_ =	swait.ge [sflag:s18], $0x3C00  }
0x35: {  	[sflag:s18] =	ssyncset.done $0x0  }
0x36: {  	s8 =	simm.s32 $0x100;
	[sflag:s18] =	ssyncadd.s32 $0xFFFFC400  }
0x37: {  	[tilespmem:s8], [sflag:$0x7] =	stream.linear.gather [hbm4b:s13+s4], $0x2800, $0x38;
	[tilespmem:$0x1E500] =	vst v63  }
0x38: {  	_ =	swait.ge [sflag:s18], $0x2800  }
0x39: {  	[sflag:s18] =	ssyncset.done $0x0  }
0x3a: {  	[sflag:s18] =	ssyncadd.s32 $0xFFFFD800  }
0x3b: {  	[bflag:$0x0] =	sbarrier.arrive $0xFFFF  }
0x3c: {  	[tilespmem:s4], [sflag:$0x1] =	stream.linear.gather [hbm4b:s12+s4], $0x80, $0x38;
	[tilespmem:$0x1E500] =	vst v63  }
0x3d: {  	_ = 	snop  }
0x3e: {  	[tilespmem:s20], [sflag:$0x2] =	stream.linear.gather [hbm4b:s14+s4], $0x80, $0x38;
	[tilespmem:$0x1E500] =	vst v63  }
0x3f: {  	_ = 	snop  }
0x40: {  	[tilespmem:s17], [sflag:$0x5] =	stream.linear.gather [hbm4b:s2+s4], $0x4000, $0x38;
	[tilespmem:$0x1E500] =	vst v63  }
0x41: {  	_ = 	snop  }
0x42: {  	[tilespmem:s21], [sflag:$0x6] =	stream.linear.gather [hbm4b:s2+s4], $0x4000, $0x38;
	[tilespmem:$0x1E500] =	vst v63  }
0x43: {  	_ =	swait.ge [sflag:s22], $0x80  }
0x44: {  	[sflag:s22] =	ssyncset.done $0x0  }
0x45: {  	[sflag:s22] =	ssyncadd.s32 $0xFFFFFF80  }
0x46: {  	_ =	swait.ge [sflag:s23], $0x4000  }
0x47: {  	s19 =	simm.s32 $0x100;
	[sflag:s23] =	ssyncset.done $0x0  }
0x48: {  	s1 =	sand.u32 $0x7C00, s19;
	[sflag:s23] =	ssyncadd.s32 $0xFFFFC000  }
0x49: {  	[tilespmem:s17], [sflag:$0x3] =	stream.indirect.gather [hbm4b:s2+s20], $0x80, s4, s20, $0xb8;
	[tilespmem:$0x1E500] =	vst v63  }
0x4a: {  	s0 =	sand.u32 $0x300, s19;
	s1 =	sadd.s32 s6, s1;
	_ =	swait.ge [sflag:s24], $0x4000  }
0x4b: {  	s0 =	sor.u32 s0, s1;
	[sflag:s24] =	ssyncset.done $0x0  }
0x4c: {  	s19 =	simm.s32 $0x100;
	s0 =	sshrl.u32 s0, $0x3;
	[sflag:s24] =	ssyncadd.s32 $0xFFFFC000  }
0x4d: {  	[spmem:s3] =	stream.indirect.scatter.add.f32 [tilespmem:s17], [sflag:$0x5], $0x80, s19, s20, $0xb8;
	[tilespmem:$0x1E500] =	vst v63  }
0x4e: {  	s0 =	sadd.s32 s5, s0  }
0x4f: {  	[tilespmem:s4], [sflag:$0x1] =	stream.linear.gather [hbm4b:s0+s4], $0x80, $0x38;
	[tilespmem:$0x1E500] =	vst v63  }
0x50: {  	_ =	swait.ge [sflag:s25], $0x80  }
0x51: {  	[sflag:s25] =	ssyncset.done $0x0  }
0x52: {  	[sflag:s25] =	ssyncadd.s32 $0xFFFFFF80  }
0x53: {  	_ =	swait.ge [sflag:s26], $0x4000  }
0x54: {  	s0 =	simm.s32 $0x180;
	[sflag:s26] =	ssyncset.done $0x0  }
0x55: {  	s29 =	sand.u32 $0x7C00, s0;
	[sflag:s26] =	ssyncadd.s32 $0xFFFFC000  }
0x56: {  	[tilespmem:s21], [sflag:$0x4] =	stream.indirect.gather [hbm4b:s2+s20], $0x80, s20, s20, $0xb8;
	[tilespmem:$0x1E500] =	vst v63  }
0x57: {  	s30 =	sand.u32 $0x380, s0;
	s1 =	sadd.s32 s6, s29;
	_ =	swait.ge [sflag:s28], $0x4000  }
0x58: {  	s1 =	sor.u32 s30, s1;
	[sflag:s28] =	ssyncset.done $0x0  }
0x59: {  	s19 =	simm.s32 $0x280;
	s1 =	sshrl.u32 s1, $0x3;
	[sflag:s28] =	ssyncadd.s32 $0xFFFFC000  }
0x5a: {  	[spmem:s3] =	stream.indirect.scatter.add.f32 [tilespmem:s21], [sflag:$0x6], $0x80, s0, s20, $0xb8;
	[tilespmem:$0x1E500] =	vst v63  }
.LBB2_4:
0x5b: {  	p0 =	sne.s32 s19, $0x2780;
	s1 =	sadd.s32 s5, s1;
	s0 =	sadd.s32 $0x100, s0  }
0x5c: {  	[tilespmem:s20], [sflag:$0x2] =	stream.linear.gather [hbm4b:s1+s4], $0x80, $0x38;
	[tilespmem:$0x1E500] =	vst v63  }
0x5d: {  	s1 =	smov.u32 s19;
	s19 =	sadd.s32 $0x100, s19;
	_ =	swait.ge [sflag:s22], $0x80  }
0x5e: {  	[sflag:s22] =	ssyncset.done $0x0  }
0x5f: {  	[sflag:s22] =	ssyncadd.s32 $0xFFFFFF80  }
0x60: {  	_ =	swait.ge [sflag:s23], $0x4000  }
0x61: {  	[sflag:s23] =	ssyncset.done $0x0  }
0x62: {  	s29 =	sadd.s32 $0xFFFFFF80, s1;
	[sflag:s23] =	ssyncadd.s32 $0xFFFFC000  }
0x63: {  	[tilespmem:s17], [sflag:$0x3] =	stream.indirect.gather [hbm4b:s2+s20], $0x80, s4, s20, $0xb8;
	[tilespmem:$0x1E500] =	vst v63  }
0x64: {  	s30 =	sand.u32 $0x7C00, s29;
	_ =	swait.ge [sflag:s24], $0x4000  }
0x65: {  	s29 =	sand.u32 $0x300, s29;
	s30 =	sadd.s32 s6, s30;
	[sflag:s24] =	ssyncset.done $0x0  }
0x66: {  	s8 =	sadd.s32 $0xFFFFFF80, s0;
	s29 =	sor.u32 s29, s30;
	[sflag:s24] =	ssyncadd.s32 $0xFFFFC000  }
0x67: {  	[spmem:s3] =	stream.indirect.scatter.add.f32 [tilespmem:s17], [sflag:$0x5], $0x80, s8, s20, $0xb8;
	[tilespmem:$0x1E500] =	vst v63  }
0x68: {  	s8 =	sshrl.u32 s29, $0x3  }
0x69: {  	s8 =	sadd.s32 s5, s8  }
0x6a: {  	[tilespmem:s4], [sflag:$0x1] =	stream.linear.gather [hbm4b:s8+s4], $0x80, $0x38;
	[tilespmem:$0x1E500] =	vst v63  }
0x6b: {  	_ =	swait.ge [sflag:s25], $0x80  }
0x6c: {  	[sflag:s25] =	ssyncset.done $0x0  }
0x6d: {  	[sflag:s25] =	ssyncadd.s32 $0xFFFFFF80  }
0x6e: {  	_ =	swait.ge [sflag:s26], $0x4000  }
0x6f: {  	[sflag:s26] =	ssyncset.done $0x0  }
0x70: {  	s8 =	sand.u32 $0x7C00, s1;
	[sflag:s26] =	ssyncadd.s32 $0xFFFFC000  }
0x71: {  	[tilespmem:s21], [sflag:$0x4] =	stream.indirect.gather [hbm4b:s2+s20], $0x80, s20, s20, $0xb8;
	[tilespmem:$0x1E500] =	vst v63  }
.Ltmp1:
0x72: {  	_ = 	snop;
	(pc) =	sbr.rel @p0 .LBB2_4-.Ltmp1, $4  }
0x73: {  	s1 =	sand.u32 $0x380, s1;
	s8 =	sadd.s32 s6, s8;
	_ =	swait.ge [sflag:s28], $0x4000  }
0x74: {  	s1 =	sor.u32 s1, s8;
	[sflag:s28] =	ssyncset.done $0x0  }
0x75: {  	s1 =	sshrl.u32 s1, $0x3;
	[sflag:s28] =	ssyncadd.s32 $0xFFFFC000  }
0x76: {  	[spmem:s3] =	stream.indirect.scatter.add.f32 [tilespmem:s21], [sflag:$0x6], $0x80, s0, s20, $0xb8;
	[tilespmem:$0x1E500] =	vst v63  }
0x77: {  	s0 =	sadd.s32 s5, s1  }
0x78: {  	[tilespmem:s20], [sflag:$0x2] =	stream.linear.gather [hbm4b:s0+s4], $0x80, $0x38;
	[tilespmem:$0x1E500] =	vst v63  }
0x79: {  	_ =	swait.ge [sflag:s22], $0x80  }
0x7a: {  	[sflag:s22] =	ssyncset.done $0x0  }
0x7b: {  	[sflag:s22] =	ssyncadd.s32 $0xFFFFFF80  }
0x7c: {  	_ =	swait.ge [sflag:s23], $0x4000  }
0x7d: {  	[sflag:s23] =	ssyncset.done $0x0  }
0x7e: {  	[sflag:s23] =	ssyncadd.s32 $0xFFFFC000  }
0x7f: {  	[tilespmem:s17], [sflag:$0x3] =	stream.indirect.gather [hbm4b:s2+s20], $0x80, s4, s20, $0xb8;
	[tilespmem:$0x1E500] =	vst v63  }
0x80: {  	_ =	swait.ge [sflag:s24], $0x4000  }
0x81: {  	[sflag:s24] =	ssyncset.done $0x0  }
0x82: {  	s8 =	simm.s32 $0x2800;
	[sflag:s24] =	ssyncadd.s32 $0xFFFFC000  }
0x83: {  	[spmem:s3] =	stream.indirect.scatter.add.f32 [tilespmem:s17], [sflag:$0x5], $0x80, s8, s20, $0xb8;
	[tilespmem:$0x1E500] =	vst v63  }
0x84: {  	_ = 	snop  }
0x85: {  	[tilespmem:s4], [sflag:$0x1] =	stream.linear.gather [hbm4b:s12+s4], $0x80, $0x38;
	[tilespmem:$0x1E500] =	vst v63  }
0x86: {  	_ =	swait.ge [sflag:s25], $0x80  }
0x87: {  	[sflag:s25] =	ssyncset.done $0x0  }
0x88: {  	[sflag:s25] =	ssyncadd.s32 $0xFFFFFF80  }
0x89: {  	_ =	swait.ge [sflag:s26], $0x4000  }
0x8a: {  	[sflag:s26] =	ssyncset.done $0x0  }
0x8b: {  	[sflag:s26] =	ssyncadd.s32 $0xFFFFC000  }
0x8c: {  	[tilespmem:s21], [sflag:$0x4] =	stream.indirect.gather [hbm4b:s2+s20], $0x80, s20, s20, $0xb8;
	[tilespmem:$0x1E500] =	vst v63  }
0x8d: {  	_ =	swait.ge [sflag:s28], $0x4000  }
0x8e: {  	[sflag:s28] =	ssyncset.done $0x0  }
0x8f: {  	s19 =	simm.s32 $0x2880;
	[sflag:s28] =	ssyncadd.s32 $0xFFFFC000  }
0x90: {  	[spmem:s3] =	stream.indirect.scatter.add.f32 [tilespmem:s21], [sflag:$0x6], $0x80, s19, s20, $0xb8;
	[tilespmem:$0x1E500] =	vst v63  }
0x91: {  	_ = 	snop  }
0x92: {  	[tilespmem:s20], [sflag:$0x2] =	stream.linear.gather [hbm4b:s12+s4], $0x80, $0x38;
	[tilespmem:$0x1E500] =	vst v63  }
0x93: {  	_ =	swait.ge [sflag:s23], $0x4000  }
0x94: {  	[sflag:s23] =	ssyncset.done $0x0  }
0x95: {  	[sflag:s23] =	ssyncadd.s32 $0xFFFFC000  }
0x96: {  	_ =	swait.ge [sflag:s22], $0x80  }
0x97: {  	[sflag:s22] =	ssyncset.done $0x0  }
0x98: {  	[sflag:s22] =	ssyncadd.s32 $0xFFFFFF80  }
0x99: {  	_ =	swait.ge [sflag:s26], $0x4000  }
0x9a: {  	[sflag:s26] =	ssyncset.done $0x0  }
0x9b: {  	[sflag:s26] =	ssyncadd.s32 $0xFFFFC000  }
0x9c: {  	s29 =	stileid.u32;
	_ =	swait.ge [sflag:s25], $0x80  }
0x9d: {  	s30 =	sshrl.u32 s7, $0x3;
	s31 =	sadd.s32 $0x1, s31;
	[sflag:s25] =	ssyncset.done $0x0  }
0x9e: {  	s0 =	sshll.u32 s29, $0x6;
	p0 =	sne.s32 s31, s16;
	[sflag:s25] =	ssyncadd.s32 $0xFFFFFF80  }
.Ltmp2:
0x9f: {  	s0 =	sor.u32 $0x1C07, s0;
	[bflag:$0x0] =	sbarrier.arrive $0xFFFF;
	(pc) =	sbr.rel @p0 .LBB2_1-.Ltmp2, $4  }
0xa0: {  	[hbm:s15], [sflag:s0] =	dma.local [spmem:s30], $0x2780  }
0xa1: {  	_ =	swait.ge [sflag:s18], $0x2780  }
0xa2: {  	[sflag:s18] =	ssyncset.done $0x0  }
0xa3: {  	[sflag:s18] =	ssyncadd.s32 $0xFFFFD880  }
0xa4: {  	_ =	sfence.sel $0x180000  }
0xa5: {  	[bflag:$0x0] =	sbarrier.arrive $0xFFFF  }
0xa6: {  	_ =	strace $0x90000050  }
0xa7: {  	s0 =	stileid.u32;
	[bflag:$0x2] =	sbarrier.arrive $0xFFFF  }
0xa8: {  	p0 =	sne.s32 s0, $0x0;
	s0 =	rddreg [dreg:$0x3]  }
0xa9: {  	s0 =	sadd.s32 @!p0 $0x100000, s0  }
0xaa: {  	[sflag:s0] =	ssyncadd.tile.s32 @!p0 $0x1;
	_ =	shalt  }
.Lfunc_end2:
_tile_overlayer_lowered:
.L_overlay_start_2:
0xab: {  	(tag) =	ssettag $0x2  }
0xac: {  	s0 =	rddreg [dreg:$0x0];
	s2 =	stileid.u32  }
0xad: {  	s1 =	rddreg [dreg:$0x1];
	p0 =	sne.s32 s2, $0x0  }
0xae: {  	s3 =	rddreg [dreg:$0x2];
	[bflag:$0x3] =	sbarrier.arrive $0xFFFF;
	s2 =	simm.s32 @!p0 $0x1C07  }
0xaf: {  	[timem:s3], [sflag:s2] =	dma.local @!p0 [hbm:s0], s1  }
0xb0: {  	s0 =	simm.s32 @!p0 $0x7  }
0xb1: {  	_ =	swait.ge @!p0 [sflag:s0], s1  }
0xb2: {  	s1 =	ssub.s32 @!p0 $0x0, s1;
	[sflag:s0] =	ssyncset.done @!p0 $0x0  }
0xb3: {  	[sflag:s0] =	ssyncadd.s32 @!p0 s1  }
0xb4: {  	[bflag:$0x3] =	sbarrier.arrive $0xFFFF  }
0xb5: {  	_ =	shalt  }

</sc_bundles>
